<compile_context>
chip_gen: v7x
topology: tpu7x:2x2x1
jax: 0.10.2.dev20260603
libtpu: 0.0.44.dev20260713+nightly
codegen_flags: <defaults>
</compile_context>

<pallas_src>
import functools
import jax
import jax.numpy as jnp
from jax import lax
from jax.experimental import pallas as pl
from jax.experimental.pallas import tpu as pltpu
from jax.experimental.pallas import tpu_sc as plsc

_KNN = 10
_HID = 128
_N0 = 4096
_N1 = 4096
_N = _N0 + _N1
_DUMP = _N
_NACC = _N + 16
_RB = 256
_NBLK = _N // _RB

_NTILES = 32
_RPT = _N // _NTILES
_CH = 128


def _topk_body(emb_row_ref, emb_col_ref, idxt_ref):
    rows = emb_row_ref[...]
    cols = emb_col_ref[...]
    vr = rows / (jnp.sqrt(jnp.sum(rows * rows, axis=1, keepdims=True)) + 1e-12)
    vc = cols / (jnp.sqrt(jnp.sum(cols * cols, axis=1, keepdims=True)) + 1e-12)
    sims = jax.lax.dot_general(
        vr, vc, (((1,), (1,)), ((), ())), preferred_element_type=jnp.float32
    )
    col_iota = jax.lax.broadcasted_iota(jnp.int32, (_RB, _N1), 1)
    col_off = jnp.where(pl.program_id(0) < (_N0 // _RB), _N0, 0).astype(jnp.int32)
    npos = jnp.sum((sims > 0.0).astype(jnp.float32), axis=1)
    dsts = []
    for j in range(_KNN):
        am = jnp.argmax(sims, axis=1).astype(jnp.int32)
        eqpos = col_iota == am[:, None]
        sims = jnp.where(eqpos, -3.0, sims)
        dst = jnp.where(npos > j, am + col_off, _DUMP).astype(jnp.int32)
        dsts.append(dst[:, None])
    arr = jnp.concatenate(dsts, axis=1)
    idxt_ref[...] = arr.T


def _topk_edges(emb):
    return pl.pallas_call(
        _topk_body,
        grid=(_NBLK,),
        in_specs=[
            pl.BlockSpec((_RB, _HID), lambda i: (i, 0)),
            pl.BlockSpec((_N1, _HID), lambda i: (1 - i // (_N0 // _RB), 0)),
        ],
        out_specs=pl.BlockSpec((_KNN, _RB), lambda i: (0, i)),
        out_shape=jax.ShapeDtypeStruct((_KNN, _N), jnp.int32),
    )(emb, emb)


_MESH = plsc.VectorSubcoreMesh(core_axis_name="c", subcore_axis_name="s")


@functools.partial(
    pl.kernel,
    out_type=jax.ShapeDtypeStruct((2, _NACC, _HID), jnp.float32),
    mesh=_MESH,
    scratch_types=[
        pltpu.VMEM((_CH,), jnp.int32),
        pltpu.VMEM((_CH,), jnp.int32),
        pltpu.VMEM((_CH, _HID), jnp.float32),
        pltpu.VMEM_SHARED((_NACC, _HID), jnp.float32),
    ],
)
def _deg_kernel(idxt_hbm, ones_hbm, zeros_hbm, out_hbm,
                colidx_a, colidx_b, ones_v, acc_sh):
    c = lax.axis_index("c")
    s = lax.axis_index("s")
    wid = c * 16 + s
    r0 = wid * _RPT

    @pl.when(s == 0)
    def _init():
        pltpu.sync_copy(zeros_hbm, acc_sh)

    pltpu.sync_copy(ones_hbm, ones_v)
    plsc.subcore_barrier()
    for j in range(_KNN):
        pltpu.sync_copy(idxt_hbm.at[j, pl.ds(r0, _CH)], colidx_a)
        pltpu.sync_copy(idxt_hbm.at[j, pl.ds(r0 + _CH, _CH)], colidx_b)
        pltpu.sync_copy(ones_v, acc_sh.at[colidx_a], add=True)
        pltpu.sync_copy(ones_v, acc_sh.at[colidx_b], add=True)
    plsc.subcore_barrier()

    @pl.when(s == 0)
    def _dump():
        pltpu.sync_copy(acc_sh, out_hbm.at[c])


@functools.partial(
    pl.kernel,
    out_type=jax.ShapeDtypeStruct((2, _NACC, _HID), jnp.float32),
    mesh=_MESH,
    scratch_types=[
        pltpu.VMEM((_CH,), jnp.int32),
        pltpu.VMEM((_CH,), jnp.int32),
        pltpu.VMEM((_RPT, _HID), jnp.float32),
        pltpu.VMEM_SHARED((_NACC, _HID), jnp.float32),
    ],
)
def _scatter_kernel(y_hbm, idxt_hbm, zeros_hbm, out_hbm,
                    colidx_a, colidx_b, y_slab, acc_sh):
    c = lax.axis_index("c")
    s = lax.axis_index("s")
    wid = c * 16 + s
    r0 = wid * _RPT

    @pl.when(s == 0)
    def _init():
        pltpu.sync_copy(zeros_hbm, acc_sh)

    pltpu.sync_copy(y_hbm.at[pl.ds(r0, _RPT)], y_slab)
    plsc.subcore_barrier()
    for j in range(_KNN):
        pltpu.sync_copy(idxt_hbm.at[j, pl.ds(r0, _CH)], colidx_a)
        pltpu.sync_copy(idxt_hbm.at[j, pl.ds(r0 + _CH, _CH)], colidx_b)
        pltpu.sync_copy(y_slab.at[pl.ds(0, _CH)], acc_sh.at[colidx_a], add=True)
        pltpu.sync_copy(y_slab.at[pl.ds(_CH, _CH)], acc_sh.at[colidx_b], add=True)
    plsc.subcore_barrier()

    @pl.when(s == 0)
    def _dump():
        pltpu.sync_copy(acc_sh, out_hbm.at[c])


def _xw_body(emb_ref, w_ref, xw_ref):
    xw_ref[...] = jax.lax.dot_general(
        emb_ref[...], w_ref[...], (((1,), (0,)), ((), ())),
        preferred_element_type=jnp.float32,
    )


def _xw_kernel(emb, W):
    blk = 1024
    return pl.pallas_call(
        _xw_body,
        grid=(_N // blk,),
        in_specs=[
            pl.BlockSpec((blk, _HID), lambda i: (i, 0)),
            pl.BlockSpec((_HID, _HID), lambda i: (0, 0)),
        ],
        out_specs=pl.BlockSpec((blk, _HID), lambda i: (i, 0)),
        out_shape=jax.ShapeDtypeStruct((_N, _HID), jnp.float32),
    )(emb, W)


def _y_body(xw_ref, deg_ref, y_ref):
    deg = deg_ref[0, :, 0] + deg_ref[1, :, 0] + 1.0
    dinv = 1.0 / jnp.sqrt(deg)
    y_ref[...] = dinv[:, None] * xw_ref[...]


def _y_kernel(xw, deg_parts):
    blk = 1024
    return pl.pallas_call(
        _y_body,
        grid=(_N // blk,),
        in_specs=[
            pl.BlockSpec((blk, _HID), lambda i: (i, 0)),
            pl.BlockSpec((2, blk, _HID), lambda i: (0, i, 0)),
        ],
        out_specs=pl.BlockSpec((blk, _HID), lambda i: (i, 0)),
        out_shape=jax.ShapeDtypeStruct((_N, _HID), jnp.float32),
    )(xw, deg_parts)


def _out_body(acc_ref, deg_ref, y_ref, b_ref, out_ref):
    deg = deg_ref[0, :, 0] + deg_ref[1, :, 0] + 1.0
    dinv = 1.0 / jnp.sqrt(deg)
    out_ref[...] = dinv[:, None] * (acc_ref[0] + acc_ref[1] + y_ref[...]) + b_ref[...]


def _out_kernel(acc_parts, deg_parts, y, b2):
    blk = 1024
    return pl.pallas_call(
        _out_body,
        grid=(_N // blk,),
        in_specs=[
            pl.BlockSpec((2, blk, _HID), lambda i: (0, i, 0)),
            pl.BlockSpec((2, blk, _HID), lambda i: (0, i, 0)),
            pl.BlockSpec((blk, _HID), lambda i: (i, 0)),
            pl.BlockSpec((1, _HID), lambda i: (0, 0)),
        ],
        out_specs=pl.BlockSpec((blk, _HID), lambda i: (i, 0)),
        out_shape=jax.ShapeDtypeStruct((_N, _HID), jnp.float32),
    )(acc_parts, deg_parts, y, b2)


def kernel(src_embedding_0, src_embedding_1, W, b):
    emb = jnp.concatenate([src_embedding_0, src_embedding_1], axis=0)
    idxt = _topk_edges(emb)
    z128 = jnp.zeros((_NACC, _HID), jnp.float32)
    lane = jnp.arange(_HID)
    ones_rows = jnp.broadcast_to((lane == 0).astype(jnp.float32), (_CH, _HID))
    xw = _xw_kernel(emb, W)
    deg_parts = _deg_kernel(idxt, ones_rows, z128)
    y = _y_kernel(xw, deg_parts)
    acc_parts = _scatter_kernel(y, idxt, z128)
    return _out_kernel(acc_parts, deg_parts, y, b.reshape(1, _HID))

# --- scband reference (transcript-rebuilt; emitter-appended) ---
"""Pipeline reference for scband-msgda-70858370450103 (READ-ONLY COPY).

The authoritative reference and input builder live on the scoring server;
editing this copy changes nothing except your own understanding.
"""

import jax, jax.numpy as jnp
import numpy as np

KNN = 10
HID = 128
N0 = 4096
N1 = 4096


def setup_inputs(seed: int = 0) -> dict:
    key = jax.random.key(seed)
    k1, k2, k3, k4 = jax.random.split(key, 4)
    src_embedding_0 = jax.random.normal(k1, (N0, HID), dtype=jnp.float32)
    src_embedding_1 = jax.random.normal(k2, (N1, HID), dtype=jnp.float32)
    W = jax.random.normal(k3, (HID, HID), dtype=jnp.float32) * (1.0 / np.sqrt(HID))
    b = jnp.zeros((HID,), dtype=jnp.float32)
    return {"src_embedding_0": src_embedding_0, "src_embedding_1": src_embedding_1, "W": W, "b": b}


def reference(src_embedding_0, src_embedding_1, W, b):
    knn = KNN
    n0 = src_embedding_0.shape[0]
    n1 = src_embedding_1.shape[0]
    N = n0 + n1
    emb = jnp.vstack([src_embedding_0, src_embedding_1])

    # ---- construct(): cross-source kNN graph (torch.no_grad() in original) ----
    # compute_adj with construct_mode='emb': cosine similarity matrix
    v = emb / (jnp.linalg.norm(emb, axis=1, keepdims=True) + 1e-12)
    adj = v @ v.T
    # zero out within-domain diagonal blocks
    dom = (jnp.arange(N) >= n0)
    same_dom = (dom[:, None] == dom[None, :])
    adj = jnp.where(same_dom, 0.0, adj)
    # row-wise top-k neighbors
    _, topk_idx_2 = jax.lax.top_k(adj, knn)
    topk_idx_1 = jnp.broadcast_to(jnp.arange(N)[:, None], (N, knn))
    mask = jnp.zeros((N, N), dtype=jnp.float32).at[topk_idx_1, topk_idx_2].set(1.0)
    adj_m = adj * mask
    # sparse edge list (nonzero entries of masked adj)
    src = topk_idx_1.reshape(-1)
    dst = topk_idx_2.reshape(-1)
    vals = adj_m[src, dst]
    valid = jax.lax.stop_gradient((vals != 0).astype(jnp.float32))

    # ---- GCNConv(hidden, hidden) on the mixup graph (sym-norm + self loops) ----
    xw = emb @ W
    deg = jnp.zeros((N,), jnp.float32).at[dst].add(valid) + 1.0  # +1 self loop
    dinv = 1.0 / jnp.sqrt(deg)
    norm = dinv[src] * dinv[dst] * valid
    out = jnp.zeros((N, HID), dtype=xw.dtype).at[dst].add(norm[:, None] * xw[src])
    out = out + (dinv * dinv)[:, None] * xw  # self-loop contribution
    out = out + b
    return out

if __name__ == "__main__":
    import jax
    _d = setup_inputs()
    print(jax.jit(kernel)(*tuple(_d.values())))

</pallas_src>

<mosaic_0001>
#map = affine_map<(d0, d1) -> (0, 0)>
#map1 = affine_map<(d0, d1) -> (0, 0, 0)>
module attributes {stable_mosaic.version = 14 : i64} {
  func.func @_scatter_kernel(%arg0: i32, %arg1: i32, %arg2: memref<8192x128xf32, #tpu.memory_space<hbm>>, %arg3: memref<10x8192xi32, #tpu.memory_space<hbm>>, %arg4: memref<8208x128xf32, #tpu.memory_space<hbm>>, %arg5: memref<2x8208x128xf32, #tpu.memory_space<hbm>>, %arg6: memref<128xi32, #tpu.memory_space<vmem>>, %arg7: memref<128xi32, #tpu.memory_space<vmem>>, %arg8: memref<256x128xf32, #tpu.memory_space<vmem>>, %arg9: memref<8208x128xf32, #tpu.memory_space<vmem_shared>>) attributes {dimension_semantics = [#tpu.dimension_semantics<core_parallel>, #tpu.dimension_semantics<subcore_parallel>], iteration_bounds = array<i64: 2, 16>, scalar_prefetch = 0 : i64, scratch_operands = 4 : i64, tpu.core_type = #tpu.core_type<sc_vector_subcore>, window_params = [{transform_indices = #map}, {transform_indices = #map}, {transform_indices = #map}, {transform_indices = #map1}]} {
    %mul3A = arith.constant 16 : i32
    %mul3A_0 = arith.muli %arg0, %mul3A : i32
    %add3A = arith.addi %mul3A_0, %arg1 : i32
    %mul3A_1 = arith.constant 256 : i32
    %mul3A_2 = arith.muli %add3A, %mul3A_1 : i32
    %eq3A = arith.constant 0 : i32
    %eq3A_3 = arith.cmpi eq, %arg1, %eq3A : i32
    %convert_element_type3A = arith.extui %eq3A_3 : i1 to i32
    %cond3A = arith.constant 0 : i32
    %cond3A_4 = arith.cmpi ne, %convert_element_type3A, %cond3A : i32
    scf.if %cond3A_4 {
      "tpu.region"() ({
        %run_scoped3A_50 = tpu.sem_alloc : memref<!tpu.dma_semaphore, #tpu.memory_space<semaphore_mem>>
        tpu.enqueue_dma source(%arg4 : memref<8208x128xf32, #tpu.memory_space<hbm>>) target(%arg9 : memref<8208x128xf32, #tpu.memory_space<vmem_shared>>) target_semaphore(%run_scoped3A_50 : memref<!tpu.dma_semaphore, #tpu.memory_space<semaphore_mem>>)
        tpu.wait_dma2 semaphore(%run_scoped3A_50 : memref<!tpu.dma_semaphore, #tpu.memory_space<semaphore_mem>>) src(%arg4 : memref<8208x128xf32, #tpu.memory_space<hbm>>) dst(%arg9 : memref<8208x128xf32, #tpu.memory_space<vmem_shared>>)
        tpu.yield
      }) : () -> ()
    } else {
    }
    "tpu.region"() ({
      %run_scoped3A_50 = tpu.sem_alloc : memref<!tpu.dma_semaphore, #tpu.memory_space<semaphore_mem>>
      %dma_start3A = arith.constant 0 : i32
      %dma_start3A_51 = tpu.memref_slice %arg2[%mul3A_2, %dma_start3A] : memref<8192x128xf32, #tpu.memory_space<hbm>> -> memref<256x128xf32, #tpu.memory_space<hbm>>
      %dma_start3A_52 = arith.constant 0 : i32
      %dma_start3A_53 = tpu.memref_slice %arg2[%mul3A_2, %dma_start3A_52] : memref<8192x128xf32, #tpu.memory_space<hbm>> -> memref<256x128xf32, #tpu.memory_space<hbm>>
      tpu.enqueue_dma source(%dma_start3A_53 : memref<256x128xf32, #tpu.memory_space<hbm>>) target(%arg8 : memref<256x128xf32, #tpu.memory_space<vmem>>) target_semaphore(%run_scoped3A_50 : memref<!tpu.dma_semaphore, #tpu.memory_space<semaphore_mem>>)
      %dma_wait3A = arith.constant 0 : i32
      %dma_wait3A_54 = tpu.memref_slice %arg2[%mul3A_2, %dma_wait3A] : memref<8192x128xf32, #tpu.memory_space<hbm>> -> memref<256x128xf32, #tpu.memory_space<hbm>>
      %dma_wait3A_55 = arith.constant 0 : i32
      %dma_wait3A_56 = tpu.memref_slice %arg2[%mul3A_2, %dma_wait3A_55] : memref<8192x128xf32, #tpu.memory_space<hbm>> -> memref<256x128xf32, #tpu.memory_space<hbm>>
      tpu.wait_dma2 semaphore(%run_scoped3A_50 : memref<!tpu.dma_semaphore, #tpu.memory_space<semaphore_mem>>) src(%dma_wait3A_56 : memref<256x128xf32, #tpu.memory_space<hbm>>) dst(%arg8 : memref<256x128xf32, #tpu.memory_space<vmem>>)
      tpu.yield
    }) : () -> ()
    %barrier3A = arith.constant 0 : index
    tpu.barrier barrier_id(%barrier3A)
    %run_scoped3A = arith.constant 0 : i32
    "tpu.region"() ({
      %run_scoped3A_50 = tpu.sem_alloc : memref<!tpu.dma_semaphore, #tpu.memory_space<semaphore_mem>>
      %dma_start3A = tpu.memref_slice %arg3[%run_scoped3A, %mul3A_2] : memref<10x8192xi32, #tpu.memory_space<hbm>> -> memref<1x128xi32, #tpu.memory_space<hbm>>
      %dma_start3A_51 = tpu.memref_squeeze %dma_start3A : memref<1x128xi32, #tpu.memory_space<hbm>> -> memref<128xi32, #tpu.memory_space<hbm>>
      %dma_start3A_52 = tpu.memref_slice %arg3[%run_scoped3A, %mul3A_2] : memref<10x8192xi32, #tpu.memory_space<hbm>> -> memref<1x128xi32, #tpu.memory_space<hbm>>
      %dma_start3A_53 = tpu.memref_squeeze %dma_start3A_52 : memref<1x128xi32, #tpu.memory_space<hbm>> -> memref<128xi32, #tpu.memory_space<hbm>>
      tpu.enqueue_dma source(%dma_start3A_53 : memref<128xi32, #tpu.memory_space<hbm>>) target(%arg6 : memref<128xi32, #tpu.memory_space<vmem>>) target_semaphore(%run_scoped3A_50 : memref<!tpu.dma_semaphore, #tpu.memory_space<semaphore_mem>>)
      %dma_wait3A = tpu.memref_slice %arg3[%run_scoped3A, %mul3A_2] : memref<10x8192xi32, #tpu.memory_space<hbm>> -> memref<1x128xi32, #tpu.memory_space<hbm>>
      %dma_wait3A_54 = tpu.memref_squeeze %dma_wait3A : memref<1x128xi32, #tpu.memory_space<hbm>> -> memref<128xi32, #tpu.memory_space<hbm>>
      %dma_wait3A_55 = tpu.memref_slice %arg3[%run_scoped3A, %mul3A_2] : memref<10x8192xi32, #tpu.memory_space<hbm>> -> memref<1x128xi32, #tpu.memory_space<hbm>>
      %dma_wait3A_56 = tpu.memref_squeeze %dma_wait3A_55 : memref<1x128xi32, #tpu.memory_space<hbm>> -> memref<128xi32, #tpu.memory_space<hbm>>
      tpu.wait_dma2 semaphore(%run_scoped3A_50 : memref<!tpu.dma_semaphore, #tpu.memory_space<semaphore_mem>>) src(%dma_wait3A_56 : memref<128xi32, #tpu.memory_space<hbm>>) dst(%arg6 : memref<128xi32, #tpu.memory_space<vmem>>)
      tpu.yield
    }) : () -> ()
    %add3A_5 = arith.constant 128 : i32
    %add3A_6 = arith.addi %mul3A_2, %add3A_5 : i32
    %run_scoped3A_7 = arith.constant 0 : i32
    "tpu.region"() ({
      %run_scoped3A_50 = tpu.sem_alloc : memref<!tpu.dma_semaphore, #tpu.memory_space<semaphore_mem>>
      %dma_start3A = tpu.memref_slice %arg3[%run_scoped3A_7, %add3A_6] : memref<10x8192xi32, #tpu.memory_space<hbm>> -> memref<1x128xi32, #tpu.memory_space<hbm>>
      %dma_start3A_51 = tpu.memref_squeeze %dma_start3A : memref<1x128xi32, #tpu.memory_space<hbm>> -> memref<128xi32, #tpu.memory_space<hbm>>
      %dma_start3A_52 = tpu.memref_slice %arg3[%run_scoped3A_7, %add3A_6] : memref<10x8192xi32, #tpu.memory_space<hbm>> -> memref<1x128xi32, #tpu.memory_space<hbm>>
      %dma_start3A_53 = tpu.memref_squeeze %dma_start3A_52 : memref<1x128xi32, #tpu.memory_space<hbm>> -> memref<128xi32, #tpu.memory_space<hbm>>
      tpu.enqueue_dma source(%dma_start3A_53 : memref<128xi32, #tpu.memory_space<hbm>>) target(%arg7 : memref<128xi32, #tpu.memory_space<vmem>>) target_semaphore(%run_scoped3A_50 : memref<!tpu.dma_semaphore, #tpu.memory_space<semaphore_mem>>)
      %dma_wait3A = tpu.memref_slice %arg3[%run_scoped3A_7, %add3A_6] : memref<10x8192xi32, #tpu.memory_space<hbm>> -> memref<1x128xi32, #tpu.memory_space<hbm>>
      %dma_wait3A_54 = tpu.memref_squeeze %dma_wait3A : memref<1x128xi32, #tpu.memory_space<hbm>> -> memref<128xi32, #tpu.memory_space<hbm>>
      %dma_wait3A_55 = tpu.memref_slice %arg3[%run_scoped3A_7, %add3A_6] : memref<10x8192xi32, #tpu.memory_space<hbm>> -> memref<1x128xi32, #tpu.memory_space<hbm>>
      %dma_wait3A_56 = tpu.memref_squeeze %dma_wait3A_55 : memref<1x128xi32, #tpu.memory_space<hbm>> -> memref<128xi32, #tpu.memory_space<hbm>>
      tpu.wait_dma2 semaphore(%run_scoped3A_50 : memref<!tpu.dma_semaphore, #tpu.memory_space<semaphore_mem>>) src(%dma_wait3A_56 : memref<128xi32, #tpu.memory_space<hbm>>) dst(%arg7 : memref<128xi32, #tpu.memory_space<vmem>>)
      tpu.yield
    }) : () -> ()
    "tpu.region"() ({
      %run_scoped3A_50 = tpu.sem_alloc : memref<!tpu.dma_semaphore, #tpu.memory_space<semaphore_mem>>
      %dma_start3A = arith.constant 0 : i32
      %dma_start3A_51 = arith.constant 0 : i32
      %dma_start3A_52 = tpu.memref_slice %arg8[%dma_start3A, %dma_start3A_51] : memref<256x128xf32, #tpu.memory_space<vmem>> -> memref<128x128xf32, #tpu.memory_space<vmem>>
      %dma_start3A_53 = arith.constant 0 : i32
      %dma_start3A_54 = arith.constant 0 : i32
      %dma_start3A_55 = tpu.memref_slice %arg9[%dma_start3A_53, %dma_start3A_54] : memref<8208x128xf32, #tpu.memory_space<vmem_shared>> -> memref<8208x128xf32, #tpu.memory_space<vmem_shared>>
      tpu.enqueue_indirect_dma source(%dma_start3A_52 : memref<128x128xf32, #tpu.memory_space<vmem>>) target(%dma_start3A_55 : memref<8208x128xf32, #tpu.memory_space<vmem_shared>>) offsets(%arg6 : memref<128xi32, #tpu.memory_space<vmem>>) semaphore(%run_scoped3A_50 : memref<!tpu.dma_semaphore, #tpu.memory_space<semaphore_mem>>) {add = true}
      %dma_wait3A = arith.constant 0 : i32
      %dma_wait3A_56 = arith.constant 0 : i32
      %dma_wait3A_57 = tpu.memref_slice %arg8[%dma_wait3A, %dma_wait3A_56] : memref<256x128xf32, #tpu.memory_space<vmem>> -> memref<128x128xf32, #tpu.memory_space<vmem>>
      %dma_wait3A_58 = arith.constant 0 : i32
      %dma_wait3A_59 = arith.constant 0 : i32
      %dma_wait3A_60 = tpu.memref_slice %arg9[%dma_wait3A_58, %dma_wait3A_59] : memref<8208x128xf32, #tpu.memory_space<vmem_shared>> -> memref<8208x128xf32, #tpu.memory_space<vmem_shared>>
      tpu.wait_indirect_dma semaphore(%run_scoped3A_50 : memref<!tpu.dma_semaphore, #tpu.memory_space<semaphore_mem>>) src(%dma_wait3A_57 : memref<128x128xf32, #tpu.memory_space<vmem>>) dst(%dma_wait3A_60 : memref<8208x128xf32, #tpu.memory_space<vmem_shared>>)
      tpu.yield
    }) : () -> ()
    "tpu.region"() ({
      %run_scoped3A_50 = tpu.sem_alloc : memref<!tpu.dma_semaphore, #tpu.memory_space<semaphore_mem>>
      %dma_start3A = arith.constant 128 : i32
      %dma_start3A_51 = arith.constant 0 : i32
      %dma_start3A_52 = tpu.memref_slice %arg8[%dma_start3A, %dma_start3A_51] : memref<256x128xf32, #tpu.memory_space<vmem>> -> memref<128x128xf32, #tpu.memory_space<vmem>>
      %dma_start3A_53 = arith.constant 0 : i32
      %dma_start3A_54 = arith.constant 0 : i32
      %dma_start3A_55 = tpu.memref_slice %arg9[%dma_start3A_53, %dma_start3A_54] : memref<8208x128xf32, #tpu.memory_space<vmem_shared>> -> memref<8208x128xf32, #tpu.memory_space<vmem_shared>>
      tpu.enqueue_indirect_dma source(%dma_start3A_52 : memref<128x128xf32, #tpu.memory_space<vmem>>) target(%dma_start3A_55 : memref<8208x128xf32, #tpu.memory_space<vmem_shared>>) offsets(%arg7 : memref<128xi32, #tpu.memory_space<vmem>>) semaphore(%run_scoped3A_50 : memref<!tpu.dma_semaphore, #tpu.memory_space<semaphore_mem>>) {add = true}
      %dma_wait3A = arith.constant 128 : i32
      %dma_wait3A_56 = arith.constant 0 : i32
      %dma_wait3A_57 = tpu.memref_slice %arg8[%dma_wait3A, %dma_wait3A_56] : memref<256x128xf32, #tpu.memory_space<vmem>> -> memref<128x128xf32, #tpu.memory_space<vmem>>
      %dma_wait3A_58 = arith.constant 0 : i32
      %dma_wait3A_59 = arith.constant 0 : i32
      %dma_wait3A_60 = tpu.memref_slice %arg9[%dma_wait3A_58, %dma_wait3A_59] : memref<8208x128xf32, #tpu.memory_space<vmem_shared>> -> memref<8208x128xf32, #tpu.memory_space<vmem_shared>>
      tpu.wait_indirect_dma semaphore(%run_scoped3A_50 : memref<!tpu.dma_semaphore, #tpu.memory_space<semaphore_mem>>) src(%dma_wait3A_57 : memref<128x128xf32, #tpu.memory_space<vmem>>) dst(%dma_wait3A_60 : memref<8208x128xf32, #tpu.memory_space<vmem_shared>>)
      tpu.yield
    }) : () -> ()
    %run_scoped3A_8 = arith.constant 1 : i32
    "tpu.region"() ({
      %run_scoped3A_50 = tpu.sem_alloc : memref<!tpu.dma_semaphore, #tpu.memory_space<semaphore_mem>>
      %dma_start3A = tpu.memref_slice %arg3[%run_scoped3A_8, %mul3A_2] : memref<10x8192xi32, #tpu.memory_space<hbm>> -> memref<1x128xi32, #tpu.memory_space<hbm>>
      %dma_start3A_51 = tpu.memref_squeeze %dma_start3A : memref<1x128xi32, #tpu.memory_space<hbm>> -> memref<128xi32, #tpu.memory_space<hbm>>
      %dma_start3A_52 = tpu.memref_slice %arg3[%run_scoped3A_8, %mul3A_2] : memref<10x8192xi32, #tpu.memory_space<hbm>> -> memref<1x128xi32, #tpu.memory_space<hbm>>
      %dma_start3A_53 = tpu.memref_squeeze %dma_start3A_52 : memref<1x128xi32, #tpu.memory_space<hbm>> -> memref<128xi32, #tpu.memory_space<hbm>>
      tpu.enqueue_dma source(%dma_start3A_53 : memref<128xi32, #tpu.memory_space<hbm>>) target(%arg6 : memref<128xi32, #tpu.memory_space<vmem>>) target_semaphore(%run_scoped3A_50 : memref<!tpu.dma_semaphore, #tpu.memory_space<semaphore_mem>>)
      %dma_wait3A = tpu.memref_slice %arg3[%run_scoped3A_8, %mul3A_2] : memref<10x8192xi32, #tpu.memory_space<hbm>> -> memref<1x128xi32, #tpu.memory_space<hbm>>
      %dma_wait3A_54 = tpu.memref_squeeze %dma_wait3A : memref<1x128xi32, #tpu.memory_space<hbm>> -> memref<128xi32, #tpu.memory_space<hbm>>
      %dma_wait3A_55 = tpu.memref_slice %arg3[%run_scoped3A_8, %mul3A_2] : memref<10x8192xi32, #tpu.memory_space<hbm>> -> memref<1x128xi32, #tpu.memory_space<hbm>>
      %dma_wait3A_56 = tpu.memref_squeeze %dma_wait3A_55 : memref<1x128xi32, #tpu.memory_space<hbm>> -> memref<128xi32, #tpu.memory_space<hbm>>
      tpu.wait_dma2 semaphore(%run_scoped3A_50 : memref<!tpu.dma_semaphore, #tpu.memory_space<semaphore_mem>>) src(%dma_wait3A_56 : memref<128xi32, #tpu.memory_space<hbm>>) dst(%arg6 : memref<128xi32, #tpu.memory_space<vmem>>)
      tpu.yield
    }) : () -> ()
    %add3A_9 = arith.constant 128 : i32
    %add3A_10 = arith.addi %mul3A_2, %add3A_9 : i32
    %run_scoped3A_11 = arith.constant 1 : i32
    "tpu.region"() ({
      %run_scoped3A_50 = tpu.sem_alloc : memref<!tpu.dma_semaphore, #tpu.memory_space<semaphore_mem>>
      %dma_start3A = tpu.memref_slice %arg3[%run_scoped3A_11, %add3A_10] : memref<10x8192xi32, #tpu.memory_space<hbm>> -> memref<1x128xi32, #tpu.memory_space<hbm>>
      %dma_start3A_51 = tpu.memref_squeeze %dma_start3A : memref<1x128xi32, #tpu.memory_space<hbm>> -> memref<128xi32, #tpu.memory_space<hbm>>
      %dma_start3A_52 = tpu.memref_slice %arg3[%run_scoped3A_11, %add3A_10] : memref<10x8192xi32, #tpu.memory_space<hbm>> -> memref<1x128xi32, #tpu.memory_space<hbm>>
      %dma_start3A_53 = tpu.memref_squeeze %dma_start3A_52 : memref<1x128xi32, #tpu.memory_space<hbm>> -> memref<128xi32, #tpu.memory_space<hbm>>
      tpu.enqueue_dma source(%dma_start3A_53 : memref<128xi32, #tpu.memory_space<hbm>>) target(%arg7 : memref<128xi32, #tpu.memory_space<vmem>>) target_semaphore(%run_scoped3A_50 : memref<!tpu.dma_semaphore, #tpu.memory_space<semaphore_mem>>)
      %dma_wait3A = tpu.memref_slice %arg3[%run_scoped3A_11, %add3A_10] : memref<10x8192xi32, #tpu.memory_space<hbm>> -> memref<1x128xi32, #tpu.memory_space<hbm>>
      %dma_wait3A_54 = tpu.memref_squeeze %dma_wait3A : memref<1x128xi32, #tpu.memory_space<hbm>> -> memref<128xi32, #tpu.memory_space<hbm>>
      %dma_wait3A_55 = tpu.memref_slice %arg3[%run_scoped3A_11, %add3A_10] : memref<10x8192xi32, #tpu.memory_space<hbm>> -> memref<1x128xi32, #tpu.memory_space<hbm>>
      %dma_wait3A_56 = tpu.memref_squeeze %dma_wait3A_55 : memref<1x128xi32, #tpu.memory_space<hbm>> -> memref<128xi32, #tpu.memory_space<hbm>>
      tpu.wait_dma2 semaphore(%run_scoped3A_50 : memref<!tpu.dma_semaphore, #tpu.memory_space<semaphore_mem>>) src(%dma_wait3A_56 : memref<128xi32, #tpu.memory_space<hbm>>) dst(%arg7 : memref<128xi32, #tpu.memory_space<vmem>>)
      tpu.yield
    }) : () -> ()
    "tpu.region"() ({
      %run_scoped3A_50 = tpu.sem_alloc : memref<!tpu.dma_semaphore, #tpu.memory_space<semaphore_mem>>
      %dma_start3A = arith.constant 0 : i32
      %dma_start3A_51 = arith.constant 0 : i32
      %dma_start3A_52 = tpu.memref_slice %arg8[%dma_start3A, %dma_start3A_51] : memref<256x128xf32, #tpu.memory_space<vmem>> -> memref<128x128xf32, #tpu.memory_space<vmem>>
      %dma_start3A_53 = arith.constant 0 : i32
      %dma_start3A_54 = arith.constant 0 : i32
      %dma_start3A_55 = tpu.memref_slice %arg9[%dma_start3A_53, %dma_start3A_54] : memref<8208x128xf32, #tpu.memory_space<vmem_shared>> -> memref<8208x128xf32, #tpu.memory_space<vmem_shared>>
      tpu.enqueue_indirect_dma source(%dma_start3A_52 : memref<128x128xf32, #tpu.memory_space<vmem>>) target(%dma_start3A_55 : memref<8208x128xf32, #tpu.memory_space<vmem_shared>>) offsets(%arg6 : memref<128xi32, #tpu.memory_space<vmem>>) semaphore(%run_scoped3A_50 : memref<!tpu.dma_semaphore, #tpu.memory_space<semaphore_mem>>) {add = true}
      %dma_wait3A = arith.constant 0 : i32
      %dma_wait3A_56 = arith.constant 0 : i32
      %dma_wait3A_57 = tpu.memref_slice %arg8[%dma_wait3A, %dma_wait3A_56] : memref<256x128xf32, #tpu.memory_space<vmem>> -> memref<128x128xf32, #tpu.memory_space<vmem>>
      %dma_wait3A_58 = arith.constant 0 : i32
      %dma_wait3A_59 = arith.constant 0 : i32
      %dma_wait3A_60 = tpu.memref_slice %arg9[%dma_wait3A_58, %dma_wait3A_59] : memref<8208x128xf32, #tpu.memory_space<vmem_shared>> -> memref<8208x128xf32, #tpu.memory_space<vmem_shared>>
      tpu.wait_indirect_dma semaphore(%run_scoped3A_50 : memref<!tpu.dma_semaphore, #tpu.memory_space<semaphore_mem>>) src(%dma_wait3A_57 : memref<128x128xf32, #tpu.memory_space<vmem>>) dst(%dma_wait3A_60 : memref<8208x128xf32, #tpu.memory_space<vmem_shared>>)
      tpu.yield
    }) : () -> ()
    "tpu.region"() ({
      %run_scoped3A_50 = tpu.sem_alloc : memref<!tpu.dma_semaphore, #tpu.memory_space<semaphore_mem>>
      %dma_start3A = arith.constant 128 : i32
      %dma_start3A_51 = arith.constant 0 : i32
      %dma_start3A_52 = tpu.memref_slice %arg8[%dma_start3A, %dma_start3A_51] : memref<256x128xf32, #tpu.memory_space<vmem>> -> memref<128x128xf32, #tpu.memory_space<vmem>>
      %dma_start3A_53 = arith.constant 0 : i32
      %dma_start3A_54 = arith.constant 0 : i32
      %dma_start3A_55 = tpu.memref_slice %arg9[%dma_start3A_53, %dma_start3A_54] : memref<8208x128xf32, #tpu.memory_space<vmem_shared>> -> memref<8208x128xf32, #tpu.memory_space<vmem_shared>>
      tpu.enqueue_indirect_dma source(%dma_start3A_52 : memref<128x128xf32, #tpu.memory_space<vmem>>) target(%dma_start3A_55 : memref<8208x128xf32, #tpu.memory_space<vmem_shared>>) offsets(%arg7 : memref<128xi32, #tpu.memory_space<vmem>>) semaphore(%run_scoped3A_50 : memref<!tpu.dma_semaphore, #tpu.memory_space<semaphore_mem>>) {add = true}
      %dma_wait3A = arith.constant 128 : i32
      %dma_wait3A_56 = arith.constant 0 : i32
      %dma_wait3A_57 = tpu.memref_slice %arg8[%dma_wait3A, %dma_wait3A_56] : memref<256x128xf32, #tpu.memory_space<vmem>> -> memref<128x128xf32, #tpu.memory_space<vmem>>
      %dma_wait3A_58 = arith.constant 0 : i32
      %dma_wait3A_59 = arith.constant 0 : i32
      %dma_wait3A_60 = tpu.memref_slice %arg9[%dma_wait3A_58, %dma_wait3A_59] : memref<8208x128xf32, #tpu.memory_space<vmem_shared>> -> memref<8208x128xf32, #tpu.memory_space<vmem_shared>>
      tpu.wait_indirect_dma semaphore(%run_scoped3A_50 : memref<!tpu.dma_semaphore, #tpu.memory_space<semaphore_mem>>) src(%dma_wait3A_57 : memref<128x128xf32, #tpu.memory_space<vmem>>) dst(%dma_wait3A_60 : memref<8208x128xf32, #tpu.memory_space<vmem_shared>>)
      tpu.yield
    }) : () -> ()
    %run_scoped3A_12 = arith.constant 2 : i32
    "tpu.region"() ({
      %run_scoped3A_50 = tpu.sem_alloc : memref<!tpu.dma_semaphore, #tpu.memory_space<semaphore_mem>>
      %dma_start3A = tpu.memref_slice %arg3[%run_scoped3A_12, %mul3A_2] : memref<10x8192xi32, #tpu.memory_space<hbm>> -> memref<1x128xi32, #tpu.memory_space<hbm>>
      %dma_start3A_51 = tpu.memref_squeeze %dma_start3A : memref<1x128xi32, #tpu.memory_space<hbm>> -> memref<128xi32, #tpu.memory_space<hbm>>
      %dma_start3A_52 = tpu.memref_slice %arg3[%run_scoped3A_12, %mul3A_2] : memref<10x8192xi32, #tpu.memory_space<hbm>> -> memref<1x128xi32, #tpu.memory_space<hbm>>
      %dma_start3A_53 = tpu.memref_squeeze %dma_start3A_52 : memref<1x128xi32, #tpu.memory_space<hbm>> -> memref<128xi32, #tpu.memory_space<hbm>>
      tpu.enqueue_dma source(%dma_start3A_53 : memref<128xi32, #tpu.memory_space<hbm>>) target(%arg6 : memref<128xi32, #tpu.memory_space<vmem>>) target_semaphore(%run_scoped3A_50 : memref<!tpu.dma_semaphore, #tpu.memory_space<semaphore_mem>>)
      %dma_wait3A = tpu.memref_slice %arg3[%run_scoped3A_12, %mul3A_2] : memref<10x8192xi32, #tpu.memory_space<hbm>> -> memref<1x128xi32, #tpu.memory_space<hbm>>
      %dma_wait3A_54 = tpu.memref_squeeze %dma_wait3A : memref<1x128xi32, #tpu.memory_space<hbm>> -> memref<128xi32, #tpu.memory_space<hbm>>
      %dma_wait3A_55 = tpu.memref_slice %arg3[%run_scoped3A_12, %mul3A_2] : memref<10x8192xi32, #tpu.memory_space<hbm>> -> memref<1x128xi32, #tpu.memory_space<hbm>>
      %dma_wait3A_56 = tpu.memref_squeeze %dma_wait3A_55 : memref<1x128xi32, #tpu.memory_space<hbm>> -> memref<128xi32, #tpu.memory_space<hbm>>
      tpu.wait_dma2 semaphore(%run_scoped3A_50 : memref<!tpu.dma_semaphore, #tpu.memory_space<semaphore_mem>>) src(%dma_wait3A_56 : memref<128xi32, #tpu.memory_space<hbm>>) dst(%arg6 : memref<128xi32, #tpu.memory_space<vmem>>)
      tpu.yield
    }) : () -> ()
    %add3A_13 = arith.constant 128 : i32
    %add3A_14 = arith.addi %mul3A_2, %add3A_13 : i32
    %run_scoped3A_15 = arith.constant 2 : i32
    "tpu.region"() ({
      %run_scoped3A_50 = tpu.sem_alloc : memref<!tpu.dma_semaphore, #tpu.memory_space<semaphore_mem>>
      %dma_start3A = tpu.memref_slice %arg3[%run_scoped3A_15, %add3A_14] : memref<10x8192xi32, #tpu.memory_space<hbm>> -> memref<1x128xi32, #tpu.memory_space<hbm>>
      %dma_start3A_51 = tpu.memref_squeeze %dma_start3A : memref<1x128xi32, #tpu.memory_space<hbm>> -> memref<128xi32, #tpu.memory_space<hbm>>
      %dma_start3A_52 = tpu.memref_slice %arg3[%run_scoped3A_15, %add3A_14] : memref<10x8192xi32, #tpu.memory_space<hbm>> -> memref<1x128xi32, #tpu.memory_space<hbm>>
      %dma_start3A_53 = tpu.memref_squeeze %dma_start3A_52 : memref<1x128xi32, #tpu.memory_space<hbm>> -> memref<128xi32, #tpu.memory_space<hbm>>
      tpu.enqueue_dma source(%dma_start3A_53 : memref<128xi32, #tpu.memory_space<hbm>>) target(%arg7 : memref<128xi32, #tpu.memory_space<vmem>>) target_semaphore(%run_scoped3A_50 : memref<!tpu.dma_semaphore, #tpu.memory_space<semaphore_mem>>)
      %dma_wait3A = tpu.memref_slice %arg3[%run_scoped3A_15, %add3A_14] : memref<10x8192xi32, #tpu.memory_space<hbm>> -> memref<1x128xi32, #tpu.memory_space<hbm>>
      %dma_wait3A_54 = tpu.memref_squeeze %dma_wait3A : memref<1x128xi32, #tpu.memory_space<hbm>> -> memref<128xi32, #tpu.memory_space<hbm>>
      %dma_wait3A_55 = tpu.memref_slice %arg3[%run_scoped3A_15, %add3A_14] : memref<10x8192xi32, #tpu.memory_space<hbm>> -> memref<1x128xi32, #tpu.memory_space<hbm>>
      %dma_wait3A_56 = tpu.memref_squeeze %dma_wait3A_55 : memref<1x128xi32, #tpu.memory_space<hbm>> -> memref<128xi32, #tpu.memory_space<hbm>>
      tpu.wait_dma2 semaphore(%run_scoped3A_50 : memref<!tpu.dma_semaphore, #tpu.memory_space<semaphore_mem>>) src(%dma_wait3A_56 : memref<128xi32, #tpu.memory_space<hbm>>) dst(%arg7 : memref<128xi32, #tpu.memory_space<vmem>>)
      tpu.yield
    }) : () -> ()
    "tpu.region"() ({
      %run_scoped3A_50 = tpu.sem_alloc : memref<!tpu.dma_semaphore, #tpu.memory_space<semaphore_mem>>
      %dma_start3A = arith.constant 0 : i32
      %dma_start3A_51 = arith.constant 0 : i32
      %dma_start3A_52 = tpu.memref_slice %arg8[%dma_start3A, %dma_start3A_51] : memref<256x128xf32, #tpu.memory_space<vmem>> -> memref<128x128xf32, #tpu.memory_space<vmem>>
      %dma_start3A_53 = arith.constant 0 : i32
      %dma_start3A_54 = arith.constant 0 : i32
      %dma_start3A_55 = tpu.memref_slice %arg9[%dma_start3A_53, %dma_start3A_54] : memref<8208x128xf32, #tpu.memory_space<vmem_shared>> -> memref<8208x128xf32, #tpu.memory_space<vmem_shared>>
      tpu.enqueue_indirect_dma source(%dma_start3A_52 : memref<128x128xf32, #tpu.memory_space<vmem>>) target(%dma_start3A_55 : memref<8208x128xf32, #tpu.memory_space<vmem_shared>>) offsets(%arg6 : memref<128xi32, #tpu.memory_space<vmem>>) semaphore(%run_scoped3A_50 : memref<!tpu.dma_semaphore, #tpu.memory_space<semaphore_mem>>) {add = true}
      %dma_wait3A = arith.constant 0 : i32
      %dma_wait3A_56 = arith.constant 0 : i32
      %dma_wait3A_57 = tpu.memref_slice %arg8[%dma_wait3A, %dma_wait3A_56] : memref<256x128xf32, #tpu.memory_space<vmem>> -> memref<128x128xf32, #tpu.memory_space<vmem>>
      %dma_wait3A_58 = arith.constant 0 : i32
      %dma_wait3A_59 = arith.constant 0 : i32
      %dma_wait3A_60 = tpu.memref_slice %arg9[%dma_wait3A_58, %dma_wait3A_59] : memref<8208x128xf32, #tpu.memory_space<vmem_shared>> -> memref<8208x128xf32, #tpu.memory_space<vmem_shared>>
      tpu.wait_indirect_dma semaphore(%run_scoped3A_50 : memref<!tpu.dma_semaphore, #tpu.memory_space<semaphore_mem>>) src(%dma_wait3A_57 : memref<128x128xf32, #tpu.memory_space<vmem>>) dst(%dma_wait3A_60 : memref<8208x128xf32, #tpu.memory_space<vmem_shared>>)
      tpu.yield
    }) : () -> ()
    "tpu.region"() ({
      %run_scoped3A_50 = tpu.sem_alloc : memref<!tpu.dma_semaphore, #tpu.memory_space<semaphore_mem>>
      %dma_start3A = arith.constant 128 : i32
      %dma_start3A_51 = arith.constant 0 : i32
      %dma_start3A_52 = tpu.memref_slice %arg8[%dma_start3A, %dma_start3A_51] : memref<256x128xf32, #tpu.memory_space<vmem>> -> memref<128x128xf32, #tpu.memory_space<vmem>>
      %dma_start3A_53 = arith.constant 0 : i32
      %dma_start3A_54 = arith.constant 0 : i32
      %dma_start3A_55 = tpu.memref_slice %arg9[%dma_start3A_53, %dma_start3A_54] : memref<8208x128xf32, #tpu.memory_space<vmem_shared>> -> memref<8208x128xf32, #tpu.memory_space<vmem_shared>>
      tpu.enqueue_indirect_dma source(%dma_start3A_52 : memref<128x128xf32, #tpu.memory_space<vmem>>) target(%dma_start3A_55 : memref<8208x128xf32, #tpu.memory_space<vmem_shared>>) offsets(%arg7 : memref<128xi32, #tpu.memory_space<vmem>>) semaphore(%run_scoped3A_50 : memref<!tpu.dma_semaphore, #tpu.memory_space<semaphore_mem>>) {add = true}
      %dma_wait3A = arith.constant 128 : i32
      %dma_wait3A_56 = arith.constant 0 : i32
      %dma_wait3A_57 = tpu.memref_slice %arg8[%dma_wait3A, %dma_wait3A_56] : memref<256x128xf32, #tpu.memory_space<vmem>> -> memref<128x128xf32, #tpu.memory_space<vmem>>
      %dma_wait3A_58 = arith.constant 0 : i32
      %dma_wait3A_59 = arith.constant 0 : i32
      %dma_wait3A_60 = tpu.memref_slice %arg9[%dma_wait3A_58, %dma_wait3A_59] : memref<8208x128xf32, #tpu.memory_space<vmem_shared>> -> memref<8208x128xf32, #tpu.memory_space<vmem_shared>>
      tpu.wait_indirect_dma semaphore(%run_scoped3A_50 : memref<!tpu.dma_semaphore, #tpu.memory_space<semaphore_mem>>) src(%dma_wait3A_57 : memref<128x128xf32, #tpu.memory_space<vmem>>) dst(%dma_wait3A_60 : memref<8208x128xf32, #tpu.memory_space<vmem_shared>>)
      tpu.yield
    }) : () -> ()
    %run_scoped3A_16 = arith.constant 3 : i32
    "tpu.region"() ({
      %run_scoped3A_50 = tpu.sem_alloc : memref<!tpu.dma_semaphore, #tpu.memory_space<semaphore_mem>>
      %dma_start3A = tpu.memref_slice %arg3[%run_scoped3A_16, %mul3A_2] : memref<10x8192xi32, #tpu.memory_space<hbm>> -> memref<1x128xi32, #tpu.memory_space<hbm>>
      %dma_start3A_51 = tpu.memref_squeeze %dma_start3A : memref<1x128xi32, #tpu.memory_space<hbm>> -> memref<128xi32, #tpu.memory_space<hbm>>
      %dma_start3A_52 = tpu.memref_slice %arg3[%run_scoped3A_16, %mul3A_2] : memref<10x8192xi32, #tpu.memory_space<hbm>> -> memref<1x128xi32, #tpu.memory_space<hbm>>
      %dma_start3A_53 = tpu.memref_squeeze %dma_start3A_52 : memref<1x128xi32, #tpu.memory_space<hbm>> -> memref<128xi32, #tpu.memory_space<hbm>>
      tpu.enqueue_dma source(%dma_start3A_53 : memref<128xi32, #tpu.memory_space<hbm>>) target(%arg6 : memref<128xi32, #tpu.memory_space<vmem>>) target_semaphore(%run_scoped3A_50 : memref<!tpu.dma_semaphore, #tpu.memory_space<semaphore_mem>>)
      %dma_wait3A = tpu.memref_slice %arg3[%run_scoped3A_16, %mul3A_2] : memref<10x8192xi32, #tpu.memory_space<hbm>> -> memref<1x128xi32, #tpu.memory_space<hbm>>
      %dma_wait3A_54 = tpu.memref_squeeze %dma_wait3A : memref<1x128xi32, #tpu.memory_space<hbm>> -> memref<128xi32, #tpu.memory_space<hbm>>
      %dma_wait3A_55 = tpu.memref_slice %arg3[%run_scoped3A_16, %mul3A_2] : memref<10x8192xi32, #tpu.memory_space<hbm>> -> memref<1x128xi32, #tpu.memory_space<hbm>>
      %dma_wait3A_56 = tpu.memref_squeeze %dma_wait3A_55 : memref<1x128xi32, #tpu.memory_space<hbm>> -> memref<128xi32, #tpu.memory_space<hbm>>
      tpu.wait_dma2 semaphore(%run_scoped3A_50 : memref<!tpu.dma_semaphore, #tpu.memory_space<semaphore_mem>>) src(%dma_wait3A_56 : memref<128xi32, #tpu.memory_space<hbm>>) dst(%arg6 : memref<128xi32, #tpu.memory_space<vmem>>)
      tpu.yield
    }) : () -> ()
    %add3A_17 = arith.constant 128 : i32
    %add3A_18 = arith.addi %mul3A_2, %add3A_17 : i32
    %run_scoped3A_19 = arith.constant 3 : i32
    "tpu.region"() ({
      %run_scoped3A_50 = tpu.sem_alloc : memref<!tpu.dma_semaphore, #tpu.memory_space<semaphore_mem>>
      %dma_start3A = tpu.memref_slice %arg3[%run_scoped3A_19, %add3A_18] : memref<10x8192xi32, #tpu.memory_space<hbm>> -> memref<1x128xi32, #tpu.memory_space<hbm>>
      %dma_start3A_51 = tpu.memref_squeeze %dma_start3A : memref<1x128xi32, #tpu.memory_space<hbm>> -> memref<128xi32, #tpu.memory_space<hbm>>
      %dma_start3A_52 = tpu.memref_slice %arg3[%run_scoped3A_19, %add3A_18] : memref<10x8192xi32, #tpu.memory_space<hbm>> -> memref<1x128xi32, #tpu.memory_space<hbm>>
      %dma_start3A_53 = tpu.memref_squeeze %dma_start3A_52 : memref<1x128xi32, #tpu.memory_space<hbm>> -> memref<128xi32, #tpu.memory_space<hbm>>
      tpu.enqueue_dma source(%dma_start3A_53 : memref<128xi32, #tpu.memory_space<hbm>>) target(%arg7 : memref<128xi32, #tpu.memory_space<vmem>>) target_semaphore(%run_scoped3A_50 : memref<!tpu.dma_semaphore, #tpu.memory_space<semaphore_mem>>)
      %dma_wait3A = tpu.memref_slice %arg3[%run_scoped3A_19, %add3A_18] : memref<10x8192xi32, #tpu.memory_space<hbm>> -> memref<1x128xi32, #tpu.memory_space<hbm>>
      %dma_wait3A_54 = tpu.memref_squeeze %dma_wait3A : memref<1x128xi32, #tpu.memory_space<hbm>> -> memref<128xi32, #tpu.memory_space<hbm>>
      %dma_wait3A_55 = tpu.memref_slice %arg3[%run_scoped3A_19, %add3A_18] : memref<10x8192xi32, #tpu.memory_space<hbm>> -> memref<1x128xi32, #tpu.memory_space<hbm>>
      %dma_wait3A_56 = tpu.memref_squeeze %dma_wait3A_55 : memref<1x128xi32, #tpu.memory_space<hbm>> -> memref<128xi32, #tpu.memory_space<hbm>>
      tpu.wait_dma2 semaphore(%run_scoped3A_50 : memref<!tpu.dma_semaphore, #tpu.memory_space<semaphore_mem>>) src(%dma_wait3A_56 : memref<128xi32, #tpu.memory_space<hbm>>) dst(%arg7 : memref<128xi32, #tpu.memory_space<vmem>>)
      tpu.yield
    }) : () -> ()
    "tpu.region"() ({
      %run_scoped3A_50 = tpu.sem_alloc : memref<!tpu.dma_semaphore, #tpu.memory_space<semaphore_mem>>
      %dma_start3A = arith.constant 0 : i32
      %dma_start3A_51 = arith.constant 0 : i32
      %dma_start3A_52 = tpu.memref_slice %arg8[%dma_start3A, %dma_start3A_51] : memref<256x128xf32, #tpu.memory_space<vmem>> -> memref<128x128xf32, #tpu.memory_space<vmem>>
      %dma_start3A_53 = arith.constant 0 : i32
      %dma_start3A_54 = arith.constant 0 : i32
      %dma_start3A_55 = tpu.memref_slice %arg9[%dma_start3A_53, %dma_start3A_54] : memref<8208x128xf32, #tpu.memory_space<vmem_shared>> -> memref<8208x128xf32, #tpu.memory_space<vmem_shared>>
      tpu.enqueue_indirect_dma source(%dma_start3A_52 : memref<128x128xf32, #tpu.memory_space<vmem>>) target(%dma_start3A_55 : memref<8208x128xf32, #tpu.memory_space<vmem_shared>>) offsets(%arg6 : memref<128xi32, #tpu.memory_space<vmem>>) semaphore(%run_scoped3A_50 : memref<!tpu.dma_semaphore, #tpu.memory_space<semaphore_mem>>) {add = true}
      %dma_wait3A = arith.constant 0 : i32
      %dma_wait3A_56 = arith.constant 0 : i32
      %dma_wait3A_57 = tpu.memref_slice %arg8[%dma_wait3A, %dma_wait3A_56] : memref<256x128xf32, #tpu.memory_space<vmem>> -> memref<128x128xf32, #tpu.memory_space<vmem>>
      %dma_wait3A_58 = arith.constant 0 : i32
      %dma_wait3A_59 = arith.constant 0 : i32
      %dma_wait3A_60 = tpu.memref_slice %arg9[%dma_wait3A_58, %dma_wait3A_59] : memref<8208x128xf32, #tpu.memory_space<vmem_shared>> -> memref<8208x128xf32, #tpu.memory_space<vmem_shared>>
      tpu.wait_indirect_dma semaphore(%run_scoped3A_50 : memref<!tpu.dma_semaphore, #tpu.memory_space<semaphore_mem>>) src(%dma_wait3A_57 : memref<128x128xf32, #tpu.memory_space<vmem>>) dst(%dma_wait3A_60 : memref<8208x128xf32, #tpu.memory_space<vmem_shared>>)
      tpu.yield
    }) : () -> ()
    "tpu.region"() ({
      %run_scoped3A_50 = tpu.sem_alloc : memref<!tpu.dma_semaphore, #tpu.memory_space<semaphore_mem>>
      %dma_start3A = arith.constant 128 : i32
      %dma_start3A_51 = arith.constant 0 : i32
      %dma_start3A_52 = tpu.memref_slice %arg8[%dma_start3A, %dma_start3A_51] : memref<256x128xf32, #tpu.memory_space<vmem>> -> memref<128x128xf32, #tpu.memory_space<vmem>>
      %dma_start3A_53 = arith.constant 0 : i32
      %dma_start3A_54 = arith.constant 0 : i32
      %dma_start3A_55 = tpu.memref_slice %arg9[%dma_start3A_53, %dma_start3A_54] : memref<8208x128xf32, #tpu.memory_space<vmem_shared>> -> memref<8208x128xf32, #tpu.memory_space<vmem_shared>>
      tpu.enqueue_indirect_dma source(%dma_start3A_52 : memref<128x128xf32, #tpu.memory_space<vmem>>) target(%dma_start3A_55 : memref<8208x128xf32, #tpu.memory_space<vmem_shared>>) offsets(%arg7 : memref<128xi32, #tpu.memory_space<vmem>>) semaphore(%run_scoped3A_50 : memref<!tpu.dma_semaphore, #tpu.memory_space<semaphore_mem>>) {add = true}
      %dma_wait3A = arith.constant 128 : i32
      %dma_wait3A_56 = arith.constant 0 : i32
      %dma_wait3A_57 = tpu.memref_slice %arg8[%dma_wait3A, %dma_wait3A_56] : memref<256x128xf32, #tpu.memory_space<vmem>> -> memref<128x128xf32, #tpu.memory_space<vmem>>
      %dma_wait3A_58 = arith.constant 0 : i32
      %dma_wait3A_59 = arith.constant 0 : i32
      %dma_wait3A_60 = tpu.memref_slice %arg9[%dma_wait3A_58, %dma_wait3A_59] : memref<8208x128xf32, #tpu.memory_space<vmem_shared>> -> memref<8208x128xf32, #tpu.memory_space<vmem_shared>>
      tpu.wait_indirect_dma semaphore(%run_scoped3A_50 : memref<!tpu.dma_semaphore, #tpu.memory_space<semaphore_mem>>) src(%dma_wait3A_57 : memref<128x128xf32, #tpu.memory_space<vmem>>) dst(%dma_wait3A_60 : memref<8208x128xf32, #tpu.memory_space<vmem_shared>>)
      tpu.yield
    }) : () -> ()
    %run_scoped3A_20 = arith.constant 4 : i32
    "tpu.region"() ({
      %run_scoped3A_50 = tpu.sem_alloc : memref<!tpu.dma_semaphore, #tpu.memory_space<semaphore_mem>>
      %dma_start3A = tpu.memref_slice %arg3[%run_scoped3A_20, %mul3A_2] : memref<10x8192xi32, #tpu.memory_space<hbm>> -> memref<1x128xi32, #tpu.memory_space<hbm>>
      %dma_start3A_51 = tpu.memref_squeeze %dma_start3A : memref<1x128xi32, #tpu.memory_space<hbm>> -> memref<128xi32, #tpu.memory_space<hbm>>
      %dma_start3A_52 = tpu.memref_slice %arg3[%run_scoped3A_20, %mul3A_2] : memref<10x8192xi32, #tpu.memory_space<hbm>> -> memref<1x128xi32, #tpu.memory_space<hbm>>
      %dma_start3A_53 = tpu.memref_squeeze %dma_start3A_52 : memref<1x128xi32, #tpu.memory_space<hbm>> -> memref<128xi32, #tpu.memory_space<hbm>>
      tpu.enqueue_dma source(%dma_start3A_53 : memref<128xi32, #tpu.memory_space<hbm>>) target(%arg6 : memref<128xi32, #tpu.memory_space<vmem>>) target_semaphore(%run_scoped3A_50 : memref<!tpu.dma_semaphore, #tpu.memory_space<semaphore_mem>>)
      %dma_wait3A = tpu.memref_slice %arg3[%run_scoped3A_20, %mul3A_2] : memref<10x8192xi32, #tpu.memory_space<hbm>> -> memref<1x128xi32, #tpu.memory_space<hbm>>
      %dma_wait3A_54 = tpu.memref_squeeze %dma_wait3A : memref<1x128xi32, #tpu.memory_space<hbm>> -> memref<128xi32, #tpu.memory_space<hbm>>
      %dma_wait3A_55 = tpu.memref_slice %arg3[%run_scoped3A_20, %mul3A_2] : memref<10x8192xi32, #tpu.memory_space<hbm>> -> memref<1x128xi32, #tpu.memory_space<hbm>>
      %dma_wait3A_56 = tpu.memref_squeeze %dma_wait3A_55 : memref<1x128xi32, #tpu.memory_space<hbm>> -> memref<128xi32, #tpu.memory_space<hbm>>
      tpu.wait_dma2 semaphore(%run_scoped3A_50 : memref<!tpu.dma_semaphore, #tpu.memory_space<semaphore_mem>>) src(%dma_wait3A_56 : memref<128xi32, #tpu.memory_space<hbm>>) dst(%arg6 : memref<128xi32, #tpu.memory_space<vmem>>)
      tpu.yield
    }) : () -> ()
    %add3A_21 = arith.constant 128 : i32
    %add3A_22 = arith.addi %mul3A_2, %add3A_21 : i32
    %run_scoped3A_23 = arith.constant 4 : i32
    "tpu.region"() ({
      %run_scoped3A_50 = tpu.sem_alloc : memref<!tpu.dma_semaphore, #tpu.memory_space<semaphore_mem>>
      %dma_start3A = tpu.memref_slice %arg3[%run_scoped3A_23, %add3A_22] : memref<10x8192xi32, #tpu.memory_space<hbm>> -> memref<1x128xi32, #tpu.memory_space<hbm>>
      %dma_start3A_51 = tpu.memref_squeeze %dma_start3A : memref<1x128xi32, #tpu.memory_space<hbm>> -> memref<128xi32, #tpu.memory_space<hbm>>
      %dma_start3A_52 = tpu.memref_slice %arg3[%run_scoped3A_23, %add3A_22] : memref<10x8192xi32, #tpu.memory_space<hbm>> -> memref<1x128xi32, #tpu.memory_space<hbm>>
      %dma_start3A_53 = tpu.memref_squeeze %dma_start3A_52 : memref<1x128xi32, #tpu.memory_space<hbm>> -> memref<128xi32, #tpu.memory_space<hbm>>
      tpu.enqueue_dma source(%dma_start3A_53 : memref<128xi32, #tpu.memory_space<hbm>>) target(%arg7 : memref<128xi32, #tpu.memory_space<vmem>>) target_semaphore(%run_scoped3A_50 : memref<!tpu.dma_semaphore, #tpu.memory_space<semaphore_mem>>)
      %dma_wait3A = tpu.memref_slice %arg3[%run_scoped3A_23, %add3A_22] : memref<10x8192xi32, #tpu.memory_space<hbm>> -> memref<1x128xi32, #tpu.memory_space<hbm>>
      %dma_wait3A_54 = tpu.memref_squeeze %dma_wait3A : memref<1x128xi32, #tpu.memory_space<hbm>> -> memref<128xi32, #tpu.memory_space<hbm>>
      %dma_wait3A_55 = tpu.memref_slice %arg3[%run_scoped3A_23, %add3A_22] : memref<10x8192xi32, #tpu.memory_space<hbm>> -> memref<1x128xi32, #tpu.memory_space<hbm>>
      %dma_wait3A_56 = tpu.memref_squeeze %dma_wait3A_55 : memref<1x128xi32, #tpu.memory_space<hbm>> -> memref<128xi32, #tpu.memory_space<hbm>>
      tpu.wait_dma2 semaphore(%run_scoped3A_50 : memref<!tpu.dma_semaphore, #tpu.memory_space<semaphore_mem>>) src(%dma_wait3A_56 : memref<128xi32, #tpu.memory_space<hbm>>) dst(%arg7 : memref<128xi32, #tpu.memory_space<vmem>>)
      tpu.yield
    }) : () -> ()
    "tpu.region"() ({
      %run_scoped3A_50 = tpu.sem_alloc : memref<!tpu.dma_semaphore, #tpu.memory_space<semaphore_mem>>
      %dma_start3A = arith.constant 0 : i32
      %dma_start3A_51 = arith.constant 0 : i32
      %dma_start3A_52 = tpu.memref_slice %arg8[%dma_start3A, %dma_start3A_51] : memref<256x128xf32, #tpu.memory_space<vmem>> -> memref<128x128xf32, #tpu.memory_space<vmem>>
      %dma_start3A_53 = arith.constant 0 : i32
      %dma_start3A_54 = arith.constant 0 : i32
      %dma_start3A_55 = tpu.memref_slice %arg9[%dma_start3A_53, %dma_start3A_54] : memref<8208x128xf32, #tpu.memory_space<vmem_shared>> -> memref<8208x128xf32, #tpu.memory_space<vmem_shared>>
      tpu.enqueue_indirect_dma source(%dma_start3A_52 : memref<128x128xf32, #tpu.memory_space<vmem>>) target(%dma_start3A_55 : memref<8208x128xf32, #tpu.memory_space<vmem_shared>>) offsets(%arg6 : memref<128xi32, #tpu.memory_space<vmem>>) semaphore(%run_scoped3A_50 : memref<!tpu.dma_semaphore, #tpu.memory_space<semaphore_mem>>) {add = true}
      %dma_wait3A = arith.constant 0 : i32
      %dma_wait3A_56 = arith.constant 0 : i32
      %dma_wait3A_57 = tpu.memref_slice %arg8[%dma_wait3A, %dma_wait3A_56] : memref<256x128xf32, #tpu.memory_space<vmem>> -> memref<128x128xf32, #tpu.memory_space<vmem>>
      %dma_wait3A_58 = arith.constant 0 : i32
      %dma_wait3A_59 = arith.constant 0 : i32
      %dma_wait3A_60 = tpu.memref_slice %arg9[%dma_wait3A_58, %dma_wait3A_59] : memref<8208x128xf32, #tpu.memory_space<vmem_shared>> -> memref<8208x128xf32, #tpu.memory_space<vmem_shared>>
      tpu.wait_indirect_dma semaphore(%run_scoped3A_50 : memref<!tpu.dma_semaphore, #tpu.memory_space<semaphore_mem>>) src(%dma_wait3A_57 : memref<128x128xf32, #tpu.memory_space<vmem>>) dst(%dma_wait3A_60 : memref<8208x128xf32, #tpu.memory_space<vmem_shared>>)
      tpu.yield
    }) : () -> ()
    "tpu.region"() ({
      %run_scoped3A_50 = tpu.sem_alloc : memref<!tpu.dma_semaphore, #tpu.memory_space<semaphore_mem>>
      %dma_start3A = arith.constant 128 : i32
      %dma_start3A_51 = arith.constant 0 : i32
      %dma_start3A_52 = tpu.memref_slice %arg8[%dma_start3A, %dma_start3A_51] : memref<256x128xf32, #tpu.memory_space<vmem>> -> memref<128x128xf32, #tpu.memory_space<vmem>>
      %dma_start3A_53 = arith.constant 0 : i32
      %dma_start3A_54 = arith.constant 0 : i32
      %dma_start3A_55 = tpu.memref_slice %arg9[%dma_start3A_53, %dma_start3A_54] : memref<8208x128xf32, #tpu.memory_space<vmem_shared>> -> memref<8208x128xf32, #tpu.memory_space<vmem_shared>>
      tpu.enqueue_indirect_dma source(%dma_start3A_52 : memref<128x128xf32, #tpu.memory_space<vmem>>) target(%dma_start3A_55 : memref<8208x128xf32, #tpu.memory_space<vmem_shared>>) offsets(%arg7 : memref<128xi32, #tpu.memory_space<vmem>>) semaphore(%run_scoped3A_50 : memref<!tpu.dma_semaphore, #tpu.memory_space<semaphore_mem>>) {add = true}
      %dma_wait3A = arith.constant 128 : i32
      %dma_wait3A_56 = arith.constant 0 : i32
      %dma_wait3A_57 = tpu.memref_slice %arg8[%dma_wait3A, %dma_wait3A_56] : memref<256x128xf32, #tpu.memory_space<vmem>> -> memref<128x128xf32, #tpu.memory_space<vmem>>
      %dma_wait3A_58 = arith.constant 0 : i32
      %dma_wait3A_59 = arith.constant 0 : i32
      %dma_wait3A_60 = tpu.memref_slice %arg9[%dma_wait3A_58, %dma_wait3A_59] : memref<8208x128xf32, #tpu.memory_space<vmem_shared>> -> memref<8208x128xf32, #tpu.memory_space<vmem_shared>>
      tpu.wait_indirect_dma semaphore(%run_scoped3A_50 : memref<!tpu.dma_semaphore, #tpu.memory_space<semaphore_mem>>) src(%dma_wait3A_57 : memref<128x128xf32, #tpu.memory_space<vmem>>) dst(%dma_wait3A_60 : memref<8208x128xf32, #tpu.memory_space<vmem_shared>>)
      tpu.yield
    }) : () -> ()
    %run_scoped3A_24 = arith.constant 5 : i32
    "tpu.region"() ({
      %run_scoped3A_50 = tpu.sem_alloc : memref<!tpu.dma_semaphore, #tpu.memory_space<semaphore_mem>>
      %dma_start3A = tpu.memref_slice %arg3[%run_scoped3A_24, %mul3A_2] : memref<10x8192xi32, #tpu.memory_space<hbm>> -> memref<1x128xi32, #tpu.memory_space<hbm>>
      %dma_start3A_51 = tpu.memref_squeeze %dma_start3A : memref<1x128xi32, #tpu.memory_space<hbm>> -> memref<128xi32, #tpu.memory_space<hbm>>
      %dma_start3A_52 = tpu.memref_slice %arg3[%run_scoped3A_24, %mul3A_2] : memref<10x8192xi32, #tpu.memory_space<hbm>> -> memref<1x128xi32, #tpu.memory_space<hbm>>
      %dma_start3A_53 = tpu.memref_squeeze %dma_start3A_52 : memref<1x128xi32, #tpu.memory_space<hbm>> -> memref<128xi32, #tpu.memory_space<hbm>>
      tpu.enqueue_dma source(%dma_start3A_53 : memref<128xi32, #tpu.memory_space<hbm>>) target(%arg6 : memref<128xi32, #tpu.memory_space<vmem>>) target_semaphore(%run_scoped3A_50 : memref<!tpu.dma_semaphore, #tpu.memory_space<semaphore_mem>>)
      %dma_wait3A = tpu.memref_slice %arg3[%run_scoped3A_24, %mul3A_2] : memref<10x8192xi32, #tpu.memory_space<hbm>> -> memref<1x128xi32, #tpu.memory_space<hbm>>
      %dma_wait3A_54 = tpu.memref_squeeze %dma_wait3A : memref<1x128xi32, #tpu.memory_space<hbm>> -> memref<128xi32, #tpu.memory_space<hbm>>
      %dma_wait3A_55 = tpu.memref_slice %arg3[%run_scoped3A_24, %mul3A_2] : memref<10x8192xi32, #tpu.memory_space<hbm>> -> memref<1x128xi32, #tpu.memory_space<hbm>>
      %dma_wait3A_56 = tpu.memref_squeeze %dma_wait3A_55 : memref<1x128xi32, #tpu.memory_space<hbm>> -> memref<128xi32, #tpu.memory_space<hbm>>
      tpu.wait_dma2 semaphore(%run_scoped3A_50 : memref<!tpu.dma_semaphore, #tpu.memory_space<semaphore_mem>>) src(%dma_wait3A_56 : memref<128xi32, #tpu.memory_space<hbm>>) dst(%arg6 : memref<128xi32, #tpu.memory_space<vmem>>)
      tpu.yield
    }) : () -> ()
    %add3A_25 = arith.constant 128 : i32
    %add3A_26 = arith.addi %mul3A_2, %add3A_25 : i32
    %run_scoped3A_27 = arith.constant 5 : i32
    "tpu.region"() ({
      %run_scoped3A_50 = tpu.sem_alloc : memref<!tpu.dma_semaphore, #tpu.memory_space<semaphore_mem>>
      %dma_start3A = tpu.memref_slice %arg3[%run_scoped3A_27, %add3A_26] : memref<10x8192xi32, #tpu.memory_space<hbm>> -> memref<1x128xi32, #tpu.memory_space<hbm>>
      %dma_start3A_51 = tpu.memref_squeeze %dma_start3A : memref<1x128xi32, #tpu.memory_space<hbm>> -> memref<128xi32, #tpu.memory_space<hbm>>
      %dma_start3A_52 = tpu.memref_slice %arg3[%run_scoped3A_27, %add3A_26] : memref<10x8192xi32, #tpu.memory_space<hbm>> -> memref<1x128xi32, #tpu.memory_space<hbm>>
      %dma_start3A_53 = tpu.memref_squeeze %dma_start3A_52 : memref<1x128xi32, #tpu.memory_space<hbm>> -> memref<128xi32, #tpu.memory_space<hbm>>
      tpu.enqueue_dma source(%dma_start3A_53 : memref<128xi32, #tpu.memory_space<hbm>>) target(%arg7 : memref<128xi32, #tpu.memory_space<vmem>>) target_semaphore(%run_scoped3A_50 : memref<!tpu.dma_semaphore, #tpu.memory_space<semaphore_mem>>)
      %dma_wait3A = tpu.memref_slice %arg3[%run_scoped3A_27, %add3A_26] : memref<10x8192xi32, #tpu.memory_space<hbm>> -> memref<1x128xi32, #tpu.memory_space<hbm>>
      %dma_wait3A_54 = tpu.memref_squeeze %dma_wait3A : memref<1x128xi32, #tpu.memory_space<hbm>> -> memref<128xi32, #tpu.memory_space<hbm>>
      %dma_wait3A_55 = tpu.memref_slice %arg3[%run_scoped3A_27, %add3A_26] : memref<10x8192xi32, #tpu.memory_space<hbm>> -> memref<1x128xi32, #tpu.memory_space<hbm>>
      %dma_wait3A_56 = tpu.memref_squeeze %dma_wait3A_55 : memref<1x128xi32, #tpu.memory_space<hbm>> -> memref<128xi32, #tpu.memory_space<hbm>>
      tpu.wait_dma2 semaphore(%run_scoped3A_50 : memref<!tpu.dma_semaphore, #tpu.memory_space<semaphore_mem>>) src(%dma_wait3A_56 : memref<128xi32, #tpu.memory_space<hbm>>) dst(%arg7 : memref<128xi32, #tpu.memory_space<vmem>>)
      tpu.yield
    }) : () -> ()
    "tpu.region"() ({
      %run_scoped3A_50 = tpu.sem_alloc : memref<!tpu.dma_semaphore, #tpu.memory_space<semaphore_mem>>
      %dma_start3A = arith.constant 0 : i32
      %dma_start3A_51 = arith.constant 0 : i32
      %dma_start3A_52 = tpu.memref_slice %arg8[%dma_start3A, %dma_start3A_51] : memref<256x128xf32, #tpu.memory_space<vmem>> -> memref<128x128xf32, #tpu.memory_space<vmem>>
      %dma_start3A_53 = arith.constant 0 : i32
      %dma_start3A_54 = arith.constant 0 : i32
      %dma_start3A_55 = tpu.memref_slice %arg9[%dma_start3A_53, %dma_start3A_54] : memref<8208x128xf32, #tpu.memory_space<vmem_shared>> -> memref<8208x128xf32, #tpu.memory_space<vmem_shared>>
      tpu.enqueue_indirect_dma source(%dma_start3A_52 : memref<128x128xf32, #tpu.memory_space<vmem>>) target(%dma_start3A_55 : memref<8208x128xf32, #tpu.memory_space<vmem_shared>>) offsets(%arg6 : memref<128xi32, #tpu.memory_space<vmem>>) semaphore(%run_scoped3A_50 : memref<!tpu.dma_semaphore, #tpu.memory_space<semaphore_mem>>) {add = true}
      %dma_wait3A = arith.constant 0 : i32
      %dma_wait3A_56 = arith.constant 0 : i32
      %dma_wait3A_57 = tpu.memref_slice %arg8[%dma_wait3A, %dma_wait3A_56] : memref<256x128xf32, #tpu.memory_space<vmem>> -> memref<128x128xf32, #tpu.memory_space<vmem>>
      %dma_wait3A_58 = arith.constant 0 : i32
      %dma_wait3A_59 = arith.constant 0 : i32
      %dma_wait3A_60 = tpu.memref_slice %arg9[%dma_wait3A_58, %dma_wait3A_59] : memref<8208x128xf32, #tpu.memory_space<vmem_shared>> -> memref<8208x128xf32, #tpu.memory_space<vmem_shared>>
      tpu.wait_indirect_dma semaphore(%run_scoped3A_50 : memref<!tpu.dma_semaphore, #tpu.memory_space<semaphore_mem>>) src(%dma_wait3A_57 : memref<128x128xf32, #tpu.memory_space<vmem>>) dst(%dma_wait3A_60 : memref<8208x128xf32, #tpu.memory_space<vmem_shared>>)
      tpu.yield
    }) : () -> ()
    "tpu.region"() ({
      %run_scoped3A_50 = tpu.sem_alloc : memref<!tpu.dma_semaphore, #tpu.memory_space<semaphore_mem>>
      %dma_start3A = arith.constant 128 : i32
      %dma_start3A_51 = arith.constant 0 : i32
      %dma_start3A_52 = tpu.memref_slice %arg8[%dma_start3A, %dma_start3A_51] : memref<256x128xf32, #tpu.memory_space<vmem>> -> memref<128x128xf32, #tpu.memory_space<vmem>>
      %dma_start3A_53 = arith.constant 0 : i32
      %dma_start3A_54 = arith.constant 0 : i32
      %dma_start3A_55 = tpu.memref_slice %arg9[%dma_start3A_53, %dma_start3A_54] : memref<8208x128xf32, #tpu.memory_space<vmem_shared>> -> memref<8208x128xf32, #tpu.memory_space<vmem_shared>>
      tpu.enqueue_indirect_dma source(%dma_start3A_52 : memref<128x128xf32, #tpu.memory_space<vmem>>) target(%dma_start3A_55 : memref<8208x128xf32, #tpu.memory_space<vmem_shared>>) offsets(%arg7 : memref<128xi32, #tpu.memory_space<vmem>>) semaphore(%run_scoped3A_50 : memref<!tpu.dma_semaphore, #tpu.memory_space<semaphore_mem>>) {add = true}
      %dma_wait3A = arith.constant 128 : i32
      %dma_wait3A_56 = arith.constant 0 : i32
      %dma_wait3A_57 = tpu.memref_slice %arg8[%dma_wait3A, %dma_wait3A_56] : memref<256x128xf32, #tpu.memory_space<vmem>> -> memref<128x128xf32, #tpu.memory_space<vmem>>
      %dma_wait3A_58 = arith.constant 0 : i32
      %dma_wait3A_59 = arith.constant 0 : i32
      %dma_wait3A_60 = tpu.memref_slice %arg9[%dma_wait3A_58, %dma_wait3A_59] : memref<8208x128xf32, #tpu.memory_space<vmem_shared>> -> memref<8208x128xf32, #tpu.memory_space<vmem_shared>>
      tpu.wait_indirect_dma semaphore(%run_scoped3A_50 : memref<!tpu.dma_semaphore, #tpu.memory_space<semaphore_mem>>) src(%dma_wait3A_57 : memref<128x128xf32, #tpu.memory_space<vmem>>) dst(%dma_wait3A_60 : memref<8208x128xf32, #tpu.memory_space<vmem_shared>>)
      tpu.yield
    }) : () -> ()
    %run_scoped3A_28 = arith.constant 6 : i32
    "tpu.region"() ({
      %run_scoped3A_50 = tpu.sem_alloc : memref<!tpu.dma_semaphore, #tpu.memory_space<semaphore_mem>>
      %dma_start3A = tpu.memref_slice %arg3[%run_scoped3A_28, %mul3A_2] : memref<10x8192xi32, #tpu.memory_space<hbm>> -> memref<1x128xi32, #tpu.memory_space<hbm>>
      %dma_start3A_51 = tpu.memref_squeeze %dma_start3A : memref<1x128xi32, #tpu.memory_space<hbm>> -> memref<128xi32, #tpu.memory_space<hbm>>
      %dma_start3A_52 = tpu.memref_slice %arg3[%run_scoped3A_28, %mul3A_2] : memref<10x8192xi32, #tpu.memory_space<hbm>> -> memref<1x128xi32, #tpu.memory_space<hbm>>
      %dma_start3A_53 = tpu.memref_squeeze %dma_start3A_52 : memref<1x128xi32, #tpu.memory_space<hbm>> -> memref<128xi32, #tpu.memory_space<hbm>>
      tpu.enqueue_dma source(%dma_start3A_53 : memref<128xi32, #tpu.memory_space<hbm>>) target(%arg6 : memref<128xi32, #tpu.memory_space<vmem>>) target_semaphore(%run_scoped3A_50 : memref<!tpu.dma_semaphore, #tpu.memory_space<semaphore_mem>>)
      %dma_wait3A = tpu.memref_slice %arg3[%run_scoped3A_28, %mul3A_2] : memref<10x8192xi32, #tpu.memory_space<hbm>> -> memref<1x128xi32, #tpu.memory_space<hbm>>
      %dma_wait3A_54 = tpu.memref_squeeze %dma_wait3A : memref<1x128xi32, #tpu.memory_space<hbm>> -> memref<128xi32, #tpu.memory_space<hbm>>
      %dma_wait3A_55 = tpu.memref_slice %arg3[%run_scoped3A_28, %mul3A_2] : memref<10x8192xi32, #tpu.memory_space<hbm>> -> memref<1x128xi32, #tpu.memory_space<hbm>>
      %dma_wait3A_56 = tpu.memref_squeeze %dma_wait3A_55 : memref<1x128xi32, #tpu.memory_space<hbm>> -> memref<128xi32, #tpu.memory_space<hbm>>
      tpu.wait_dma2 semaphore(%run_scoped3A_50 : memref<!tpu.dma_semaphore, #tpu.memory_space<semaphore_mem>>) src(%dma_wait3A_56 : memref<128xi32, #tpu.memory_space<hbm>>) dst(%arg6 : memref<128xi32, #tpu.memory_space<vmem>>)
      tpu.yield
    }) : () -> ()
    %add3A_29 = arith.constant 128 : i32
    %add3A_30 = arith.addi %mul3A_2, %add3A_29 : i32
    %run_scoped3A_31 = arith.constant 6 : i32
    "tpu.region"() ({
      %run_scoped3A_50 = tpu.sem_alloc : memref<!tpu.dma_semaphore, #tpu.memory_space<semaphore_mem>>
      %dma_start3A = tpu.memref_slice %arg3[%run_scoped3A_31, %add3A_30] : memref<10x8192xi32, #tpu.memory_space<hbm>> -> memref<1x128xi32, #tpu.memory_space<hbm>>
      %dma_start3A_51 = tpu.memref_squeeze %dma_start3A : memref<1x128xi32, #tpu.memory_space<hbm>> -> memref<128xi32, #tpu.memory_space<hbm>>
      %dma_start3A_52 = tpu.memref_slice %arg3[%run_scoped3A_31, %add3A_30] : memref<10x8192xi32, #tpu.memory_space<hbm>> -> memref<1x128xi32, #tpu.memory_space<hbm>>
      %dma_start3A_53 = tpu.memref_squeeze %dma_start3A_52 : memref<1x128xi32, #tpu.memory_space<hbm>> -> memref<128xi32, #tpu.memory_space<hbm>>
      tpu.enqueue_dma source(%dma_start3A_53 : memref<128xi32, #tpu.memory_space<hbm>>) target(%arg7 : memref<128xi32, #tpu.memory_space<vmem>>) target_semaphore(%run_scoped3A_50 : memref<!tpu.dma_semaphore, #tpu.memory_space<semaphore_mem>>)
      %dma_wait3A = tpu.memref_slice %arg3[%run_scoped3A_31, %add3A_30] : memref<10x8192xi32, #tpu.memory_space<hbm>> -> memref<1x128xi32, #tpu.memory_space<hbm>>
      %dma_wait3A_54 = tpu.memref_squeeze %dma_wait3A : memref<1x128xi32, #tpu.memory_space<hbm>> -> memref<128xi32, #tpu.memory_space<hbm>>
      %dma_wait3A_55 = tpu.memref_slice %arg3[%run_scoped3A_31, %add3A_30] : memref<10x8192xi32, #tpu.memory_space<hbm>> -> memref<1x128xi32, #tpu.memory_space<hbm>>
      %dma_wait3A_56 = tpu.memref_squeeze %dma_wait3A_55 : memref<1x128xi32, #tpu.memory_space<hbm>> -> memref<128xi32, #tpu.memory_space<hbm>>
      tpu.wait_dma2 semaphore(%run_scoped3A_50 : memref<!tpu.dma_semaphore, #tpu.memory_space<semaphore_mem>>) src(%dma_wait3A_56 : memref<128xi32, #tpu.memory_space<hbm>>) dst(%arg7 : memref<128xi32, #tpu.memory_space<vmem>>)
      tpu.yield
    }) : () -> ()
    "tpu.region"() ({
      %run_scoped3A_50 = tpu.sem_alloc : memref<!tpu.dma_semaphore, #tpu.memory_space<semaphore_mem>>
      %dma_start3A = arith.constant 0 : i32
      %dma_start3A_51 = arith.constant 0 : i32
      %dma_start3A_52 = tpu.memref_slice %arg8[%dma_start3A, %dma_start3A_51] : memref<256x128xf32, #tpu.memory_space<vmem>> -> memref<128x128xf32, #tpu.memory_space<vmem>>
      %dma_start3A_53 = arith.constant 0 : i32
      %dma_start3A_54 = arith.constant 0 : i32
      %dma_start3A_55 = tpu.memref_slice %arg9[%dma_start3A_53, %dma_start3A_54] : memref<8208x128xf32, #tpu.memory_space<vmem_shared>> -> memref<8208x128xf32, #tpu.memory_space<vmem_shared>>
      tpu.enqueue_indirect_dma source(%dma_start3A_52 : memref<128x128xf32, #tpu.memory_space<vmem>>) target(%dma_start3A_55 : memref<8208x128xf32, #tpu.memory_space<vmem_shared>>) offsets(%arg6 : memref<128xi32, #tpu.memory_space<vmem>>) semaphore(%run_scoped3A_50 : memref<!tpu.dma_semaphore, #tpu.memory_space<semaphore_mem>>) {add = true}
      %dma_wait3A = arith.constant 0 : i32
      %dma_wait3A_56 = arith.constant 0 : i32
      %dma_wait3A_57 = tpu.memref_slice %arg8[%dma_wait3A, %dma_wait3A_56] : memref<256x128xf32, #tpu.memory_space<vmem>> -> memref<128x128xf32, #tpu.memory_space<vmem>>
      %dma_wait3A_58 = arith.constant 0 : i32
      %dma_wait3A_59 = arith.constant 0 : i32
      %dma_wait3A_60 = tpu.memref_slice %arg9[%dma_wait3A_58, %dma_wait3A_59] : memref<8208x128xf32, #tpu.memory_space<vmem_shared>> -> memref<8208x128xf32, #tpu.memory_space<vmem_shared>>
      tpu.wait_indirect_dma semaphore(%run_scoped3A_50 : memref<!tpu.dma_semaphore, #tpu.memory_space<semaphore_mem>>) src(%dma_wait3A_57 : memref<128x128xf32, #tpu.memory_space<vmem>>) dst(%dma_wait3A_60 : memref<8208x128xf32, #tpu.memory_space<vmem_shared>>)
      tpu.yield
    }) : () -> ()
    "tpu.region"() ({
      %run_scoped3A_50 = tpu.sem_alloc : memref<!tpu.dma_semaphore, #tpu.memory_space<semaphore_mem>>
      %dma_start3A = arith.constant 128 : i32
      %dma_start3A_51 = arith.constant 0 : i32
      %dma_start3A_52 = tpu.memref_slice %arg8[%dma_start3A, %dma_start3A_51] : memref<256x128xf32, #tpu.memory_space<vmem>> -> memref<128x128xf32, #tpu.memory_space<vmem>>
      %dma_start3A_53 = arith.constant 0 : i32
      %dma_start3A_54 = arith.constant 0 : i32
      %dma_start3A_55 = tpu.memref_slice %arg9[%dma_start3A_53, %dma_start3A_54] : memref<8208x128xf32, #tpu.memory_space<vmem_shared>> -> memref<8208x128xf32, #tpu.memory_space<vmem_shared>>
      tpu.enqueue_indirect_dma source(%dma_start3A_52 : memref<128x128xf32, #tpu.memory_space<vmem>>) target(%dma_start3A_55 : memref<8208x128xf32, #tpu.memory_space<vmem_shared>>) offsets(%arg7 : memref<128xi32, #tpu.memory_space<vmem>>) semaphore(%run_scoped3A_50 : memref<!tpu.dma_semaphore, #tpu.memory_space<semaphore_mem>>) {add = true}
      %dma_wait3A = arith.constant 128 : i32
      %dma_wait3A_56 = arith.constant 0 : i32
      %dma_wait3A_57 = tpu.memref_slice %arg8[%dma_wait3A, %dma_wait3A_56] : memref<256x128xf32, #tpu.memory_space<vmem>> -> memref<128x128xf32, #tpu.memory_space<vmem>>
      %dma_wait3A_58 = arith.constant 0 : i32
      %dma_wait3A_59 = arith.constant 0 : i32
      %dma_wait3A_60 = tpu.memref_slice %arg9[%dma_wait3A_58, %dma_wait3A_59] : memref<8208x128xf32, #tpu.memory_space<vmem_shared>> -> memref<8208x128xf32, #tpu.memory_space<vmem_shared>>
      tpu.wait_indirect_dma semaphore(%run_scoped3A_50 : memref<!tpu.dma_semaphore, #tpu.memory_space<semaphore_mem>>) src(%dma_wait3A_57 : memref<128x128xf32, #tpu.memory_space<vmem>>) dst(%dma_wait3A_60 : memref<8208x128xf32, #tpu.memory_space<vmem_shared>>)
      tpu.yield
    }) : () -> ()
    %run_scoped3A_32 = arith.constant 7 : i32
    "tpu.region"() ({
      %run_scoped3A_50 = tpu.sem_alloc : memref<!tpu.dma_semaphore, #tpu.memory_space<semaphore_mem>>
      %dma_start3A = tpu.memref_slice %arg3[%run_scoped3A_32, %mul3A_2] : memref<10x8192xi32, #tpu.memory_space<hbm>> -> memref<1x128xi32, #tpu.memory_space<hbm>>
      %dma_start3A_51 = tpu.memref_squeeze %dma_start3A : memref<1x128xi32, #tpu.memory_space<hbm>> -> memref<128xi32, #tpu.memory_space<hbm>>
      %dma_start3A_52 = tpu.memref_slice %arg3[%run_scoped3A_32, %mul3A_2] : memref<10x8192xi32, #tpu.memory_space<hbm>> -> memref<1x128xi32, #tpu.memory_space<hbm>>
      %dma_start3A_53 = tpu.memref_squeeze %dma_start3A_52 : memref<1x128xi32, #tpu.memory_space<hbm>> -> memref<128xi32, #tpu.memory_space<hbm>>
      tpu.enqueue_dma source(%dma_start3A_53 : memref<128xi32, #tpu.memory_space<hbm>>) target(%arg6 : memref<128xi32, #tpu.memory_space<vmem>>) target_semaphore(%run_scoped3A_50 : memref<!tpu.dma_semaphore, #tpu.memory_space<semaphore_mem>>)
      %dma_wait3A = tpu.memref_slice %arg3[%run_scoped3A_32, %mul3A_2] : memref<10x8192xi32, #tpu.memory_space<hbm>> -> memref<1x128xi32, #tpu.memory_space<hbm>>
      %dma_wait3A_54 = tpu.memref_squeeze %dma_wait3A : memref<1x128xi32, #tpu.memory_space<hbm>> -> memref<128xi32, #tpu.memory_space<hbm>>
      %dma_wait3A_55 = tpu.memref_slice %arg3[%run_scoped3A_32, %mul3A_2] : memref<10x8192xi32, #tpu.memory_space<hbm>> -> memref<1x128xi32, #tpu.memory_space<hbm>>
      %dma_wait3A_56 = tpu.memref_squeeze %dma_wait3A_55 : memref<1x128xi32, #tpu.memory_space<hbm>> -> memref<128xi32, #tpu.memory_space<hbm>>
      tpu.wait_dma2 semaphore(%run_scoped3A_50 : memref<!tpu.dma_semaphore, #tpu.memory_space<semaphore_mem>>) src(%dma_wait3A_56 : memref<128xi32, #tpu.memory_space<hbm>>) dst(%arg6 : memref<128xi32, #tpu.memory_space<vmem>>)
      tpu.yield
    }) : () -> ()
    %add3A_33 = arith.constant 128 : i32
    %add3A_34 = arith.addi %mul3A_2, %add3A_33 : i32
    %run_scoped3A_35 = arith.constant 7 : i32
    "tpu.region"() ({
      %run_scoped3A_50 = tpu.sem_alloc : memref<!tpu.dma_semaphore, #tpu.memory_space<semaphore_mem>>
      %dma_start3A = tpu.memref_slice %arg3[%run_scoped3A_35, %add3A_34] : memref<10x8192xi32, #tpu.memory_space<hbm>> -> memref<1x128xi32, #tpu.memory_space<hbm>>
      %dma_start3A_51 = tpu.memref_squeeze %dma_start3A : memref<1x128xi32, #tpu.memory_space<hbm>> -> memref<128xi32, #tpu.memory_space<hbm>>
      %dma_start3A_52 = tpu.memref_slice %arg3[%run_scoped3A_35, %add3A_34] : memref<10x8192xi32, #tpu.memory_space<hbm>> -> memref<1x128xi32, #tpu.memory_space<hbm>>
      %dma_start3A_53 = tpu.memref_squeeze %dma_start3A_52 : memref<1x128xi32, #tpu.memory_space<hbm>> -> memref<128xi32, #tpu.memory_space<hbm>>
      tpu.enqueue_dma source(%dma_start3A_53 : memref<128xi32, #tpu.memory_space<hbm>>) target(%arg7 : memref<128xi32, #tpu.memory_space<vmem>>) target_semaphore(%run_scoped3A_50 : memref<!tpu.dma_semaphore, #tpu.memory_space<semaphore_mem>>)
      %dma_wait3A = tpu.memref_slice %arg3[%run_scoped3A_35, %add3A_34] : memref<10x8192xi32, #tpu.memory_space<hbm>> -> memref<1x128xi32, #tpu.memory_space<hbm>>
      %dma_wait3A_54 = tpu.memref_squeeze %dma_wait3A : memref<1x128xi32, #tpu.memory_space<hbm>> -> memref<128xi32, #tpu.memory_space<hbm>>
      %dma_wait3A_55 = tpu.memref_slice %arg3[%run_scoped3A_35, %add3A_34] : memref<10x8192xi32, #tpu.memory_space<hbm>> -> memref<1x128xi32, #tpu.memory_space<hbm>>
      %dma_wait3A_56 = tpu.memref_squeeze %dma_wait3A_55 : memref<1x128xi32, #tpu.memory_space<hbm>> -> memref<128xi32, #tpu.memory_space<hbm>>
      tpu.wait_dma2 semaphore(%run_scoped3A_50 : memref<!tpu.dma_semaphore, #tpu.memory_space<semaphore_mem>>) src(%dma_wait3A_56 : memref<128xi32, #tpu.memory_space<hbm>>) dst(%arg7 : memref<128xi32, #tpu.memory_space<vmem>>)
      tpu.yield
    }) : () -> ()
    "tpu.region"() ({
      %run_scoped3A_50 = tpu.sem_alloc : memref<!tpu.dma_semaphore, #tpu.memory_space<semaphore_mem>>
      %dma_start3A = arith.constant 0 : i32
      %dma_start3A_51 = arith.constant 0 : i32
      %dma_start3A_52 = tpu.memref_slice %arg8[%dma_start3A, %dma_start3A_51] : memref<256x128xf32, #tpu.memory_space<vmem>> -> memref<128x128xf32, #tpu.memory_space<vmem>>
      %dma_start3A_53 = arith.constant 0 : i32
      %dma_start3A_54 = arith.constant 0 : i32
      %dma_start3A_55 = tpu.memref_slice %arg9[%dma_start3A_53, %dma_start3A_54] : memref<8208x128xf32, #tpu.memory_space<vmem_shared>> -> memref<8208x128xf32, #tpu.memory_space<vmem_shared>>
      tpu.enqueue_indirect_dma source(%dma_start3A_52 : memref<128x128xf32, #tpu.memory_space<vmem>>) target(%dma_start3A_55 : memref<8208x128xf32, #tpu.memory_space<vmem_shared>>) offsets(%arg6 : memref<128xi32, #tpu.memory_space<vmem>>) semaphore(%run_scoped3A_50 : memref<!tpu.dma_semaphore, #tpu.memory_space<semaphore_mem>>) {add = true}
      %dma_wait3A = arith.constant 0 : i32
      %dma_wait3A_56 = arith.constant 0 : i32
      %dma_wait3A_57 = tpu.memref_slice %arg8[%dma_wait3A, %dma_wait3A_56] : memref<256x128xf32, #tpu.memory_space<vmem>> -> memref<128x128xf32, #tpu.memory_space<vmem>>
      %dma_wait3A_58 = arith.constant 0 : i32
      %dma_wait3A_59 = arith.constant 0 : i32
      %dma_wait3A_60 = tpu.memref_slice %arg9[%dma_wait3A_58, %dma_wait3A_59] : memref<8208x128xf32, #tpu.memory_space<vmem_shared>> -> memref<8208x128xf32, #tpu.memory_space<vmem_shared>>
      tpu.wait_indirect_dma semaphore(%run_scoped3A_50 : memref<!tpu.dma_semaphore, #tpu.memory_space<semaphore_mem>>) src(%dma_wait3A_57 : memref<128x128xf32, #tpu.memory_space<vmem>>) dst(%dma_wait3A_60 : memref<8208x128xf32, #tpu.memory_space<vmem_shared>>)
      tpu.yield
    }) : () -> ()
    "tpu.region"() ({
      %run_scoped3A_50 = tpu.sem_alloc : memref<!tpu.dma_semaphore, #tpu.memory_space<semaphore_mem>>
      %dma_start3A = arith.constant 128 : i32
      %dma_start3A_51 = arith.constant 0 : i32
      %dma_start3A_52 = tpu.memref_slice %arg8[%dma_start3A, %dma_start3A_51] : memref<256x128xf32, #tpu.memory_space<vmem>> -> memref<128x128xf32, #tpu.memory_space<vmem>>
      %dma_start3A_53 = arith.constant 0 : i32
      %dma_start3A_54 = arith.constant 0 : i32
      %dma_start3A_55 = tpu.memref_slice %arg9[%dma_start3A_53, %dma_start3A_54] : memref<8208x128xf32, #tpu.memory_space<vmem_shared>> -> memref<8208x128xf32, #tpu.memory_space<vmem_shared>>
      tpu.enqueue_indirect_dma source(%dma_start3A_52 : memref<128x128xf32, #tpu.memory_space<vmem>>) target(%dma_start3A_55 : memref<8208x128xf32, #tpu.memory_space<vmem_shared>>) offsets(%arg7 : memref<128xi32, #tpu.memory_space<vmem>>) semaphore(%run_scoped3A_50 : memref<!tpu.dma_semaphore, #tpu.memory_space<semaphore_mem>>) {add = true}
      %dma_wait3A = arith.constant 128 : i32
      %dma_wait3A_56 = arith.constant 0 : i32
      %dma_wait3A_57 = tpu.memref_slice %arg8[%dma_wait3A, %dma_wait3A_56] : memref<256x128xf32, #tpu.memory_space<vmem>> -> memref<128x128xf32, #tpu.memory_space<vmem>>
      %dma_wait3A_58 = arith.constant 0 : i32
      %dma_wait3A_59 = arith.constant 0 : i32
      %dma_wait3A_60 = tpu.memref_slice %arg9[%dma_wait3A_58, %dma_wait3A_59] : memref<8208x128xf32, #tpu.memory_space<vmem_shared>> -> memref<8208x128xf32, #tpu.memory_space<vmem_shared>>
      tpu.wait_indirect_dma semaphore(%run_scoped3A_50 : memref<!tpu.dma_semaphore, #tpu.memory_space<semaphore_mem>>) src(%dma_wait3A_57 : memref<128x128xf32, #tpu.memory_space<vmem>>) dst(%dma_wait3A_60 : memref<8208x128xf32, #tpu.memory_space<vmem_shared>>)
      tpu.yield
    }) : () -> ()
    %run_scoped3A_36 = arith.constant 8 : i32
    "tpu.region"() ({
      %run_scoped3A_50 = tpu.sem_alloc : memref<!tpu.dma_semaphore, #tpu.memory_space<semaphore_mem>>
      %dma_start3A = tpu.memref_slice %arg3[%run_scoped3A_36, %mul3A_2] : memref<10x8192xi32, #tpu.memory_space<hbm>> -> memref<1x128xi32, #tpu.memory_space<hbm>>
      %dma_start3A_51 = tpu.memref_squeeze %dma_start3A : memref<1x128xi32, #tpu.memory_space<hbm>> -> memref<128xi32, #tpu.memory_space<hbm>>
      %dma_start3A_52 = tpu.memref_slice %arg3[%run_scoped3A_36, %mul3A_2] : memref<10x8192xi32, #tpu.memory_space<hbm>> -> memref<1x128xi32, #tpu.memory_space<hbm>>
      %dma_start3A_53 = tpu.memref_squeeze %dma_start3A_52 : memref<1x128xi32, #tpu.memory_space<hbm>> -> memref<128xi32, #tpu.memory_space<hbm>>
      tpu.enqueue_dma source(%dma_start3A_53 : memref<128xi32, #tpu.memory_space<hbm>>) target(%arg6 : memref<128xi32, #tpu.memory_space<vmem>>) target_semaphore(%run_scoped3A_50 : memref<!tpu.dma_semaphore, #tpu.memory_space<semaphore_mem>>)
      %dma_wait3A = tpu.memref_slice %arg3[%run_scoped3A_36, %mul3A_2] : memref<10x8192xi32, #tpu.memory_space<hbm>> -> memref<1x128xi32, #tpu.memory_space<hbm>>
      %dma_wait3A_54 = tpu.memref_squeeze %dma_wait3A : memref<1x128xi32, #tpu.memory_space<hbm>> -> memref<128xi32, #tpu.memory_space<hbm>>
      %dma_wait3A_55 = tpu.memref_slice %arg3[%run_scoped3A_36, %mul3A_2] : memref<10x8192xi32, #tpu.memory_space<hbm>> -> memref<1x128xi32, #tpu.memory_space<hbm>>
      %dma_wait3A_56 = tpu.memref_squeeze %dma_wait3A_55 : memref<1x128xi32, #tpu.memory_space<hbm>> -> memref<128xi32, #tpu.memory_space<hbm>>
      tpu.wait_dma2 semaphore(%run_scoped3A_50 : memref<!tpu.dma_semaphore, #tpu.memory_space<semaphore_mem>>) src(%dma_wait3A_56 : memref<128xi32, #tpu.memory_space<hbm>>) dst(%arg6 : memref<128xi32, #tpu.memory_space<vmem>>)
      tpu.yield
    }) : () -> ()
    %add3A_37 = arith.constant 128 : i32
    %add3A_38 = arith.addi %mul3A_2, %add3A_37 : i32
    %run_scoped3A_39 = arith.constant 8 : i32
    "tpu.region"() ({
      %run_scoped3A_50 = tpu.sem_alloc : memref<!tpu.dma_semaphore, #tpu.memory_space<semaphore_mem>>
      %dma_start3A = tpu.memref_slice %arg3[%run_scoped3A_39, %add3A_38] : memref<10x8192xi32, #tpu.memory_space<hbm>> -> memref<1x128xi32, #tpu.memory_space<hbm>>
      %dma_start3A_51 = tpu.memref_squeeze %dma_start3A : memref<1x128xi32, #tpu.memory_space<hbm>> -> memref<128xi32, #tpu.memory_space<hbm>>
      %dma_start3A_52 = tpu.memref_slice %arg3[%run_scoped3A_39, %add3A_38] : memref<10x8192xi32, #tpu.memory_space<hbm>> -> memref<1x128xi32, #tpu.memory_space<hbm>>
      %dma_start3A_53 = tpu.memref_squeeze %dma_start3A_52 : memref<1x128xi32, #tpu.memory_space<hbm>> -> memref<128xi32, #tpu.memory_space<hbm>>
      tpu.enqueue_dma source(%dma_start3A_53 : memref<128xi32, #tpu.memory_space<hbm>>) target(%arg7 : memref<128xi32, #tpu.memory_space<vmem>>) target_semaphore(%run_scoped3A_50 : memref<!tpu.dma_semaphore, #tpu.memory_space<semaphore_mem>>)
      %dma_wait3A = tpu.memref_slice %arg3[%run_scoped3A_39, %add3A_38] : memref<10x8192xi32, #tpu.memory_space<hbm>> -> memref<1x128xi32, #tpu.memory_space<hbm>>
      %dma_wait3A_54 = tpu.memref_squeeze %dma_wait3A : memref<1x128xi32, #tpu.memory_space<hbm>> -> memref<128xi32, #tpu.memory_space<hbm>>
      %dma_wait3A_55 = tpu.memref_slice %arg3[%run_scoped3A_39, %add3A_38] : memref<10x8192xi32, #tpu.memory_space<hbm>> -> memref<1x128xi32, #tpu.memory_space<hbm>>
      %dma_wait3A_56 = tpu.memref_squeeze %dma_wait3A_55 : memref<1x128xi32, #tpu.memory_space<hbm>> -> memref<128xi32, #tpu.memory_space<hbm>>
      tpu.wait_dma2 semaphore(%run_scoped3A_50 : memref<!tpu.dma_semaphore, #tpu.memory_space<semaphore_mem>>) src(%dma_wait3A_56 : memref<128xi32, #tpu.memory_space<hbm>>) dst(%arg7 : memref<128xi32, #tpu.memory_space<vmem>>)
      tpu.yield
    }) : () -> ()
    "tpu.region"() ({
      %run_scoped3A_50 = tpu.sem_alloc : memref<!tpu.dma_semaphore, #tpu.memory_space<semaphore_mem>>
      %dma_start3A = arith.constant 0 : i32
      %dma_start3A_51 = arith.constant 0 : i32
      %dma_start3A_52 = tpu.memref_slice %arg8[%dma_start3A, %dma_start3A_51] : memref<256x128xf32, #tpu.memory_space<vmem>> -> memref<128x128xf32, #tpu.memory_space<vmem>>
      %dma_start3A_53 = arith.constant 0 : i32
      %dma_start3A_54 = arith.constant 0 : i32
      %dma_start3A_55 = tpu.memref_slice %arg9[%dma_start3A_53, %dma_start3A_54] : memref<8208x128xf32, #tpu.memory_space<vmem_shared>> -> memref<8208x128xf32, #tpu.memory_space<vmem_shared>>
      tpu.enqueue_indirect_dma source(%dma_start3A_52 : memref<128x128xf32, #tpu.memory_space<vmem>>) target(%dma_start3A_55 : memref<8208x128xf32, #tpu.memory_space<vmem_shared>>) offsets(%arg6 : memref<128xi32, #tpu.memory_space<vmem>>) semaphore(%run_scoped3A_50 : memref<!tpu.dma_semaphore, #tpu.memory_space<semaphore_mem>>) {add = true}
      %dma_wait3A = arith.constant 0 : i32
      %dma_wait3A_56 = arith.constant 0 : i32
      %dma_wait3A_57 = tpu.memref_slice %arg8[%dma_wait3A, %dma_wait3A_56] : memref<256x128xf32, #tpu.memory_space<vmem>> -> memref<128x128xf32, #tpu.memory_space<vmem>>
      %dma_wait3A_58 = arith.constant 0 : i32
      %dma_wait3A_59 = arith.constant 0 : i32
      %dma_wait3A_60 = tpu.memref_slice %arg9[%dma_wait3A_58, %dma_wait3A_59] : memref<8208x128xf32, #tpu.memory_space<vmem_shared>> -> memref<8208x128xf32, #tpu.memory_space<vmem_shared>>
      tpu.wait_indirect_dma semaphore(%run_scoped3A_50 : memref<!tpu.dma_semaphore, #tpu.memory_space<semaphore_mem>>) src(%dma_wait3A_57 : memref<128x128xf32, #tpu.memory_space<vmem>>) dst(%dma_wait3A_60 : memref<8208x128xf32, #tpu.memory_space<vmem_shared>>)
      tpu.yield
    }) : () -> ()
    "tpu.region"() ({
      %run_scoped3A_50 = tpu.sem_alloc : memref<!tpu.dma_semaphore, #tpu.memory_space<semaphore_mem>>
      %dma_start3A = arith.constant 128 : i32
      %dma_start3A_51 = arith.constant 0 : i32
      %dma_start3A_52 = tpu.memref_slice %arg8[%dma_start3A, %dma_start3A_51] : memref<256x128xf32, #tpu.memory_space<vmem>> -> memref<128x128xf32, #tpu.memory_space<vmem>>
      %dma_start3A_53 = arith.constant 0 : i32
      %dma_start3A_54 = arith.constant 0 : i32
      %dma_start3A_55 = tpu.memref_slice %arg9[%dma_start3A_53, %dma_start3A_54] : memref<8208x128xf32, #tpu.memory_space<vmem_shared>> -> memref<8208x128xf32, #tpu.memory_space<vmem_shared>>
      tpu.enqueue_indirect_dma source(%dma_start3A_52 : memref<128x128xf32, #tpu.memory_space<vmem>>) target(%dma_start3A_55 : memref<8208x128xf32, #tpu.memory_space<vmem_shared>>) offsets(%arg7 : memref<128xi32, #tpu.memory_space<vmem>>) semaphore(%run_scoped3A_50 : memref<!tpu.dma_semaphore, #tpu.memory_space<semaphore_mem>>) {add = true}
      %dma_wait3A = arith.constant 128 : i32
      %dma_wait3A_56 = arith.constant 0 : i32
      %dma_wait3A_57 = tpu.memref_slice %arg8[%dma_wait3A, %dma_wait3A_56] : memref<256x128xf32, #tpu.memory_space<vmem>> -> memref<128x128xf32, #tpu.memory_space<vmem>>
      %dma_wait3A_58 = arith.constant 0 : i32
      %dma_wait3A_59 = arith.constant 0 : i32
      %dma_wait3A_60 = tpu.memref_slice %arg9[%dma_wait3A_58, %dma_wait3A_59] : memref<8208x128xf32, #tpu.memory_space<vmem_shared>> -> memref<8208x128xf32, #tpu.memory_space<vmem_shared>>
      tpu.wait_indirect_dma semaphore(%run_scoped3A_50 : memref<!tpu.dma_semaphore, #tpu.memory_space<semaphore_mem>>) src(%dma_wait3A_57 : memref<128x128xf32, #tpu.memory_space<vmem>>) dst(%dma_wait3A_60 : memref<8208x128xf32, #tpu.memory_space<vmem_shared>>)
      tpu.yield
    }) : () -> ()
    %run_scoped3A_40 = arith.constant 9 : i32
    "tpu.region"() ({
      %run_scoped3A_50 = tpu.sem_alloc : memref<!tpu.dma_semaphore, #tpu.memory_space<semaphore_mem>>
      %dma_start3A = tpu.memref_slice %arg3[%run_scoped3A_40, %mul3A_2] : memref<10x8192xi32, #tpu.memory_space<hbm>> -> memref<1x128xi32, #tpu.memory_space<hbm>>
      %dma_start3A_51 = tpu.memref_squeeze %dma_start3A : memref<1x128xi32, #tpu.memory_space<hbm>> -> memref<128xi32, #tpu.memory_space<hbm>>
      %dma_start3A_52 = tpu.memref_slice %arg3[%run_scoped3A_40, %mul3A_2] : memref<10x8192xi32, #tpu.memory_space<hbm>> -> memref<1x128xi32, #tpu.memory_space<hbm>>
      %dma_start3A_53 = tpu.memref_squeeze %dma_start3A_52 : memref<1x128xi32, #tpu.memory_space<hbm>> -> memref<128xi32, #tpu.memory_space<hbm>>
      tpu.enqueue_dma source(%dma_start3A_53 : memref<128xi32, #tpu.memory_space<hbm>>) target(%arg6 : memref<128xi32, #tpu.memory_space<vmem>>) target_semaphore(%run_scoped3A_50 : memref<!tpu.dma_semaphore, #tpu.memory_space<semaphore_mem>>)
      %dma_wait3A = tpu.memref_slice %arg3[%run_scoped3A_40, %mul3A_2] : memref<10x8192xi32, #tpu.memory_space<hbm>> -> memref<1x128xi32, #tpu.memory_space<hbm>>
      %dma_wait3A_54 = tpu.memref_squeeze %dma_wait3A : memref<1x128xi32, #tpu.memory_space<hbm>> -> memref<128xi32, #tpu.memory_space<hbm>>
      %dma_wait3A_55 = tpu.memref_slice %arg3[%run_scoped3A_40, %mul3A_2] : memref<10x8192xi32, #tpu.memory_space<hbm>> -> memref<1x128xi32, #tpu.memory_space<hbm>>
      %dma_wait3A_56 = tpu.memref_squeeze %dma_wait3A_55 : memref<1x128xi32, #tpu.memory_space<hbm>> -> memref<128xi32, #tpu.memory_space<hbm>>
      tpu.wait_dma2 semaphore(%run_scoped3A_50 : memref<!tpu.dma_semaphore, #tpu.memory_space<semaphore_mem>>) src(%dma_wait3A_56 : memref<128xi32, #tpu.memory_space<hbm>>) dst(%arg6 : memref<128xi32, #tpu.memory_space<vmem>>)
      tpu.yield
    }) : () -> ()
    %add3A_41 = arith.constant 128 : i32
    %add3A_42 = arith.addi %mul3A_2, %add3A_41 : i32
    %run_scoped3A_43 = arith.constant 9 : i32
    "tpu.region"() ({
      %run_scoped3A_50 = tpu.sem_alloc : memref<!tpu.dma_semaphore, #tpu.memory_space<semaphore_mem>>
      %dma_start3A = tpu.memref_slice %arg3[%run_scoped3A_43, %add3A_42] : memref<10x8192xi32, #tpu.memory_space<hbm>> -> memref<1x128xi32, #tpu.memory_space<hbm>>
      %dma_start3A_51 = tpu.memref_squeeze %dma_start3A : memref<1x128xi32, #tpu.memory_space<hbm>> -> memref<128xi32, #tpu.memory_space<hbm>>
      %dma_start3A_52 = tpu.memref_slice %arg3[%run_scoped3A_43, %add3A_42] : memref<10x8192xi32, #tpu.memory_space<hbm>> -> memref<1x128xi32, #tpu.memory_space<hbm>>
      %dma_start3A_53 = tpu.memref_squeeze %dma_start3A_52 : memref<1x128xi32, #tpu.memory_space<hbm>> -> memref<128xi32, #tpu.memory_space<hbm>>
      tpu.enqueue_dma source(%dma_start3A_53 : memref<128xi32, #tpu.memory_space<hbm>>) target(%arg7 : memref<128xi32, #tpu.memory_space<vmem>>) target_semaphore(%run_scoped3A_50 : memref<!tpu.dma_semaphore, #tpu.memory_space<semaphore_mem>>)
      %dma_wait3A = tpu.memref_slice %arg3[%run_scoped3A_43, %add3A_42] : memref<10x8192xi32, #tpu.memory_space<hbm>> -> memref<1x128xi32, #tpu.memory_space<hbm>>
      %dma_wait3A_54 = tpu.memref_squeeze %dma_wait3A : memref<1x128xi32, #tpu.memory_space<hbm>> -> memref<128xi32, #tpu.memory_space<hbm>>
      %dma_wait3A_55 = tpu.memref_slice %arg3[%run_scoped3A_43, %add3A_42] : memref<10x8192xi32, #tpu.memory_space<hbm>> -> memref<1x128xi32, #tpu.memory_space<hbm>>
      %dma_wait3A_56 = tpu.memref_squeeze %dma_wait3A_55 : memref<1x128xi32, #tpu.memory_space<hbm>> -> memref<128xi32, #tpu.memory_space<hbm>>
      tpu.wait_dma2 semaphore(%run_scoped3A_50 : memref<!tpu.dma_semaphore, #tpu.memory_space<semaphore_mem>>) src(%dma_wait3A_56 : memref<128xi32, #tpu.memory_space<hbm>>) dst(%arg7 : memref<128xi32, #tpu.memory_space<vmem>>)
      tpu.yield
    }) : () -> ()
    "tpu.region"() ({
      %run_scoped3A_50 = tpu.sem_alloc : memref<!tpu.dma_semaphore, #tpu.memory_space<semaphore_mem>>
      %dma_start3A = arith.constant 0 : i32
      %dma_start3A_51 = arith.constant 0 : i32
      %dma_start3A_52 = tpu.memref_slice %arg8[%dma_start3A, %dma_start3A_51] : memref<256x128xf32, #tpu.memory_space<vmem>> -> memref<128x128xf32, #tpu.memory_space<vmem>>
      %dma_start3A_53 = arith.constant 0 : i32
      %dma_start3A_54 = arith.constant 0 : i32
      %dma_start3A_55 = tpu.memref_slice %arg9[%dma_start3A_53, %dma_start3A_54] : memref<8208x128xf32, #tpu.memory_space<vmem_shared>> -> memref<8208x128xf32, #tpu.memory_space<vmem_shared>>
      tpu.enqueue_indirect_dma source(%dma_start3A_52 : memref<128x128xf32, #tpu.memory_space<vmem>>) target(%dma_start3A_55 : memref<8208x128xf32, #tpu.memory_space<vmem_shared>>) offsets(%arg6 : memref<128xi32, #tpu.memory_space<vmem>>) semaphore(%run_scoped3A_50 : memref<!tpu.dma_semaphore, #tpu.memory_space<semaphore_mem>>) {add = true}
      %dma_wait3A = arith.constant 0 : i32
      %dma_wait3A_56 = arith.constant 0 : i32
      %dma_wait3A_57 = tpu.memref_slice %arg8[%dma_wait3A, %dma_wait3A_56] : memref<256x128xf32, #tpu.memory_space<vmem>> -> memref<128x128xf32, #tpu.memory_space<vmem>>
      %dma_wait3A_58 = arith.constant 0 : i32
      %dma_wait3A_59 = arith.constant 0 : i32
      %dma_wait3A_60 = tpu.memref_slice %arg9[%dma_wait3A_58, %dma_wait3A_59] : memref<8208x128xf32, #tpu.memory_space<vmem_shared>> -> memref<8208x128xf32, #tpu.memory_space<vmem_shared>>
      tpu.wait_indirect_dma semaphore(%run_scoped3A_50 : memref<!tpu.dma_semaphore, #tpu.memory_space<semaphore_mem>>) src(%dma_wait3A_57 : memref<128x128xf32, #tpu.memory_space<vmem>>) dst(%dma_wait3A_60 : memref<8208x128xf32, #tpu.memory_space<vmem_shared>>)
      tpu.yield
    }) : () -> ()
    "tpu.region"() ({
      %run_scoped3A_50 = tpu.sem_alloc : memref<!tpu.dma_semaphore, #tpu.memory_space<semaphore_mem>>
      %dma_start3A = arith.constant 128 : i32
      %dma_start3A_51 = arith.constant 0 : i32
      %dma_start3A_52 = tpu.memref_slice %arg8[%dma_start3A, %dma_start3A_51] : memref<256x128xf32, #tpu.memory_space<vmem>> -> memref<128x128xf32, #tpu.memory_space<vmem>>
      %dma_start3A_53 = arith.constant 0 : i32
      %dma_start3A_54 = arith.constant 0 : i32
      %dma_start3A_55 = tpu.memref_slice %arg9[%dma_start3A_53, %dma_start3A_54] : memref<8208x128xf32, #tpu.memory_space<vmem_shared>> -> memref<8208x128xf32, #tpu.memory_space<vmem_shared>>
      tpu.enqueue_indirect_dma source(%dma_start3A_52 : memref<128x128xf32, #tpu.memory_space<vmem>>) target(%dma_start3A_55 : memref<8208x128xf32, #tpu.memory_space<vmem_shared>>) offsets(%arg7 : memref<128xi32, #tpu.memory_space<vmem>>) semaphore(%run_scoped3A_50 : memref<!tpu.dma_semaphore, #tpu.memory_space<semaphore_mem>>) {add = true}
      %dma_wait3A = arith.constant 128 : i32
      %dma_wait3A_56 = arith.constant 0 : i32
      %dma_wait3A_57 = tpu.memref_slice %arg8[%dma_wait3A, %dma_wait3A_56] : memref<256x128xf32, #tpu.memory_space<vmem>> -> memref<128x128xf32, #tpu.memory_space<vmem>>
      %dma_wait3A_58 = arith.constant 0 : i32
      %dma_wait3A_59 = arith.constant 0 : i32
      %dma_wait3A_60 = tpu.memref_slice %arg9[%dma_wait3A_58, %dma_wait3A_59] : memref<8208x128xf32, #tpu.memory_space<vmem_shared>> -> memref<8208x128xf32, #tpu.memory_space<vmem_shared>>
      tpu.wait_indirect_dma semaphore(%run_scoped3A_50 : memref<!tpu.dma_semaphore, #tpu.memory_space<semaphore_mem>>) src(%dma_wait3A_57 : memref<128x128xf32, #tpu.memory_space<vmem>>) dst(%dma_wait3A_60 : memref<8208x128xf32, #tpu.memory_space<vmem_shared>>)
      tpu.yield
    }) : () -> ()
    %barrier3A_44 = arith.constant 0 : index
    tpu.barrier barrier_id(%barrier3A_44)
    %eq3A_45 = arith.constant 0 : i32
    %eq3A_46 = arith.cmpi eq, %arg1, %eq3A_45 : i32
    %convert_element_type3A_47 = arith.extui %eq3A_46 : i1 to i32
    %cond3A_48 = arith.constant 0 : i32
    %cond3A_49 = arith.cmpi ne, %convert_element_type3A_47, %cond3A_48 : i32
    scf.if %cond3A_49 {
      "tpu.region"() ({
        %run_scoped3A_50 = tpu.sem_alloc : memref<!tpu.dma_semaphore, #tpu.memory_space<semaphore_mem>>
        %dma_start3A = arith.constant 0 : i32
        %dma_start3A_51 = arith.constant 0 : i32
        %dma_start3A_52 = tpu.memref_slice %arg5[%arg0, %dma_start3A, %dma_start3A_51] : memref<2x8208x128xf32, #tpu.memory_space<hbm>> -> memref<1x8208x128xf32, #tpu.memory_space<hbm>>
        %dma_start3A_53 = tpu.memref_squeeze %dma_start3A_52 : memref<1x8208x128xf32, #tpu.memory_space<hbm>> -> memref<8208x128xf32, #tpu.memory_space<hbm>>
        tpu.enqueue_dma source(%arg9 : memref<8208x128xf32, #tpu.memory_space<vmem_shared>>) target(%dma_start3A_53 : memref<8208x128xf32, #tpu.memory_space<hbm>>) target_semaphore(%run_scoped3A_50 : memref<!tpu.dma_semaphore, #tpu.memory_space<semaphore_mem>>)
        %dma_wait3A = arith.constant 0 : i32
        %dma_wait3A_54 = arith.constant 0 : i32
        %dma_wait3A_55 = tpu.memref_slice %arg5[%arg0, %dma_wait3A, %dma_wait3A_54] : memref<2x8208x128xf32, #tpu.memory_space<hbm>> -> memref<1x8208x128xf32, #tpu.memory_space<hbm>>
        %dma_wait3A_56 = tpu.memref_squeeze %dma_wait3A_55 : memref<1x8208x128xf32, #tpu.memory_space<hbm>> -> memref<8208x128xf32, #tpu.memory_space<hbm>>
        tpu.wait_dma2 semaphore(%run_scoped3A_50 : memref<!tpu.dma_semaphore, #tpu.memory_space<semaphore_mem>>) src(%arg9 : memref<8208x128xf32, #tpu.memory_space<vmem_shared>>) dst(%dma_wait3A_56 : memref<8208x128xf32, #tpu.memory_space<hbm>>)
        tpu.yield
      }) : () -> ()
    } else {
    }
    return
  }
}

#map = affine_map<(d0, d1) -> (0, 0)>
#map1 = affine_map<(d0, d1) -> (0, 0, 0)>
module attributes {stable_mosaic.version = 14 : i64} {
  func.func @_deg_kernel(%arg0: i32, %arg1: i32, %arg2: memref<10x8192xi32, #tpu.memory_space<hbm>>, %arg3: memref<128x128xf32, #tpu.memory_space<hbm>>, %arg4: memref<8208x128xf32, #tpu.memory_space<hbm>>, %arg5: memref<2x8208x128xf32, #tpu.memory_space<hbm>>, %arg6: memref<128xi32, #tpu.memory_space<vmem>>, %arg7: memref<128xi32, #tpu.memory_space<vmem>>, %arg8: memref<128x128xf32, #tpu.memory_space<vmem>>, %arg9: memref<8208x128xf32, #tpu.memory_space<vmem_shared>>) attributes {dimension_semantics = [#tpu.dimension_semantics<core_parallel>, #tpu.dimension_semantics<subcore_parallel>], iteration_bounds = array<i64: 2, 16>, scalar_prefetch = 0 : i64, scratch_operands = 4 : i64, tpu.core_type = #tpu.core_type<sc_vector_subcore>, window_params = [{transform_indices = #map}, {transform_indices = #map}, {transform_indices = #map}, {transform_indices = #map1}]} {
    %mul3A = arith.constant 16 : i32
    %mul3A_0 = arith.muli %arg0, %mul3A : i32
    %add3A = arith.addi %mul3A_0, %arg1 : i32
    %mul3A_1 = arith.constant 256 : i32
    %mul3A_2 = arith.muli %add3A, %mul3A_1 : i32
    %eq3A = arith.constant 0 : i32
    %eq3A_3 = arith.cmpi eq, %arg1, %eq3A : i32
    %convert_element_type3A = arith.extui %eq3A_3 : i1 to i32
    %cond3A = arith.constant 0 : i32
    %cond3A_4 = arith.cmpi ne, %convert_element_type3A, %cond3A : i32
    scf.if %cond3A_4 {
      "tpu.region"() ({
        %run_scoped3A_50 = tpu.sem_alloc : memref<!tpu.dma_semaphore, #tpu.memory_space<semaphore_mem>>
        tpu.enqueue_dma source(%arg4 : memref<8208x128xf32, #tpu.memory_space<hbm>>) target(%arg9 : memref<8208x128xf32, #tpu.memory_space<vmem_shared>>) target_semaphore(%run_scoped3A_50 : memref<!tpu.dma_semaphore, #tpu.memory_space<semaphore_mem>>)
        tpu.wait_dma2 semaphore(%run_scoped3A_50 : memref<!tpu.dma_semaphore, #tpu.memory_space<semaphore_mem>>) src(%arg4 : memref<8208x128xf32, #tpu.memory_space<hbm>>) dst(%arg9 : memref<8208x128xf32, #tpu.memory_space<vmem_shared>>)
        tpu.yield
      }) : () -> ()
    } else {
    }
    "tpu.region"() ({
      %run_scoped3A_50 = tpu.sem_alloc : memref<!tpu.dma_semaphore, #tpu.memory_space<semaphore_mem>>
      tpu.enqueue_dma source(%arg3 : memref<128x128xf32, #tpu.memory_space<hbm>>) target(%arg8 : memref<128x128xf32, #tpu.memory_space<vmem>>) target_semaphore(%run_scoped3A_50 : memref<!tpu.dma_semaphore, #tpu.memory_space<semaphore_mem>>)
      tpu.wait_dma2 semaphore(%run_scoped3A_50 : memref<!tpu.dma_semaphore, #tpu.memory_space<semaphore_mem>>) src(%arg3 : memref<128x128xf32, #tpu.memory_space<hbm>>) dst(%arg8 : memref<128x128xf32, #tpu.memory_space<vmem>>)
      tpu.yield
    }) : () -> ()
    %barrier3A = arith.constant 0 : index
    tpu.barrier barrier_id(%barrier3A)
    %run_scoped3A = arith.constant 0 : i32
    "tpu.region"() ({
      %run_scoped3A_50 = tpu.sem_alloc : memref<!tpu.dma_semaphore, #tpu.memory_space<semaphore_mem>>
      %dma_start3A = tpu.memref_slice %arg2[%run_scoped3A, %mul3A_2] : memref<10x8192xi32, #tpu.memory_space<hbm>> -> memref<1x128xi32, #tpu.memory_space<hbm>>
      %dma_start3A_51 = tpu.memref_squeeze %dma_start3A : memref<1x128xi32, #tpu.memory_space<hbm>> -> memref<128xi32, #tpu.memory_space<hbm>>
      %dma_start3A_52 = tpu.memref_slice %arg2[%run_scoped3A, %mul3A_2] : memref<10x8192xi32, #tpu.memory_space<hbm>> -> memref<1x128xi32, #tpu.memory_space<hbm>>
      %dma_start3A_53 = tpu.memref_squeeze %dma_start3A_52 : memref<1x128xi32, #tpu.memory_space<hbm>> -> memref<128xi32, #tpu.memory_space<hbm>>
      tpu.enqueue_dma source(%dma_start3A_53 : memref<128xi32, #tpu.memory_space<hbm>>) target(%arg6 : memref<128xi32, #tpu.memory_space<vmem>>) target_semaphore(%run_scoped3A_50 : memref<!tpu.dma_semaphore, #tpu.memory_space<semaphore_mem>>)
      %dma_wait3A = tpu.memref_slice %arg2[%run_scoped3A, %mul3A_2] : memref<10x8192xi32, #tpu.memory_space<hbm>> -> memref<1x128xi32, #tpu.memory_space<hbm>>
      %dma_wait3A_54 = tpu.memref_squeeze %dma_wait3A : memref<1x128xi32, #tpu.memory_space<hbm>> -> memref<128xi32, #tpu.memory_space<hbm>>
      %dma_wait3A_55 = tpu.memref_slice %arg2[%run_scoped3A, %mul3A_2] : memref<10x8192xi32, #tpu.memory_space<hbm>> -> memref<1x128xi32, #tpu.memory_space<hbm>>
      %dma_wait3A_56 = tpu.memref_squeeze %dma_wait3A_55 : memref<1x128xi32, #tpu.memory_space<hbm>> -> memref<128xi32, #tpu.memory_space<hbm>>
      tpu.wait_dma2 semaphore(%run_scoped3A_50 : memref<!tpu.dma_semaphore, #tpu.memory_space<semaphore_mem>>) src(%dma_wait3A_56 : memref<128xi32, #tpu.memory_space<hbm>>) dst(%arg6 : memref<128xi32, #tpu.memory_space<vmem>>)
      tpu.yield
    }) : () -> ()
    %add3A_5 = arith.constant 128 : i32
    %add3A_6 = arith.addi %mul3A_2, %add3A_5 : i32
    %run_scoped3A_7 = arith.constant 0 : i32
    "tpu.region"() ({
      %run_scoped3A_50 = tpu.sem_alloc : memref<!tpu.dma_semaphore, #tpu.memory_space<semaphore_mem>>
      %dma_start3A = tpu.memref_slice %arg2[%run_scoped3A_7, %add3A_6] : memref<10x8192xi32, #tpu.memory_space<hbm>> -> memref<1x128xi32, #tpu.memory_space<hbm>>
      %dma_start3A_51 = tpu.memref_squeeze %dma_start3A : memref<1x128xi32, #tpu.memory_space<hbm>> -> memref<128xi32, #tpu.memory_space<hbm>>
      %dma_start3A_52 = tpu.memref_slice %arg2[%run_scoped3A_7, %add3A_6] : memref<10x8192xi32, #tpu.memory_space<hbm>> -> memref<1x128xi32, #tpu.memory_space<hbm>>
      %dma_start3A_53 = tpu.memref_squeeze %dma_start3A_52 : memref<1x128xi32, #tpu.memory_space<hbm>> -> memref<128xi32, #tpu.memory_space<hbm>>
      tpu.enqueue_dma source(%dma_start3A_53 : memref<128xi32, #tpu.memory_space<hbm>>) target(%arg7 : memref<128xi32, #tpu.memory_space<vmem>>) target_semaphore(%run_scoped3A_50 : memref<!tpu.dma_semaphore, #tpu.memory_space<semaphore_mem>>)
      %dma_wait3A = tpu.memref_slice %arg2[%run_scoped3A_7, %add3A_6] : memref<10x8192xi32, #tpu.memory_space<hbm>> -> memref<1x128xi32, #tpu.memory_space<hbm>>
      %dma_wait3A_54 = tpu.memref_squeeze %dma_wait3A : memref<1x128xi32, #tpu.memory_space<hbm>> -> memref<128xi32, #tpu.memory_space<hbm>>
      %dma_wait3A_55 = tpu.memref_slice %arg2[%run_scoped3A_7, %add3A_6] : memref<10x8192xi32, #tpu.memory_space<hbm>> -> memref<1x128xi32, #tpu.memory_space<hbm>>
      %dma_wait3A_56 = tpu.memref_squeeze %dma_wait3A_55 : memref<1x128xi32, #tpu.memory_space<hbm>> -> memref<128xi32, #tpu.memory_space<hbm>>
      tpu.wait_dma2 semaphore(%run_scoped3A_50 : memref<!tpu.dma_semaphore, #tpu.memory_space<semaphore_mem>>) src(%dma_wait3A_56 : memref<128xi32, #tpu.memory_space<hbm>>) dst(%arg7 : memref<128xi32, #tpu.memory_space<vmem>>)
      tpu.yield
    }) : () -> ()
    "tpu.region"() ({
      %run_scoped3A_50 = tpu.sem_alloc : memref<!tpu.dma_semaphore, #tpu.memory_space<semaphore_mem>>
      %dma_start3A = arith.constant 0 : i32
      %dma_start3A_51 = arith.constant 0 : i32
      %dma_start3A_52 = tpu.memref_slice %arg9[%dma_start3A, %dma_start3A_51] : memref<8208x128xf32, #tpu.memory_space<vmem_shared>> -> memref<8208x128xf32, #tpu.memory_space<vmem_shared>>
      tpu.enqueue_indirect_dma source(%arg8 : memref<128x128xf32, #tpu.memory_space<vmem>>) target(%dma_start3A_52 : memref<8208x128xf32, #tpu.memory_space<vmem_shared>>) offsets(%arg6 : memref<128xi32, #tpu.memory_space<vmem>>) semaphore(%run_scoped3A_50 : memref<!tpu.dma_semaphore, #tpu.memory_space<semaphore_mem>>) {add = true}
      %dma_wait3A = arith.constant 0 : i32
      %dma_wait3A_53 = arith.constant 0 : i32
      %dma_wait3A_54 = tpu.memref_slice %arg9[%dma_wait3A, %dma_wait3A_53] : memref<8208x128xf32, #tpu.memory_space<vmem_shared>> -> memref<8208x128xf32, #tpu.memory_space<vmem_shared>>
      tpu.wait_indirect_dma semaphore(%run_scoped3A_50 : memref<!tpu.dma_semaphore, #tpu.memory_space<semaphore_mem>>) src(%arg8 : memref<128x128xf32, #tpu.memory_space<vmem>>) dst(%dma_wait3A_54 : memref<8208x128xf32, #tpu.memory_space<vmem_shared>>)
      tpu.yield
    }) : () -> ()
    "tpu.region"() ({
      %run_scoped3A_50 = tpu.sem_alloc : memref<!tpu.dma_semaphore, #tpu.memory_space<semaphore_mem>>
      %dma_start3A = arith.constant 0 : i32
      %dma_start3A_51 = arith.constant 0 : i32
      %dma_start3A_52 = tpu.memref_slice %arg9[%dma_start3A, %dma_start3A_51] : memref<8208x128xf32, #tpu.memory_space<vmem_shared>> -> memref<8208x128xf32, #tpu.memory_space<vmem_shared>>
      tpu.enqueue_indirect_dma source(%arg8 : memref<128x128xf32, #tpu.memory_space<vmem>>) target(%dma_start3A_52 : memref<8208x128xf32, #tpu.memory_space<vmem_shared>>) offsets(%arg7 : memref<128xi32, #tpu.memory_space<vmem>>) semaphore(%run_scoped3A_50 : memref<!tpu.dma_semaphore, #tpu.memory_space<semaphore_mem>>) {add = true}
      %dma_wait3A = arith.constant 0 : i32
      %dma_wait3A_53 = arith.constant 0 : i32
      %dma_wait3A_54 = tpu.memref_slice %arg9[%dma_wait3A, %dma_wait3A_53] : memref<8208x128xf32, #tpu.memory_space<vmem_shared>> -> memref<8208x128xf32, #tpu.memory_space<vmem_shared>>
      tpu.wait_indirect_dma semaphore(%run_scoped3A_50 : memref<!tpu.dma_semaphore, #tpu.memory_space<semaphore_mem>>) src(%arg8 : memref<128x128xf32, #tpu.memory_space<vmem>>) dst(%dma_wait3A_54 : memref<8208x128xf32, #tpu.memory_space<vmem_shared>>)
      tpu.yield
    }) : () -> ()
    %run_scoped3A_8 = arith.constant 1 : i32
    "tpu.region"() ({
      %run_scoped3A_50 = tpu.sem_alloc : memref<!tpu.dma_semaphore, #tpu.memory_space<semaphore_mem>>
      %dma_start3A = tpu.memref_slice %arg2[%run_scoped3A_8, %mul3A_2] : memref<10x8192xi32, #tpu.memory_space<hbm>> -> memref<1x128xi32, #tpu.memory_space<hbm>>
      %dma_start3A_51 = tpu.memref_squeeze %dma_start3A : memref<1x128xi32, #tpu.memory_space<hbm>> -> memref<128xi32, #tpu.memory_space<hbm>>
      %dma_start3A_52 = tpu.memref_slice %arg2[%run_scoped3A_8, %mul3A_2] : memref<10x8192xi32, #tpu.memory_space<hbm>> -> memref<1x128xi32, #tpu.memory_space<hbm>>
      %dma_start3A_53 = tpu.memref_squeeze %dma_start3A_52 : memref<1x128xi32, #tpu.memory_space<hbm>> -> memref<128xi32, #tpu.memory_space<hbm>>
      tpu.enqueue_dma source(%dma_start3A_53 : memref<128xi32, #tpu.memory_space<hbm>>) target(%arg6 : memref<128xi32, #tpu.memory_space<vmem>>) target_semaphore(%run_scoped3A_50 : memref<!tpu.dma_semaphore, #tpu.memory_space<semaphore_mem>>)
      %dma_wait3A = tpu.memref_slice %arg2[%run_scoped3A_8, %mul3A_2] : memref<10x8192xi32, #tpu.memory_space<hbm>> -> memref<1x128xi32, #tpu.memory_space<hbm>>
      %dma_wait3A_54 = tpu.memref_squeeze %dma_wait3A : memref<1x128xi32, #tpu.memory_space<hbm>> -> memref<128xi32, #tpu.memory_space<hbm>>
      %dma_wait3A_55 = tpu.memref_slice %arg2[%run_scoped3A_8, %mul3A_2] : memref<10x8192xi32, #tpu.memory_space<hbm>> -> memref<1x128xi32, #tpu.memory_space<hbm>>
      %dma_wait3A_56 = tpu.memref_squeeze %dma_wait3A_55 : memref<1x128xi32, #tpu.memory_space<hbm>> -> memref<128xi32, #tpu.memory_space<hbm>>
      tpu.wait_dma2 semaphore(%run_scoped3A_50 : memref<!tpu.dma_semaphore, #tpu.memory_space<semaphore_mem>>) src(%dma_wait3A_56 : memref<128xi32, #tpu.memory_space<hbm>>) dst(%arg6 : memref<128xi32, #tpu.memory_space<vmem>>)
      tpu.yield
    }) : () -> ()
    %add3A_9 = arith.constant 128 : i32
    %add3A_10 = arith.addi %mul3A_2, %add3A_9 : i32
    %run_scoped3A_11 = arith.constant 1 : i32
    "tpu.region"() ({
      %run_scoped3A_50 = tpu.sem_alloc : memref<!tpu.dma_semaphore, #tpu.memory_space<semaphore_mem>>
      %dma_start3A = tpu.memref_slice %arg2[%run_scoped3A_11, %add3A_10] : memref<10x8192xi32, #tpu.memory_space<hbm>> -> memref<1x128xi32, #tpu.memory_space<hbm>>
      %dma_start3A_51 = tpu.memref_squeeze %dma_start3A : memref<1x128xi32, #tpu.memory_space<hbm>> -> memref<128xi32, #tpu.memory_space<hbm>>
      %dma_start3A_52 = tpu.memref_slice %arg2[%run_scoped3A_11, %add3A_10] : memref<10x8192xi32, #tpu.memory_space<hbm>> -> memref<1x128xi32, #tpu.memory_space<hbm>>
      %dma_start3A_53 = tpu.memref_squeeze %dma_start3A_52 : memref<1x128xi32, #tpu.memory_space<hbm>> -> memref<128xi32, #tpu.memory_space<hbm>>
      tpu.enqueue_dma source(%dma_start3A_53 : memref<128xi32, #tpu.memory_space<hbm>>) target(%arg7 : memref<128xi32, #tpu.memory_space<vmem>>) target_semaphore(%run_scoped3A_50 : memref<!tpu.dma_semaphore, #tpu.memory_space<semaphore_mem>>)
      %dma_wait3A = tpu.memref_slice %arg2[%run_scoped3A_11, %add3A_10] : memref<10x8192xi32, #tpu.memory_space<hbm>> -> memref<1x128xi32, #tpu.memory_space<hbm>>
      %dma_wait3A_54 = tpu.memref_squeeze %dma_wait3A : memref<1x128xi32, #tpu.memory_space<hbm>> -> memref<128xi32, #tpu.memory_space<hbm>>
      %dma_wait3A_55 = tpu.memref_slice %arg2[%run_scoped3A_11, %add3A_10] : memref<10x8192xi32, #tpu.memory_space<hbm>> -> memref<1x128xi32, #tpu.memory_space<hbm>>
      %dma_wait3A_56 = tpu.memref_squeeze %dma_wait3A_55 : memref<1x128xi32, #tpu.memory_space<hbm>> -> memref<128xi32, #tpu.memory_space<hbm>>
      tpu.wait_dma2 semaphore(%run_scoped3A_50 : memref<!tpu.dma_semaphore, #tpu.memory_space<semaphore_mem>>) src(%dma_wait3A_56 : memref<128xi32, #tpu.memory_space<hbm>>) dst(%arg7 : memref<128xi32, #tpu.memory_space<vmem>>)
      tpu.yield
    }) : () -> ()
    "tpu.region"() ({
      %run_scoped3A_50 = tpu.sem_alloc : memref<!tpu.dma_semaphore, #tpu.memory_space<semaphore_mem>>
      %dma_start3A = arith.constant 0 : i32
      %dma_start3A_51 = arith.constant 0 : i32
      %dma_start3A_52 = tpu.memref_slice %arg9[%dma_start3A, %dma_start3A_51] : memref<8208x128xf32, #tpu.memory_space<vmem_shared>> -> memref<8208x128xf32, #tpu.memory_space<vmem_shared>>
      tpu.enqueue_indirect_dma source(%arg8 : memref<128x128xf32, #tpu.memory_space<vmem>>) target(%dma_start3A_52 : memref<8208x128xf32, #tpu.memory_space<vmem_shared>>) offsets(%arg6 : memref<128xi32, #tpu.memory_space<vmem>>) semaphore(%run_scoped3A_50 : memref<!tpu.dma_semaphore, #tpu.memory_space<semaphore_mem>>) {add = true}
      %dma_wait3A = arith.constant 0 : i32
      %dma_wait3A_53 = arith.constant 0 : i32
      %dma_wait3A_54 = tpu.memref_slice %arg9[%dma_wait3A, %dma_wait3A_53] : memref<8208x128xf32, #tpu.memory_space<vmem_shared>> -> memref<8208x128xf32, #tpu.memory_space<vmem_shared>>
      tpu.wait_indirect_dma semaphore(%run_scoped3A_50 : memref<!tpu.dma_semaphore, #tpu.memory_space<semaphore_mem>>) src(%arg8 : memref<128x128xf32, #tpu.memory_space<vmem>>) dst(%dma_wait3A_54 : memref<8208x128xf32, #tpu.memory_space<vmem_shared>>)
      tpu.yield
    }) : () -> ()
    "tpu.region"() ({
      %run_scoped3A_50 = tpu.sem_alloc : memref<!tpu.dma_semaphore, #tpu.memory_space<semaphore_mem>>
      %dma_start3A = arith.constant 0 : i32
      %dma_start3A_51 = arith.constant 0 : i32
      %dma_start3A_52 = tpu.memref_slice %arg9[%dma_start3A, %dma_start3A_51] : memref<8208x128xf32, #tpu.memory_space<vmem_shared>> -> memref<8208x128xf32, #tpu.memory_space<vmem_shared>>
      tpu.enqueue_indirect_dma source(%arg8 : memref<128x128xf32, #tpu.memory_space<vmem>>) target(%dma_start3A_52 : memref<8208x128xf32, #tpu.memory_space<vmem_shared>>) offsets(%arg7 : memref<128xi32, #tpu.memory_space<vmem>>) semaphore(%run_scoped3A_50 : memref<!tpu.dma_semaphore, #tpu.memory_space<semaphore_mem>>) {add = true}
      %dma_wait3A = arith.constant 0 : i32
      %dma_wait3A_53 = arith.constant 0 : i32
      %dma_wait3A_54 = tpu.memref_slice %arg9[%dma_wait3A, %dma_wait3A_53] : memref<8208x128xf32, #tpu.memory_space<vmem_shared>> -> memref<8208x128xf32, #tpu.memory_space<vmem_shared>>
      tpu.wait_indirect_dma semaphore(%run_scoped3A_50 : memref<!tpu.dma_semaphore, #tpu.memory_space<semaphore_mem>>) src(%arg8 : memref<128x128xf32, #tpu.memory_space<vmem>>) dst(%dma_wait3A_54 : memref<8208x128xf32, #tpu.memory_space<vmem_shared>>)
      tpu.yield
    }) : () -> ()
    %run_scoped3A_12 = arith.constant 2 : i32
    "tpu.region"() ({
      %run_scoped3A_50 = tpu.sem_alloc : memref<!tpu.dma_semaphore, #tpu.memory_space<semaphore_mem>>
      %dma_start3A = tpu.memref_slice %arg2[%run_scoped3A_12, %mul3A_2] : memref<10x8192xi32, #tpu.memory_space<hbm>> -> memref<1x128xi32, #tpu.memory_space<hbm>>
      %dma_start3A_51 = tpu.memref_squeeze %dma_start3A : memref<1x128xi32, #tpu.memory_space<hbm>> -> memref<128xi32, #tpu.memory_space<hbm>>
      %dma_start3A_52 = tpu.memref_slice %arg2[%run_scoped3A_12, %mul3A_2] : memref<10x8192xi32, #tpu.memory_space<hbm>> -> memref<1x128xi32, #tpu.memory_space<hbm>>
      %dma_start3A_53 = tpu.memref_squeeze %dma_start3A_52 : memref<1x128xi32, #tpu.memory_space<hbm>> -> memref<128xi32, #tpu.memory_space<hbm>>
      tpu.enqueue_dma source(%dma_start3A_53 : memref<128xi32, #tpu.memory_space<hbm>>) target(%arg6 : memref<128xi32, #tpu.memory_space<vmem>>) target_semaphore(%run_scoped3A_50 : memref<!tpu.dma_semaphore, #tpu.memory_space<semaphore_mem>>)
      %dma_wait3A = tpu.memref_slice %arg2[%run_scoped3A_12, %mul3A_2] : memref<10x8192xi32, #tpu.memory_space<hbm>> -> memref<1x128xi32, #tpu.memory_space<hbm>>
      %dma_wait3A_54 = tpu.memref_squeeze %dma_wait3A : memref<1x128xi32, #tpu.memory_space<hbm>> -> memref<128xi32, #tpu.memory_space<hbm>>
      %dma_wait3A_55 = tpu.memref_slice %arg2[%run_scoped3A_12, %mul3A_2] : memref<10x8192xi32, #tpu.memory_space<hbm>> -> memref<1x128xi32, #tpu.memory_space<hbm>>
      %dma_wait3A_56 = tpu.memref_squeeze %dma_wait3A_55 : memref<1x128xi32, #tpu.memory_space<hbm>> -> memref<128xi32, #tpu.memory_space<hbm>>
      tpu.wait_dma2 semaphore(%run_scoped3A_50 : memref<!tpu.dma_semaphore, #tpu.memory_space<semaphore_mem>>) src(%dma_wait3A_56 : memref<128xi32, #tpu.memory_space<hbm>>) dst(%arg6 : memref<128xi32, #tpu.memory_space<vmem>>)
      tpu.yield
    }) : () -> ()
    %add3A_13 = arith.constant 128 : i32
    %add3A_14 = arith.addi %mul3A_2, %add3A_13 : i32
    %run_scoped3A_15 = arith.constant 2 : i32
    "tpu.region"() ({
      %run_scoped3A_50 = tpu.sem_alloc : memref<!tpu.dma_semaphore, #tpu.memory_space<semaphore_mem>>
      %dma_start3A = tpu.memref_slice %arg2[%run_scoped3A_15, %add3A_14] : memref<10x8192xi32, #tpu.memory_space<hbm>> -> memref<1x128xi32, #tpu.memory_space<hbm>>
      %dma_start3A_51 = tpu.memref_squeeze %dma_start3A : memref<1x128xi32, #tpu.memory_space<hbm>> -> memref<128xi32, #tpu.memory_space<hbm>>
      %dma_start3A_52 = tpu.memref_slice %arg2[%run_scoped3A_15, %add3A_14] : memref<10x8192xi32, #tpu.memory_space<hbm>> -> memref<1x128xi32, #tpu.memory_space<hbm>>
      %dma_start3A_53 = tpu.memref_squeeze %dma_start3A_52 : memref<1x128xi32, #tpu.memory_space<hbm>> -> memref<128xi32, #tpu.memory_space<hbm>>
      tpu.enqueue_dma source(%dma_start3A_53 : memref<128xi32, #tpu.memory_space<hbm>>) target(%arg7 : memref<128xi32, #tpu.memory_space<vmem>>) target_semaphore(%run_scoped3A_50 : memref<!tpu.dma_semaphore, #tpu.memory_space<semaphore_mem>>)
      %dma_wait3A = tpu.memref_slice %arg2[%run_scoped3A_15, %add3A_14] : memref<10x8192xi32, #tpu.memory_space<hbm>> -> memref<1x128xi32, #tpu.memory_space<hbm>>
      %dma_wait3A_54 = tpu.memref_squeeze %dma_wait3A : memref<1x128xi32, #tpu.memory_space<hbm>> -> memref<128xi32, #tpu.memory_space<hbm>>
      %dma_wait3A_55 = tpu.memref_slice %arg2[%run_scoped3A_15, %add3A_14] : memref<10x8192xi32, #tpu.memory_space<hbm>> -> memref<1x128xi32, #tpu.memory_space<hbm>>
      %dma_wait3A_56 = tpu.memref_squeeze %dma_wait3A_55 : memref<1x128xi32, #tpu.memory_space<hbm>> -> memref<128xi32, #tpu.memory_space<hbm>>
      tpu.wait_dma2 semaphore(%run_scoped3A_50 : memref<!tpu.dma_semaphore, #tpu.memory_space<semaphore_mem>>) src(%dma_wait3A_56 : memref<128xi32, #tpu.memory_space<hbm>>) dst(%arg7 : memref<128xi32, #tpu.memory_space<vmem>>)
      tpu.yield
    }) : () -> ()
    "tpu.region"() ({
      %run_scoped3A_50 = tpu.sem_alloc : memref<!tpu.dma_semaphore, #tpu.memory_space<semaphore_mem>>
      %dma_start3A = arith.constant 0 : i32
      %dma_start3A_51 = arith.constant 0 : i32
      %dma_start3A_52 = tpu.memref_slice %arg9[%dma_start3A, %dma_start3A_51] : memref<8208x128xf32, #tpu.memory_space<vmem_shared>> -> memref<8208x128xf32, #tpu.memory_space<vmem_shared>>
      tpu.enqueue_indirect_dma source(%arg8 : memref<128x128xf32, #tpu.memory_space<vmem>>) target(%dma_start3A_52 : memref<8208x128xf32, #tpu.memory_space<vmem_shared>>) offsets(%arg6 : memref<128xi32, #tpu.memory_space<vmem>>) semaphore(%run_scoped3A_50 : memref<!tpu.dma_semaphore, #tpu.memory_space<semaphore_mem>>) {add = true}
      %dma_wait3A = arith.constant 0 : i32
      %dma_wait3A_53 = arith.constant 0 : i32
      %dma_wait3A_54 = tpu.memref_slice %arg9[%dma_wait3A, %dma_wait3A_53] : memref<8208x128xf32, #tpu.memory_space<vmem_shared>> -> memref<8208x128xf32, #tpu.memory_space<vmem_shared>>
      tpu.wait_indirect_dma semaphore(%run_scoped3A_50 : memref<!tpu.dma_semaphore, #tpu.memory_space<semaphore_mem>>) src(%arg8 : memref<128x128xf32, #tpu.memory_space<vmem>>) dst(%dma_wait3A_54 : memref<8208x128xf32, #tpu.memory_space<vmem_shared>>)
      tpu.yield
    }) : () -> ()
    "tpu.region"() ({
      %run_scoped3A_50 = tpu.sem_alloc : memref<!tpu.dma_semaphore, #tpu.memory_space<semaphore_mem>>
      %dma_start3A = arith.constant 0 : i32
      %dma_start3A_51 = arith.constant 0 : i32
      %dma_start3A_52 = tpu.memref_slice %arg9[%dma_start3A, %dma_start3A_51] : memref<8208x128xf32, #tpu.memory_space<vmem_shared>> -> memref<8208x128xf32, #tpu.memory_space<vmem_shared>>
      tpu.enqueue_indirect_dma source(%arg8 : memref<128x128xf32, #tpu.memory_space<vmem>>) target(%dma_start3A_52 : memref<8208x128xf32, #tpu.memory_space<vmem_shared>>) offsets(%arg7 : memref<128xi32, #tpu.memory_space<vmem>>) semaphore(%run_scoped3A_50 : memref<!tpu.dma_semaphore, #tpu.memory_space<semaphore_mem>>) {add = true}
      %dma_wait3A = arith.constant 0 : i32
      %dma_wait3A_53 = arith.constant 0 : i32
      %dma_wait3A_54 = tpu.memref_slice %arg9[%dma_wait3A, %dma_wait3A_53] : memref<8208x128xf32, #tpu.memory_space<vmem_shared>> -> memref<8208x128xf32, #tpu.memory_space<vmem_shared>>
      tpu.wait_indirect_dma semaphore(%run_scoped3A_50 : memref<!tpu.dma_semaphore, #tpu.memory_space<semaphore_mem>>) src(%arg8 : memref<128x128xf32, #tpu.memory_space<vmem>>) dst(%dma_wait3A_54 : memref<8208x128xf32, #tpu.memory_space<vmem_shared>>)
      tpu.yield
    }) : () -> ()
    %run_scoped3A_16 = arith.constant 3 : i32
    "tpu.region"() ({
      %run_scoped3A_50 = tpu.sem_alloc : memref<!tpu.dma_semaphore, #tpu.memory_space<semaphore_mem>>
      %dma_start3A = tpu.memref_slice %arg2[%run_scoped3A_16, %mul3A_2] : memref<10x8192xi32, #tpu.memory_space<hbm>> -> memref<1x128xi32, #tpu.memory_space<hbm>>
      %dma_start3A_51 = tpu.memref_squeeze %dma_start3A : memref<1x128xi32, #tpu.memory_space<hbm>> -> memref<128xi32, #tpu.memory_space<hbm>>
      %dma_start3A_52 = tpu.memref_slice %arg2[%run_scoped3A_16, %mul3A_2] : memref<10x8192xi32, #tpu.memory_space<hbm>> -> memref<1x128xi32, #tpu.memory_space<hbm>>
      %dma_start3A_53 = tpu.memref_squeeze %dma_start3A_52 : memref<1x128xi32, #tpu.memory_space<hbm>> -> memref<128xi32, #tpu.memory_space<hbm>>
      tpu.enqueue_dma source(%dma_start3A_53 : memref<128xi32, #tpu.memory_space<hbm>>) target(%arg6 : memref<128xi32, #tpu.memory_space<vmem>>) target_semaphore(%run_scoped3A_50 : memref<!tpu.dma_semaphore, #tpu.memory_space<semaphore_mem>>)
      %dma_wait3A = tpu.memref_slice %arg2[%run_scoped3A_16, %mul3A_2] : memref<10x8192xi32, #tpu.memory_space<hbm>> -> memref<1x128xi32, #tpu.memory_space<hbm>>
      %dma_wait3A_54 = tpu.memref_squeeze %dma_wait3A : memref<1x128xi32, #tpu.memory_space<hbm>> -> memref<128xi32, #tpu.memory_space<hbm>>
      %dma_wait3A_55 = tpu.memref_slice %arg2[%run_scoped3A_16, %mul3A_2] : memref<10x8192xi32, #tpu.memory_space<hbm>> -> memref<1x128xi32, #tpu.memory_space<hbm>>
      %dma_wait3A_56 = tpu.memref_squeeze %dma_wait3A_55 : memref<1x128xi32, #tpu.memory_space<hbm>> -> memref<128xi32, #tpu.memory_space<hbm>>
      tpu.wait_dma2 semaphore(%run_scoped3A_50 : memref<!tpu.dma_semaphore, #tpu.memory_space<semaphore_mem>>) src(%dma_wait3A_56 : memref<128xi32, #tpu.memory_space<hbm>>) dst(%arg6 : memref<128xi32, #tpu.memory_space<vmem>>)
      tpu.yield
    }) : () -> ()
    %add3A_17 = arith.constant 128 : i32
    %add3A_18 = arith.addi %mul3A_2, %add3A_17 : i32
    %run_scoped3A_19 = arith.constant 3 : i32
    "tpu.region"() ({
      %run_scoped3A_50 = tpu.sem_alloc : memref<!tpu.dma_semaphore, #tpu.memory_space<semaphore_mem>>
      %dma_start3A = tpu.memref_slice %arg2[%run_scoped3A_19, %add3A_18] : memref<10x8192xi32, #tpu.memory_space<hbm>> -> memref<1x128xi32, #tpu.memory_space<hbm>>
      %dma_start3A_51 = tpu.memref_squeeze %dma_start3A : memref<1x128xi32, #tpu.memory_space<hbm>> -> memref<128xi32, #tpu.memory_space<hbm>>
      %dma_start3A_52 = tpu.memref_slice %arg2[%run_scoped3A_19, %add3A_18] : memref<10x8192xi32, #tpu.memory_space<hbm>> -> memref<1x128xi32, #tpu.memory_space<hbm>>
      %dma_start3A_53 = tpu.memref_squeeze %dma_start3A_52 : memref<1x128xi32, #tpu.memory_space<hbm>> -> memref<128xi32, #tpu.memory_space<hbm>>
      tpu.enqueue_dma source(%dma_start3A_53 : memref<128xi32, #tpu.memory_space<hbm>>) target(%arg7 : memref<128xi32, #tpu.memory_space<vmem>>) target_semaphore(%run_scoped3A_50 : memref<!tpu.dma_semaphore, #tpu.memory_space<semaphore_mem>>)
      %dma_wait3A = tpu.memref_slice %arg2[%run_scoped3A_19, %add3A_18] : memref<10x8192xi32, #tpu.memory_space<hbm>> -> memref<1x128xi32, #tpu.memory_space<hbm>>
      %dma_wait3A_54 = tpu.memref_squeeze %dma_wait3A : memref<1x128xi32, #tpu.memory_space<hbm>> -> memref<128xi32, #tpu.memory_space<hbm>>
      %dma_wait3A_55 = tpu.memref_slice %arg2[%run_scoped3A_19, %add3A_18] : memref<10x8192xi32, #tpu.memory_space<hbm>> -> memref<1x128xi32, #tpu.memory_space<hbm>>
      %dma_wait3A_56 = tpu.memref_squeeze %dma_wait3A_55 : memref<1x128xi32, #tpu.memory_space<hbm>> -> memref<128xi32, #tpu.memory_space<hbm>>
      tpu.wait_dma2 semaphore(%run_scoped3A_50 : memref<!tpu.dma_semaphore, #tpu.memory_space<semaphore_mem>>) src(%dma_wait3A_56 : memref<128xi32, #tpu.memory_space<hbm>>) dst(%arg7 : memref<128xi32, #tpu.memory_space<vmem>>)
      tpu.yield
    }) : () -> ()
    "tpu.region"() ({
      %run_scoped3A_50 = tpu.sem_alloc : memref<!tpu.dma_semaphore, #tpu.memory_space<semaphore_mem>>
      %dma_start3A = arith.constant 0 : i32
      %dma_start3A_51 = arith.constant 0 : i32
      %dma_start3A_52 = tpu.memref_slice %arg9[%dma_start3A, %dma_start3A_51] : memref<8208x128xf32, #tpu.memory_space<vmem_shared>> -> memref<8208x128xf32, #tpu.memory_space<vmem_shared>>
      tpu.enqueue_indirect_dma source(%arg8 : memref<128x128xf32, #tpu.memory_space<vmem>>) target(%dma_start3A_52 : memref<8208x128xf32, #tpu.memory_space<vmem_shared>>) offsets(%arg6 : memref<128xi32, #tpu.memory_space<vmem>>) semaphore(%run_scoped3A_50 : memref<!tpu.dma_semaphore, #tpu.memory_space<semaphore_mem>>) {add = true}
      %dma_wait3A = arith.constant 0 : i32
      %dma_wait3A_53 = arith.constant 0 : i32
      %dma_wait3A_54 = tpu.memref_slice %arg9[%dma_wait3A, %dma_wait3A_53] : memref<8208x128xf32, #tpu.memory_space<vmem_shared>> -> memref<8208x128xf32, #tpu.memory_space<vmem_shared>>
      tpu.wait_indirect_dma semaphore(%run_scoped3A_50 : memref<!tpu.dma_semaphore, #tpu.memory_space<semaphore_mem>>) src(%arg8 : memref<128x128xf32, #tpu.memory_space<vmem>>) dst(%dma_wait3A_54 : memref<8208x128xf32, #tpu.memory_space<vmem_shared>>)
      tpu.yield
    }) : () -> ()
    "tpu.region"() ({
      %run_scoped3A_50 = tpu.sem_alloc : memref<!tpu.dma_semaphore, #tpu.memory_space<semaphore_mem>>
      %dma_start3A = arith.constant 0 : i32
      %dma_start3A_51 = arith.constant 0 : i32
      %dma_start3A_52 = tpu.memref_slice %arg9[%dma_start3A, %dma_start3A_51] : memref<8208x128xf32, #tpu.memory_space<vmem_shared>> -> memref<8208x128xf32, #tpu.memory_space<vmem_shared>>
      tpu.enqueue_indirect_dma source(%arg8 : memref<128x128xf32, #tpu.memory_space<vmem>>) target(%dma_start3A_52 : memref<8208x128xf32, #tpu.memory_space<vmem_shared>>) offsets(%arg7 : memref<128xi32, #tpu.memory_space<vmem>>) semaphore(%run_scoped3A_50 : memref<!tpu.dma_semaphore, #tpu.memory_space<semaphore_mem>>) {add = true}
      %dma_wait3A = arith.constant 0 : i32
      %dma_wait3A_53 = arith.constant 0 : i32
      %dma_wait3A_54 = tpu.memref_slice %arg9[%dma_wait3A, %dma_wait3A_53] : memref<8208x128xf32, #tpu.memory_space<vmem_shared>> -> memref<8208x128xf32, #tpu.memory_space<vmem_shared>>
      tpu.wait_indirect_dma semaphore(%run_scoped3A_50 : memref<!tpu.dma_semaphore, #tpu.memory_space<semaphore_mem>>) src(%arg8 : memref<128x128xf32, #tpu.memory_space<vmem>>) dst(%dma_wait3A_54 : memref<8208x128xf32, #tpu.memory_space<vmem_shared>>)
      tpu.yield
    }) : () -> ()
    %run_scoped3A_20 = arith.constant 4 : i32
    "tpu.region"() ({
      %run_scoped3A_50 = tpu.sem_alloc : memref<!tpu.dma_semaphore, #tpu.memory_space<semaphore_mem>>
      %dma_start3A = tpu.memref_slice %arg2[%run_scoped3A_20, %mul3A_2] : memref<10x8192xi32, #tpu.memory_space<hbm>> -> memref<1x128xi32, #tpu.memory_space<hbm>>
      %dma_start3A_51 = tpu.memref_squeeze %dma_start3A : memref<1x128xi32, #tpu.memory_space<hbm>> -> memref<128xi32, #tpu.memory_space<hbm>>
      %dma_start3A_52 = tpu.memref_slice %arg2[%run_scoped3A_20, %mul3A_2] : memref<10x8192xi32, #tpu.memory_space<hbm>> -> memref<1x128xi32, #tpu.memory_space<hbm>>
      %dma_start3A_53 = tpu.memref_squeeze %dma_start3A_52 : memref<1x128xi32, #tpu.memory_space<hbm>> -> memref<128xi32, #tpu.memory_space<hbm>>
      tpu.enqueue_dma source(%dma_start3A_53 : memref<128xi32, #tpu.memory_space<hbm>>) target(%arg6 : memref<128xi32, #tpu.memory_space<vmem>>) target_semaphore(%run_scoped3A_50 : memref<!tpu.dma_semaphore, #tpu.memory_space<semaphore_mem>>)
      %dma_wait3A = tpu.memref_slice %arg2[%run_scoped3A_20, %mul3A_2] : memref<10x8192xi32, #tpu.memory_space<hbm>> -> memref<1x128xi32, #tpu.memory_space<hbm>>
      %dma_wait3A_54 = tpu.memref_squeeze %dma_wait3A : memref<1x128xi32, #tpu.memory_space<hbm>> -> memref<128xi32, #tpu.memory_space<hbm>>
      %dma_wait3A_55 = tpu.memref_slice %arg2[%run_scoped3A_20, %mul3A_2] : memref<10x8192xi32, #tpu.memory_space<hbm>> -> memref<1x128xi32, #tpu.memory_space<hbm>>
      %dma_wait3A_56 = tpu.memref_squeeze %dma_wait3A_55 : memref<1x128xi32, #tpu.memory_space<hbm>> -> memref<128xi32, #tpu.memory_space<hbm>>
      tpu.wait_dma2 semaphore(%run_scoped3A_50 : memref<!tpu.dma_semaphore, #tpu.memory_space<semaphore_mem>>) src(%dma_wait3A_56 : memref<128xi32, #tpu.memory_space<hbm>>) dst(%arg6 : memref<128xi32, #tpu.memory_space<vmem>>)
      tpu.yield
    }) : () -> ()
    %add3A_21 = arith.constant 128 : i32
    %add3A_22 = arith.addi %mul3A_2, %add3A_21 : i32
    %run_scoped3A_23 = arith.constant 4 : i32
    "tpu.region"() ({
      %run_scoped3A_50 = tpu.sem_alloc : memref<!tpu.dma_semaphore, #tpu.memory_space<semaphore_mem>>
      %dma_start3A = tpu.memref_slice %arg2[%run_scoped3A_23, %add3A_22] : memref<10x8192xi32, #tpu.memory_space<hbm>> -> memref<1x128xi32, #tpu.memory_space<hbm>>
      %dma_start3A_51 = tpu.memref_squeeze %dma_start3A : memref<1x128xi32, #tpu.memory_space<hbm>> -> memref<128xi32, #tpu.memory_space<hbm>>
      %dma_start3A_52 = tpu.memref_slice %arg2[%run_scoped3A_23, %add3A_22] : memref<10x8192xi32, #tpu.memory_space<hbm>> -> memref<1x128xi32, #tpu.memory_space<hbm>>
      %dma_start3A_53 = tpu.memref_squeeze %dma_start3A_52 : memref<1x128xi32, #tpu.memory_space<hbm>> -> memref<128xi32, #tpu.memory_space<hbm>>
      tpu.enqueue_dma source(%dma_start3A_53 : memref<128xi32, #tpu.memory_space<hbm>>) target(%arg7 : memref<128xi32, #tpu.memory_space<vmem>>) target_semaphore(%run_scoped3A_50 : memref<!tpu.dma_semaphore, #tpu.memory_space<semaphore_mem>>)
      %dma_wait3A = tpu.memref_slice %arg2[%run_scoped3A_23, %add3A_22] : memref<10x8192xi32, #tpu.memory_space<hbm>> -> memref<1x128xi32, #tpu.memory_space<hbm>>
      %dma_wait3A_54 = tpu.memref_squeeze %dma_wait3A : memref<1x128xi32, #tpu.memory_space<hbm>> -> memref<128xi32, #tpu.memory_space<hbm>>
      %dma_wait3A_55 = tpu.memref_slice %arg2[%run_scoped3A_23, %add3A_22] : memref<10x8192xi32, #tpu.memory_space<hbm>> -> memref<1x128xi32, #tpu.memory_space<hbm>>
      %dma_wait3A_56 = tpu.memref_squeeze %dma_wait3A_55 : memref<1x128xi32, #tpu.memory_space<hbm>> -> memref<128xi32, #tpu.memory_space<hbm>>
      tpu.wait_dma2 semaphore(%run_scoped3A_50 : memref<!tpu.dma_semaphore, #tpu.memory_space<semaphore_mem>>) src(%dma_wait3A_56 : memref<128xi32, #tpu.memory_space<hbm>>) dst(%arg7 : memref<128xi32, #tpu.memory_space<vmem>>)
      tpu.yield
    }) : () -> ()
    "tpu.region"() ({
      %run_scoped3A_50 = tpu.sem_alloc : memref<!tpu.dma_semaphore, #tpu.memory_space<semaphore_mem>>
      %dma_start3A = arith.constant 0 : i32
      %dma_start3A_51 = arith.constant 0 : i32
      %dma_start3A_52 = tpu.memref_slice %arg9[%dma_start3A, %dma_start3A_51] : memref<8208x128xf32, #tpu.memory_space<vmem_shared>> -> memref<8208x128xf32, #tpu.memory_space<vmem_shared>>
      tpu.enqueue_indirect_dma source(%arg8 : memref<128x128xf32, #tpu.memory_space<vmem>>) target(%dma_start3A_52 : memref<8208x128xf32, #tpu.memory_space<vmem_shared>>) offsets(%arg6 : memref<128xi32, #tpu.memory_space<vmem>>) semaphore(%run_scoped3A_50 : memref<!tpu.dma_semaphore, #tpu.memory_space<semaphore_mem>>) {add = true}
      %dma_wait3A = arith.constant 0 : i32
      %dma_wait3A_53 = arith.constant 0 : i32
      %dma_wait3A_54 = tpu.memref_slice %arg9[%dma_wait3A, %dma_wait3A_53] : memref<8208x128xf32, #tpu.memory_space<vmem_shared>> -> memref<8208x128xf32, #tpu.memory_space<vmem_shared>>
      tpu.wait_indirect_dma semaphore(%run_scoped3A_50 : memref<!tpu.dma_semaphore, #tpu.memory_space<semaphore_mem>>) src(%arg8 : memref<128x128xf32, #tpu.memory_space<vmem>>) dst(%dma_wait3A_54 : memref<8208x128xf32, #tpu.memory_space<vmem_shared>>)
      tpu.yield
    }) : () -> ()
    "tpu.region"() ({
      %run_scoped3A_50 = tpu.sem_alloc : memref<!tpu.dma_semaphore, #tpu.memory_space<semaphore_mem>>
      %dma_start3A = arith.constant 0 : i32
      %dma_start3A_51 = arith.constant 0 : i32
      %dma_start3A_52 = tpu.memref_slice %arg9[%dma_start3A, %dma_start3A_51] : memref<8208x128xf32, #tpu.memory_space<vmem_shared>> -> memref<8208x128xf32, #tpu.memory_space<vmem_shared>>
      tpu.enqueue_indirect_dma source(%arg8 : memref<128x128xf32, #tpu.memory_space<vmem>>) target(%dma_start3A_52 : memref<8208x128xf32, #tpu.memory_space<vmem_shared>>) offsets(%arg7 : memref<128xi32, #tpu.memory_space<vmem>>) semaphore(%run_scoped3A_50 : memref<!tpu.dma_semaphore, #tpu.memory_space<semaphore_mem>>) {add = true}
      %dma_wait3A = arith.constant 0 : i32
      %dma_wait3A_53 = arith.constant 0 : i32
      %dma_wait3A_54 = tpu.memref_slice %arg9[%dma_wait3A, %dma_wait3A_53] : memref<8208x128xf32, #tpu.memory_space<vmem_shared>> -> memref<8208x128xf32, #tpu.memory_space<vmem_shared>>
      tpu.wait_indirect_dma semaphore(%run_scoped3A_50 : memref<!tpu.dma_semaphore, #tpu.memory_space<semaphore_mem>>) src(%arg8 : memref<128x128xf32, #tpu.memory_space<vmem>>) dst(%dma_wait3A_54 : memref<8208x128xf32, #tpu.memory_space<vmem_shared>>)
      tpu.yield
    }) : () -> ()
    %run_scoped3A_24 = arith.constant 5 : i32
    "tpu.region"() ({
      %run_scoped3A_50 = tpu.sem_alloc : memref<!tpu.dma_semaphore, #tpu.memory_space<semaphore_mem>>
      %dma_start3A = tpu.memref_slice %arg2[%run_scoped3A_24, %mul3A_2] : memref<10x8192xi32, #tpu.memory_space<hbm>> -> memref<1x128xi32, #tpu.memory_space<hbm>>
      %dma_start3A_51 = tpu.memref_squeeze %dma_start3A : memref<1x128xi32, #tpu.memory_space<hbm>> -> memref<128xi32, #tpu.memory_space<hbm>>
      %dma_start3A_52 = tpu.memref_slice %arg2[%run_scoped3A_24, %mul3A_2] : memref<10x8192xi32, #tpu.memory_space<hbm>> -> memref<1x128xi32, #tpu.memory_space<hbm>>
      %dma_start3A_53 = tpu.memref_squeeze %dma_start3A_52 : memref<1x128xi32, #tpu.memory_space<hbm>> -> memref<128xi32, #tpu.memory_space<hbm>>
      tpu.enqueue_dma source(%dma_start3A_53 : memref<128xi32, #tpu.memory_space<hbm>>) target(%arg6 : memref<128xi32, #tpu.memory_space<vmem>>) target_semaphore(%run_scoped3A_50 : memref<!tpu.dma_semaphore, #tpu.memory_space<semaphore_mem>>)
      %dma_wait3A = tpu.memref_slice %arg2[%run_scoped3A_24, %mul3A_2] : memref<10x8192xi32, #tpu.memory_space<hbm>> -> memref<1x128xi32, #tpu.memory_space<hbm>>
      %dma_wait3A_54 = tpu.memref_squeeze %dma_wait3A : memref<1x128xi32, #tpu.memory_space<hbm>> -> memref<128xi32, #tpu.memory_space<hbm>>
      %dma_wait3A_55 = tpu.memref_slice %arg2[%run_scoped3A_24, %mul3A_2] : memref<10x8192xi32, #tpu.memory_space<hbm>> -> memref<1x128xi32, #tpu.memory_space<hbm>>
      %dma_wait3A_56 = tpu.memref_squeeze %dma_wait3A_55 : memref<1x128xi32, #tpu.memory_space<hbm>> -> memref<128xi32, #tpu.memory_space<hbm>>
      tpu.wait_dma2 semaphore(%run_scoped3A_50 : memref<!tpu.dma_semaphore, #tpu.memory_space<semaphore_mem>>) src(%dma_wait3A_56 : memref<128xi32, #tpu.memory_space<hbm>>) dst(%arg6 : memref<128xi32, #tpu.memory_space<vmem>>)
      tpu.yield
    }) : () -> ()
    %add3A_25 = arith.constant 128 : i32
    %add3A_26 = arith.addi %mul3A_2, %add3A_25 : i32
    %run_scoped3A_27 = arith.constant 5 : i32
    "tpu.region"() ({
      %run_scoped3A_50 = tpu.sem_alloc : memref<!tpu.dma_semaphore, #tpu.memory_space<semaphore_mem>>
      %dma_start3A = tpu.memref_slice %arg2[%run_scoped3A_27, %add3A_26] : memref<10x8192xi32, #tpu.memory_space<hbm>> -> memref<1x128xi32, #tpu.memory_space<hbm>>
      %dma_start3A_51 = tpu.memref_squeeze %dma_start3A : memref<1x128xi32, #tpu.memory_space<hbm>> -> memref<128xi32, #tpu.memory_space<hbm>>
      %dma_start3A_52 = tpu.memref_slice %arg2[%run_scoped3A_27, %add3A_26] : memref<10x8192xi32, #tpu.memory_space<hbm>> -> memref<1x128xi32, #tpu.memory_space<hbm>>
      %dma_start3A_53 = tpu.memref_squeeze %dma_start3A_52 : memref<1x128xi32, #tpu.memory_space<hbm>> -> memref<128xi32, #tpu.memory_space<hbm>>
      tpu.enqueue_dma source(%dma_start3A_53 : memref<128xi32, #tpu.memory_space<hbm>>) target(%arg7 : memref<128xi32, #tpu.memory_space<vmem>>) target_semaphore(%run_scoped3A_50 : memref<!tpu.dma_semaphore, #tpu.memory_space<semaphore_mem>>)
      %dma_wait3A = tpu.memref_slice %arg2[%run_scoped3A_27, %add3A_26] : memref<10x8192xi32, #tpu.memory_space<hbm>> -> memref<1x128xi32, #tpu.memory_space<hbm>>
      %dma_wait3A_54 = tpu.memref_squeeze %dma_wait3A : memref<1x128xi32, #tpu.memory_space<hbm>> -> memref<128xi32, #tpu.memory_space<hbm>>
      %dma_wait3A_55 = tpu.memref_slice %arg2[%run_scoped3A_27, %add3A_26] : memref<10x8192xi32, #tpu.memory_space<hbm>> -> memref<1x128xi32, #tpu.memory_space<hbm>>
      %dma_wait3A_56 = tpu.memref_squeeze %dma_wait3A_55 : memref<1x128xi32, #tpu.memory_space<hbm>> -> memref<128xi32, #tpu.memory_space<hbm>>
      tpu.wait_dma2 semaphore(%run_scoped3A_50 : memref<!tpu.dma_semaphore, #tpu.memory_space<semaphore_mem>>) src(%dma_wait3A_56 : memref<128xi32, #tpu.memory_space<hbm>>) dst(%arg7 : memref<128xi32, #tpu.memory_space<vmem>>)
      tpu.yield
    }) : () -> ()
    "tpu.region"() ({
      %run_scoped3A_50 = tpu.sem_alloc : memref<!tpu.dma_semaphore, #tpu.memory_space<semaphore_mem>>
      %dma_start3A = arith.constant 0 : i32
      %dma_start3A_51 = arith.constant 0 : i32
      %dma_start3A_52 = tpu.memref_slice %arg9[%dma_start3A, %dma_start3A_51] : memref<8208x128xf32, #tpu.memory_space<vmem_shared>> -> memref<8208x128xf32, #tpu.memory_space<vmem_shared>>
      tpu.enqueue_indirect_dma source(%arg8 : memref<128x128xf32, #tpu.memory_space<vmem>>) target(%dma_start3A_52 : memref<8208x128xf32, #tpu.memory_space<vmem_shared>>) offsets(%arg6 : memref<128xi32, #tpu.memory_space<vmem>>) semaphore(%run_scoped3A_50 : memref<!tpu.dma_semaphore, #tpu.memory_space<semaphore_mem>>) {add = true}
      %dma_wait3A = arith.constant 0 : i32
      %dma_wait3A_53 = arith.constant 0 : i32
      %dma_wait3A_54 = tpu.memref_slice %arg9[%dma_wait3A, %dma_wait3A_53] : memref<8208x128xf32, #tpu.memory_space<vmem_shared>> -> memref<8208x128xf32, #tpu.memory_space<vmem_shared>>
      tpu.wait_indirect_dma semaphore(%run_scoped3A_50 : memref<!tpu.dma_semaphore, #tpu.memory_space<semaphore_mem>>) src(%arg8 : memref<128x128xf32, #tpu.memory_space<vmem>>) dst(%dma_wait3A_54 : memref<8208x128xf32, #tpu.memory_space<vmem_shared>>)
      tpu.yield
    }) : () -> ()
    "tpu.region"() ({
      %run_scoped3A_50 = tpu.sem_alloc : memref<!tpu.dma_semaphore, #tpu.memory_space<semaphore_mem>>
      %dma_start3A = arith.constant 0 : i32
      %dma_start3A_51 = arith.constant 0 : i32
      %dma_start3A_52 = tpu.memref_slice %arg9[%dma_start3A, %dma_start3A_51] : memref<8208x128xf32, #tpu.memory_space<vmem_shared>> -> memref<8208x128xf32, #tpu.memory_space<vmem_shared>>
      tpu.enqueue_indirect_dma source(%arg8 : memref<128x128xf32, #tpu.memory_space<vmem>>) target(%dma_start3A_52 : memref<8208x128xf32, #tpu.memory_space<vmem_shared>>) offsets(%arg7 : memref<128xi32, #tpu.memory_space<vmem>>) semaphore(%run_scoped3A_50 : memref<!tpu.dma_semaphore, #tpu.memory_space<semaphore_mem>>) {add = true}
      %dma_wait3A = arith.constant 0 : i32
      %dma_wait3A_53 = arith.constant 0 : i32
      %dma_wait3A_54 = tpu.memref_slice %arg9[%dma_wait3A, %dma_wait3A_53] : memref<8208x128xf32, #tpu.memory_space<vmem_shared>> -> memref<8208x128xf32, #tpu.memory_space<vmem_shared>>
      tpu.wait_indirect_dma semaphore(%run_scoped3A_50 : memref<!tpu.dma_semaphore, #tpu.memory_space<semaphore_mem>>) src(%arg8 : memref<128x128xf32, #tpu.memory_space<vmem>>) dst(%dma_wait3A_54 : memref<8208x128xf32, #tpu.memory_space<vmem_shared>>)
      tpu.yield
    }) : () -> ()
    %run_scoped3A_28 = arith.constant 6 : i32
    "tpu.region"() ({
      %run_scoped3A_50 = tpu.sem_alloc : memref<!tpu.dma_semaphore, #tpu.memory_space<semaphore_mem>>
      %dma_start3A = tpu.memref_slice %arg2[%run_scoped3A_28, %mul3A_2] : memref<10x8192xi32, #tpu.memory_space<hbm>> -> memref<1x128xi32, #tpu.memory_space<hbm>>
      %dma_start3A_51 = tpu.memref_squeeze %dma_start3A : memref<1x128xi32, #tpu.memory_space<hbm>> -> memref<128xi32, #tpu.memory_space<hbm>>
      %dma_start3A_52 = tpu.memref_slice %arg2[%run_scoped3A_28, %mul3A_2] : memref<10x8192xi32, #tpu.memory_space<hbm>> -> memref<1x128xi32, #tpu.memory_space<hbm>>
      %dma_start3A_53 = tpu.memref_squeeze %dma_start3A_52 : memref<1x128xi32, #tpu.memory_space<hbm>> -> memref<128xi32, #tpu.memory_space<hbm>>
      tpu.enqueue_dma source(%dma_start3A_53 : memref<128xi32, #tpu.memory_space<hbm>>) target(%arg6 : memref<128xi32, #tpu.memory_space<vmem>>) target_semaphore(%run_scoped3A_50 : memref<!tpu.dma_semaphore, #tpu.memory_space<semaphore_mem>>)
      %dma_wait3A = tpu.memref_slice %arg2[%run_scoped3A_28, %mul3A_2] : memref<10x8192xi32, #tpu.memory_space<hbm>> -> memref<1x128xi32, #tpu.memory_space<hbm>>
      %dma_wait3A_54 = tpu.memref_squeeze %dma_wait3A : memref<1x128xi32, #tpu.memory_space<hbm>> -> memref<128xi32, #tpu.memory_space<hbm>>
      %dma_wait3A_55 = tpu.memref_slice %arg2[%run_scoped3A_28, %mul3A_2] : memref<10x8192xi32, #tpu.memory_space<hbm>> -> memref<1x128xi32, #tpu.memory_space<hbm>>
      %dma_wait3A_56 = tpu.memref_squeeze %dma_wait3A_55 : memref<1x128xi32, #tpu.memory_space<hbm>> -> memref<128xi32, #tpu.memory_space<hbm>>
      tpu.wait_dma2 semaphore(%run_scoped3A_50 : memref<!tpu.dma_semaphore, #tpu.memory_space<semaphore_mem>>) src(%dma_wait3A_56 : memref<128xi32, #tpu.memory_space<hbm>>) dst(%arg6 : memref<128xi32, #tpu.memory_space<vmem>>)
      tpu.yield
    }) : () -> ()
    %add3A_29 = arith.constant 128 : i32
    %add3A_30 = arith.addi %mul3A_2, %add3A_29 : i32
    %run_scoped3A_31 = arith.constant 6 : i32
    "tpu.region"() ({
      %run_scoped3A_50 = tpu.sem_alloc : memref<!tpu.dma_semaphore, #tpu.memory_space<semaphore_mem>>
      %dma_start3A = tpu.memref_slice %arg2[%run_scoped3A_31, %add3A_30] : memref<10x8192xi32, #tpu.memory_space<hbm>> -> memref<1x128xi32, #tpu.memory_space<hbm>>
      %dma_start3A_51 = tpu.memref_squeeze %dma_start3A : memref<1x128xi32, #tpu.memory_space<hbm>> -> memref<128xi32, #tpu.memory_space<hbm>>
      %dma_start3A_52 = tpu.memref_slice %arg2[%run_scoped3A_31, %add3A_30] : memref<10x8192xi32, #tpu.memory_space<hbm>> -> memref<1x128xi32, #tpu.memory_space<hbm>>
      %dma_start3A_53 = tpu.memref_squeeze %dma_start3A_52 : memref<1x128xi32, #tpu.memory_space<hbm>> -> memref<128xi32, #tpu.memory_space<hbm>>
      tpu.enqueue_dma source(%dma_start3A_53 : memref<128xi32, #tpu.memory_space<hbm>>) target(%arg7 : memref<128xi32, #tpu.memory_space<vmem>>) target_semaphore(%run_scoped3A_50 : memref<!tpu.dma_semaphore, #tpu.memory_space<semaphore_mem>>)
      %dma_wait3A = tpu.memref_slice %arg2[%run_scoped3A_31, %add3A_30] : memref<10x8192xi32, #tpu.memory_space<hbm>> -> memref<1x128xi32, #tpu.memory_space<hbm>>
      %dma_wait3A_54 = tpu.memref_squeeze %dma_wait3A : memref<1x128xi32, #tpu.memory_space<hbm>> -> memref<128xi32, #tpu.memory_space<hbm>>
      %dma_wait3A_55 = tpu.memref_slice %arg2[%run_scoped3A_31, %add3A_30] : memref<10x8192xi32, #tpu.memory_space<hbm>> -> memref<1x128xi32, #tpu.memory_space<hbm>>
      %dma_wait3A_56 = tpu.memref_squeeze %dma_wait3A_55 : memref<1x128xi32, #tpu.memory_space<hbm>> -> memref<128xi32, #tpu.memory_space<hbm>>
      tpu.wait_dma2 semaphore(%run_scoped3A_50 : memref<!tpu.dma_semaphore, #tpu.memory_space<semaphore_mem>>) src(%dma_wait3A_56 : memref<128xi32, #tpu.memory_space<hbm>>) dst(%arg7 : memref<128xi32, #tpu.memory_space<vmem>>)
      tpu.yield
    }) : () -> ()
    "tpu.region"() ({
      %run_scoped3A_50 = tpu.sem_alloc : memref<!tpu.dma_semaphore, #tpu.memory_space<semaphore_mem>>
      %dma_start3A = arith.constant 0 : i32
      %dma_start3A_51 = arith.constant 0 : i32
      %dma_start3A_52 = tpu.memref_slice %arg9[%dma_start3A, %dma_start3A_51] : memref<8208x128xf32, #tpu.memory_space<vmem_shared>> -> memref<8208x128xf32, #tpu.memory_space<vmem_shared>>
      tpu.enqueue_indirect_dma source(%arg8 : memref<128x128xf32, #tpu.memory_space<vmem>>) target(%dma_start3A_52 : memref<8208x128xf32, #tpu.memory_space<vmem_shared>>) offsets(%arg6 : memref<128xi32, #tpu.memory_space<vmem>>) semaphore(%run_scoped3A_50 : memref<!tpu.dma_semaphore, #tpu.memory_space<semaphore_mem>>) {add = true}
      %dma_wait3A = arith.constant 0 : i32
      %dma_wait3A_53 = arith.constant 0 : i32
      %dma_wait3A_54 = tpu.memref_slice %arg9[%dma_wait3A, %dma_wait3A_53] : memref<8208x128xf32, #tpu.memory_space<vmem_shared>> -> memref<8208x128xf32, #tpu.memory_space<vmem_shared>>
      tpu.wait_indirect_dma semaphore(%run_scoped3A_50 : memref<!tpu.dma_semaphore, #tpu.memory_space<semaphore_mem>>) src(%arg8 : memref<128x128xf32, #tpu.memory_space<vmem>>) dst(%dma_wait3A_54 : memref<8208x128xf32, #tpu.memory_space<vmem_shared>>)
      tpu.yield
    }) : () -> ()
    "tpu.region"() ({
      %run_scoped3A_50 = tpu.sem_alloc : memref<!tpu.dma_semaphore, #tpu.memory_space<semaphore_mem>>
      %dma_start3A = arith.constant 0 : i32
      %dma_start3A_51 = arith.constant 0 : i32
      %dma_start3A_52 = tpu.memref_slice %arg9[%dma_start3A, %dma_start3A_51] : memref<8208x128xf32, #tpu.memory_space<vmem_shared>> -> memref<8208x128xf32, #tpu.memory_space<vmem_shared>>
      tpu.enqueue_indirect_dma source(%arg8 : memref<128x128xf32, #tpu.memory_space<vmem>>) target(%dma_start3A_52 : memref<8208x128xf32, #tpu.memory_space<vmem_shared>>) offsets(%arg7 : memref<128xi32, #tpu.memory_space<vmem>>) semaphore(%run_scoped3A_50 : memref<!tpu.dma_semaphore, #tpu.memory_space<semaphore_mem>>) {add = true}
      %dma_wait3A = arith.constant 0 : i32
      %dma_wait3A_53 = arith.constant 0 : i32
      %dma_wait3A_54 = tpu.memref_slice %arg9[%dma_wait3A, %dma_wait3A_53] : memref<8208x128xf32, #tpu.memory_space<vmem_shared>> -> memref<8208x128xf32, #tpu.memory_space<vmem_shared>>
      tpu.wait_indirect_dma semaphore(%run_scoped3A_50 : memref<!tpu.dma_semaphore, #tpu.memory_space<semaphore_mem>>) src(%arg8 : memref<128x128xf32, #tpu.memory_space<vmem>>) dst(%dma_wait3A_54 : memref<8208x128xf32, #tpu.memory_space<vmem_shared>>)
      tpu.yield
    }) : () -> ()
    %run_scoped3A_32 = arith.constant 7 : i32
    "tpu.region"() ({
      %run_scoped3A_50 = tpu.sem_alloc : memref<!tpu.dma_semaphore, #tpu.memory_space<semaphore_mem>>
      %dma_start3A = tpu.memref_slice %arg2[%run_scoped3A_32, %mul3A_2] : memref<10x8192xi32, #tpu.memory_space<hbm>> -> memref<1x128xi32, #tpu.memory_space<hbm>>
      %dma_start3A_51 = tpu.memref_squeeze %dma_start3A : memref<1x128xi32, #tpu.memory_space<hbm>> -> memref<128xi32, #tpu.memory_space<hbm>>
      %dma_start3A_52 = tpu.memref_slice %arg2[%run_scoped3A_32, %mul3A_2] : memref<10x8192xi32, #tpu.memory_space<hbm>> -> memref<1x128xi32, #tpu.memory_space<hbm>>
      %dma_start3A_53 = tpu.memref_squeeze %dma_start3A_52 : memref<1x128xi32, #tpu.memory_space<hbm>> -> memref<128xi32, #tpu.memory_space<hbm>>
      tpu.enqueue_dma source(%dma_start3A_53 : memref<128xi32, #tpu.memory_space<hbm>>) target(%arg6 : memref<128xi32, #tpu.memory_space<vmem>>) target_semaphore(%run_scoped3A_50 : memref<!tpu.dma_semaphore, #tpu.memory_space<semaphore_mem>>)
      %dma_wait3A = tpu.memref_slice %arg2[%run_scoped3A_32, %mul3A_2] : memref<10x8192xi32, #tpu.memory_space<hbm>> -> memref<1x128xi32, #tpu.memory_space<hbm>>
      %dma_wait3A_54 = tpu.memref_squeeze %dma_wait3A : memref<1x128xi32, #tpu.memory_space<hbm>> -> memref<128xi32, #tpu.memory_space<hbm>>
      %dma_wait3A_55 = tpu.memref_slice %arg2[%run_scoped3A_32, %mul3A_2] : memref<10x8192xi32, #tpu.memory_space<hbm>> -> memref<1x128xi32, #tpu.memory_space<hbm>>
      %dma_wait3A_56 = tpu.memref_squeeze %dma_wait3A_55 : memref<1x128xi32, #tpu.memory_space<hbm>> -> memref<128xi32, #tpu.memory_space<hbm>>
      tpu.wait_dma2 semaphore(%run_scoped3A_50 : memref<!tpu.dma_semaphore, #tpu.memory_space<semaphore_mem>>) src(%dma_wait3A_56 : memref<128xi32, #tpu.memory_space<hbm>>) dst(%arg6 : memref<128xi32, #tpu.memory_space<vmem>>)
      tpu.yield
    }) : () -> ()
    %add3A_33 = arith.constant 128 : i32
    %add3A_34 = arith.addi %mul3A_2, %add3A_33 : i32
    %run_scoped3A_35 = arith.constant 7 : i32
    "tpu.region"() ({
      %run_scoped3A_50 = tpu.sem_alloc : memref<!tpu.dma_semaphore, #tpu.memory_space<semaphore_mem>>
      %dma_start3A = tpu.memref_slice %arg2[%run_scoped3A_35, %add3A_34] : memref<10x8192xi32, #tpu.memory_space<hbm>> -> memref<1x128xi32, #tpu.memory_space<hbm>>
      %dma_start3A_51 = tpu.memref_squeeze %dma_start3A : memref<1x128xi32, #tpu.memory_space<hbm>> -> memref<128xi32, #tpu.memory_space<hbm>>
      %dma_start3A_52 = tpu.memref_slice %arg2[%run_scoped3A_35, %add3A_34] : memref<10x8192xi32, #tpu.memory_space<hbm>> -> memref<1x128xi32, #tpu.memory_space<hbm>>
      %dma_start3A_53 = tpu.memref_squeeze %dma_start3A_52 : memref<1x128xi32, #tpu.memory_space<hbm>> -> memref<128xi32, #tpu.memory_space<hbm>>
      tpu.enqueue_dma source(%dma_start3A_53 : memref<128xi32, #tpu.memory_space<hbm>>) target(%arg7 : memref<128xi32, #tpu.memory_space<vmem>>) target_semaphore(%run_scoped3A_50 : memref<!tpu.dma_semaphore, #tpu.memory_space<semaphore_mem>>)
      %dma_wait3A = tpu.memref_slice %arg2[%run_scoped3A_35, %add3A_34] : memref<10x8192xi32, #tpu.memory_space<hbm>> -> memref<1x128xi32, #tpu.memory_space<hbm>>
      %dma_wait3A_54 = tpu.memref_squeeze %dma_wait3A : memref<1x128xi32, #tpu.memory_space<hbm>> -> memref<128xi32, #tpu.memory_space<hbm>>
      %dma_wait3A_55 = tpu.memref_slice %arg2[%run_scoped3A_35, %add3A_34] : memref<10x8192xi32, #tpu.memory_space<hbm>> -> memref<1x128xi32, #tpu.memory_space<hbm>>
      %dma_wait3A_56 = tpu.memref_squeeze %dma_wait3A_55 : memref<1x128xi32, #tpu.memory_space<hbm>> -> memref<128xi32, #tpu.memory_space<hbm>>
      tpu.wait_dma2 semaphore(%run_scoped3A_50 : memref<!tpu.dma_semaphore, #tpu.memory_space<semaphore_mem>>) src(%dma_wait3A_56 : memref<128xi32, #tpu.memory_space<hbm>>) dst(%arg7 : memref<128xi32, #tpu.memory_space<vmem>>)
      tpu.yield
    }) : () -> ()
    "tpu.region"() ({
      %run_scoped3A_50 = tpu.sem_alloc : memref<!tpu.dma_semaphore, #tpu.memory_space<semaphore_mem>>
      %dma_start3A = arith.constant 0 : i32
      %dma_start3A_51 = arith.constant 0 : i32
      %dma_start3A_52 = tpu.memref_slice %arg9[%dma_start3A, %dma_start3A_51] : memref<8208x128xf32, #tpu.memory_space<vmem_shared>> -> memref<8208x128xf32, #tpu.memory_space<vmem_shared>>
      tpu.enqueue_indirect_dma source(%arg8 : memref<128x128xf32, #tpu.memory_space<vmem>>) target(%dma_start3A_52 : memref<8208x128xf32, #tpu.memory_space<vmem_shared>>) offsets(%arg6 : memref<128xi32, #tpu.memory_space<vmem>>) semaphore(%run_scoped3A_50 : memref<!tpu.dma_semaphore, #tpu.memory_space<semaphore_mem>>) {add = true}
      %dma_wait3A = arith.constant 0 : i32
      %dma_wait3A_53 = arith.constant 0 : i32
      %dma_wait3A_54 = tpu.memref_slice %arg9[%dma_wait3A, %dma_wait3A_53] : memref<8208x128xf32, #tpu.memory_space<vmem_shared>> -> memref<8208x128xf32, #tpu.memory_space<vmem_shared>>
      tpu.wait_indirect_dma semaphore(%run_scoped3A_50 : memref<!tpu.dma_semaphore, #tpu.memory_space<semaphore_mem>>) src(%arg8 : memref<128x128xf32, #tpu.memory_space<vmem>>) dst(%dma_wait3A_54 : memref<8208x128xf32, #tpu.memory_space<vmem_shared>>)
      tpu.yield
    }) : () -> ()
    "tpu.region"() ({
      %run_scoped3A_50 = tpu.sem_alloc : memref<!tpu.dma_semaphore, #tpu.memory_space<semaphore_mem>>
      %dma_start3A = arith.constant 0 : i32
      %dma_start3A_51 = arith.constant 0 : i32
      %dma_start3A_52 = tpu.memref_slice %arg9[%dma_start3A, %dma_start3A_51] : memref<8208x128xf32, #tpu.memory_space<vmem_shared>> -> memref<8208x128xf32, #tpu.memory_space<vmem_shared>>
      tpu.enqueue_indirect_dma source(%arg8 : memref<128x128xf32, #tpu.memory_space<vmem>>) target(%dma_start3A_52 : memref<8208x128xf32, #tpu.memory_space<vmem_shared>>) offsets(%arg7 : memref<128xi32, #tpu.memory_space<vmem>>) semaphore(%run_scoped3A_50 : memref<!tpu.dma_semaphore, #tpu.memory_space<semaphore_mem>>) {add = true}
      %dma_wait3A = arith.constant 0 : i32
      %dma_wait3A_53 = arith.constant 0 : i32
      %dma_wait3A_54 = tpu.memref_slice %arg9[%dma_wait3A, %dma_wait3A_53] : memref<8208x128xf32, #tpu.memory_space<vmem_shared>> -> memref<8208x128xf32, #tpu.memory_space<vmem_shared>>
      tpu.wait_indirect_dma semaphore(%run_scoped3A_50 : memref<!tpu.dma_semaphore, #tpu.memory_space<semaphore_mem>>) src(%arg8 : memref<128x128xf32, #tpu.memory_space<vmem>>) dst(%dma_wait3A_54 : memref<8208x128xf32, #tpu.memory_space<vmem_shared>>)
      tpu.yield
    }) : () -> ()
    %run_scoped3A_36 = arith.constant 8 : i32
    "tpu.region"() ({
      %run_scoped3A_50 = tpu.sem_alloc : memref<!tpu.dma_semaphore, #tpu.memory_space<semaphore_mem>>
      %dma_start3A = tpu.memref_slice %arg2[%run_scoped3A_36, %mul3A_2] : memref<10x8192xi32, #tpu.memory_space<hbm>> -> memref<1x128xi32, #tpu.memory_space<hbm>>
      %dma_start3A_51 = tpu.memref_squeeze %dma_start3A : memref<1x128xi32, #tpu.memory_space<hbm>> -> memref<128xi32, #tpu.memory_space<hbm>>
      %dma_start3A_52 = tpu.memref_slice %arg2[%run_scoped3A_36, %mul3A_2] : memref<10x8192xi32, #tpu.memory_space<hbm>> -> memref<1x128xi32, #tpu.memory_space<hbm>>
      %dma_start3A_53 = tpu.memref_squeeze %dma_start3A_52 : memref<1x128xi32, #tpu.memory_space<hbm>> -> memref<128xi32, #tpu.memory_space<hbm>>
      tpu.enqueue_dma source(%dma_start3A_53 : memref<128xi32, #tpu.memory_space<hbm>>) target(%arg6 : memref<128xi32, #tpu.memory_space<vmem>>) target_semaphore(%run_scoped3A_50 : memref<!tpu.dma_semaphore, #tpu.memory_space<semaphore_mem>>)
      %dma_wait3A = tpu.memref_slice %arg2[%run_scoped3A_36, %mul3A_2] : memref<10x8192xi32, #tpu.memory_space<hbm>> -> memref<1x128xi32, #tpu.memory_space<hbm>>
      %dma_wait3A_54 = tpu.memref_squeeze %dma_wait3A : memref<1x128xi32, #tpu.memory_space<hbm>> -> memref<128xi32, #tpu.memory_space<hbm>>
      %dma_wait3A_55 = tpu.memref_slice %arg2[%run_scoped3A_36, %mul3A_2] : memref<10x8192xi32, #tpu.memory_space<hbm>> -> memref<1x128xi32, #tpu.memory_space<hbm>>
      %dma_wait3A_56 = tpu.memref_squeeze %dma_wait3A_55 : memref<1x128xi32, #tpu.memory_space<hbm>> -> memref<128xi32, #tpu.memory_space<hbm>>
      tpu.wait_dma2 semaphore(%run_scoped3A_50 : memref<!tpu.dma_semaphore, #tpu.memory_space<semaphore_mem>>) src(%dma_wait3A_56 : memref<128xi32, #tpu.memory_space<hbm>>) dst(%arg6 : memref<128xi32, #tpu.memory_space<vmem>>)
      tpu.yield
    }) : () -> ()
    %add3A_37 = arith.constant 128 : i32
    %add3A_38 = arith.addi %mul3A_2, %add3A_37 : i32
    %run_scoped3A_39 = arith.constant 8 : i32
    "tpu.region"() ({
      %run_scoped3A_50 = tpu.sem_alloc : memref<!tpu.dma_semaphore, #tpu.memory_space<semaphore_mem>>
      %dma_start3A = tpu.memref_slice %arg2[%run_scoped3A_39, %add3A_38] : memref<10x8192xi32, #tpu.memory_space<hbm>> -> memref<1x128xi32, #tpu.memory_space<hbm>>
      %dma_start3A_51 = tpu.memref_squeeze %dma_start3A : memref<1x128xi32, #tpu.memory_space<hbm>> -> memref<128xi32, #tpu.memory_space<hbm>>
      %dma_start3A_52 = tpu.memref_slice %arg2[%run_scoped3A_39, %add3A_38] : memref<10x8192xi32, #tpu.memory_space<hbm>> -> memref<1x128xi32, #tpu.memory_space<hbm>>
      %dma_start3A_53 = tpu.memref_squeeze %dma_start3A_52 : memref<1x128xi32, #tpu.memory_space<hbm>> -> memref<128xi32, #tpu.memory_space<hbm>>
      tpu.enqueue_dma source(%dma_start3A_53 : memref<128xi32, #tpu.memory_space<hbm>>) target(%arg7 : memref<128xi32, #tpu.memory_space<vmem>>) target_semaphore(%run_scoped3A_50 : memref<!tpu.dma_semaphore, #tpu.memory_space<semaphore_mem>>)
      %dma_wait3A = tpu.memref_slice %arg2[%run_scoped3A_39, %add3A_38] : memref<10x8192xi32, #tpu.memory_space<hbm>> -> memref<1x128xi32, #tpu.memory_space<hbm>>
      %dma_wait3A_54 = tpu.memref_squeeze %dma_wait3A : memref<1x128xi32, #tpu.memory_space<hbm>> -> memref<128xi32, #tpu.memory_space<hbm>>
      %dma_wait3A_55 = tpu.memref_slice %arg2[%run_scoped3A_39, %add3A_38] : memref<10x8192xi32, #tpu.memory_space<hbm>> -> memref<1x128xi32, #tpu.memory_space<hbm>>
      %dma_wait3A_56 = tpu.memref_squeeze %dma_wait3A_55 : memref<1x128xi32, #tpu.memory_space<hbm>> -> memref<128xi32, #tpu.memory_space<hbm>>
      tpu.wait_dma2 semaphore(%run_scoped3A_50 : memref<!tpu.dma_semaphore, #tpu.memory_space<semaphore_mem>>) src(%dma_wait3A_56 : memref<128xi32, #tpu.memory_space<hbm>>) dst(%arg7 : memref<128xi32, #tpu.memory_space<vmem>>)
      tpu.yield
    }) : () -> ()
    "tpu.region"() ({
      %run_scoped3A_50 = tpu.sem_alloc : memref<!tpu.dma_semaphore, #tpu.memory_space<semaphore_mem>>
      %dma_start3A = arith.constant 0 : i32
      %dma_start3A_51 = arith.constant 0 : i32
      %dma_start3A_52 = tpu.memref_slice %arg9[%dma_start3A, %dma_start3A_51] : memref<8208x128xf32, #tpu.memory_space<vmem_shared>> -> memref<8208x128xf32, #tpu.memory_space<vmem_shared>>
      tpu.enqueue_indirect_dma source(%arg8 : memref<128x128xf32, #tpu.memory_space<vmem>>) target(%dma_start3A_52 : memref<8208x128xf32, #tpu.memory_space<vmem_shared>>) offsets(%arg6 : memref<128xi32, #tpu.memory_space<vmem>>) semaphore(%run_scoped3A_50 : memref<!tpu.dma_semaphore, #tpu.memory_space<semaphore_mem>>) {add = true}
      %dma_wait3A = arith.constant 0 : i32
      %dma_wait3A_53 = arith.constant 0 : i32
      %dma_wait3A_54 = tpu.memref_slice %arg9[%dma_wait3A, %dma_wait3A_53] : memref<8208x128xf32, #tpu.memory_space<vmem_shared>> -> memref<8208x128xf32, #tpu.memory_space<vmem_shared>>
      tpu.wait_indirect_dma semaphore(%run_scoped3A_50 : memref<!tpu.dma_semaphore, #tpu.memory_space<semaphore_mem>>) src(%arg8 : memref<128x128xf32, #tpu.memory_space<vmem>>) dst(%dma_wait3A_54 : memref<8208x128xf32, #tpu.memory_space<vmem_shared>>)
      tpu.yield
    }) : () -> ()
    "tpu.region"() ({
      %run_scoped3A_50 = tpu.sem_alloc : memref<!tpu.dma_semaphore, #tpu.memory_space<semaphore_mem>>
      %dma_start3A = arith.constant 0 : i32
      %dma_start3A_51 = arith.constant 0 : i32
      %dma_start3A_52 = tpu.memref_slice %arg9[%dma_start3A, %dma_start3A_51] : memref<8208x128xf32, #tpu.memory_space<vmem_shared>> -> memref<8208x128xf32, #tpu.memory_space<vmem_shared>>
      tpu.enqueue_indirect_dma source(%arg8 : memref<128x128xf32, #tpu.memory_space<vmem>>) target(%dma_start3A_52 : memref<8208x128xf32, #tpu.memory_space<vmem_shared>>) offsets(%arg7 : memref<128xi32, #tpu.memory_space<vmem>>) semaphore(%run_scoped3A_50 : memref<!tpu.dma_semaphore, #tpu.memory_space<semaphore_mem>>) {add = true}
      %dma_wait3A = arith.constant 0 : i32
      %dma_wait3A_53 = arith.constant 0 : i32
      %dma_wait3A_54 = tpu.memref_slice %arg9[%dma_wait3A, %dma_wait3A_53] : memref<8208x128xf32, #tpu.memory_space<vmem_shared>> -> memref<8208x128xf32, #tpu.memory_space<vmem_shared>>
      tpu.wait_indirect_dma semaphore(%run_scoped3A_50 : memref<!tpu.dma_semaphore, #tpu.memory_space<semaphore_mem>>) src(%arg8 : memref<128x128xf32, #tpu.memory_space<vmem>>) dst(%dma_wait3A_54 : memref<8208x128xf32, #tpu.memory_space<vmem_shared>>)
      tpu.yield
    }) : () -> ()
    %run_scoped3A_40 = arith.constant 9 : i32
    "tpu.region"() ({
      %run_scoped3A_50 = tpu.sem_alloc : memref<!tpu.dma_semaphore, #tpu.memory_space<semaphore_mem>>
      %dma_start3A = tpu.memref_slice %arg2[%run_scoped3A_40, %mul3A_2] : memref<10x8192xi32, #tpu.memory_space<hbm>> -> memref<1x128xi32, #tpu.memory_space<hbm>>
      %dma_start3A_51 = tpu.memref_squeeze %dma_start3A : memref<1x128xi32, #tpu.memory_space<hbm>> -> memref<128xi32, #tpu.memory_space<hbm>>
      %dma_start3A_52 = tpu.memref_slice %arg2[%run_scoped3A_40, %mul3A_2] : memref<10x8192xi32, #tpu.memory_space<hbm>> -> memref<1x128xi32, #tpu.memory_space<hbm>>
      %dma_start3A_53 = tpu.memref_squeeze %dma_start3A_52 : memref<1x128xi32, #tpu.memory_space<hbm>> -> memref<128xi32, #tpu.memory_space<hbm>>
      tpu.enqueue_dma source(%dma_start3A_53 : memref<128xi32, #tpu.memory_space<hbm>>) target(%arg6 : memref<128xi32, #tpu.memory_space<vmem>>) target_semaphore(%run_scoped3A_50 : memref<!tpu.dma_semaphore, #tpu.memory_space<semaphore_mem>>)
      %dma_wait3A = tpu.memref_slice %arg2[%run_scoped3A_40, %mul3A_2] : memref<10x8192xi32, #tpu.memory_space<hbm>> -> memref<1x128xi32, #tpu.memory_space<hbm>>
      %dma_wait3A_54 = tpu.memref_squeeze %dma_wait3A : memref<1x128xi32, #tpu.memory_space<hbm>> -> memref<128xi32, #tpu.memory_space<hbm>>
      %dma_wait3A_55 = tpu.memref_slice %arg2[%run_scoped3A_40, %mul3A_2] : memref<10x8192xi32, #tpu.memory_space<hbm>> -> memref<1x128xi32, #tpu.memory_space<hbm>>
      %dma_wait3A_56 = tpu.memref_squeeze %dma_wait3A_55 : memref<1x128xi32, #tpu.memory_space<hbm>> -> memref<128xi32, #tpu.memory_space<hbm>>
      tpu.wait_dma2 semaphore(%run_scoped3A_50 : memref<!tpu.dma_semaphore, #tpu.memory_space<semaphore_mem>>) src(%dma_wait3A_56 : memref<128xi32, #tpu.memory_space<hbm>>) dst(%arg6 : memref<128xi32, #tpu.memory_space<vmem>>)
      tpu.yield
    }) : () -> ()
    %add3A_41 = arith.constant 128 : i32
    %add3A_42 = arith.addi %mul3A_2, %add3A_41 : i32
    %run_scoped3A_43 = arith.constant 9 : i32
    "tpu.region"() ({
      %run_scoped3A_50 = tpu.sem_alloc : memref<!tpu.dma_semaphore, #tpu.memory_space<semaphore_mem>>
      %dma_start3A = tpu.memref_slice %arg2[%run_scoped3A_43, %add3A_42] : memref<10x8192xi32, #tpu.memory_space<hbm>> -> memref<1x128xi32, #tpu.memory_space<hbm>>
      %dma_start3A_51 = tpu.memref_squeeze %dma_start3A : memref<1x128xi32, #tpu.memory_space<hbm>> -> memref<128xi32, #tpu.memory_space<hbm>>
      %dma_start3A_52 = tpu.memref_slice %arg2[%run_scoped3A_43, %add3A_42] : memref<10x8192xi32, #tpu.memory_space<hbm>> -> memref<1x128xi32, #tpu.memory_space<hbm>>
      %dma_start3A_53 = tpu.memref_squeeze %dma_start3A_52 : memref<1x128xi32, #tpu.memory_space<hbm>> -> memref<128xi32, #tpu.memory_space<hbm>>
      tpu.enqueue_dma source(%dma_start3A_53 : memref<128xi32, #tpu.memory_space<hbm>>) target(%arg7 : memref<128xi32, #tpu.memory_space<vmem>>) target_semaphore(%run_scoped3A_50 : memref<!tpu.dma_semaphore, #tpu.memory_space<semaphore_mem>>)
      %dma_wait3A = tpu.memref_slice %arg2[%run_scoped3A_43, %add3A_42] : memref<10x8192xi32, #tpu.memory_space<hbm>> -> memref<1x128xi32, #tpu.memory_space<hbm>>
      %dma_wait3A_54 = tpu.memref_squeeze %dma_wait3A : memref<1x128xi32, #tpu.memory_space<hbm>> -> memref<128xi32, #tpu.memory_space<hbm>>
      %dma_wait3A_55 = tpu.memref_slice %arg2[%run_scoped3A_43, %add3A_42] : memref<10x8192xi32, #tpu.memory_space<hbm>> -> memref<1x128xi32, #tpu.memory_space<hbm>>
      %dma_wait3A_56 = tpu.memref_squeeze %dma_wait3A_55 : memref<1x128xi32, #tpu.memory_space<hbm>> -> memref<128xi32, #tpu.memory_space<hbm>>
      tpu.wait_dma2 semaphore(%run_scoped3A_50 : memref<!tpu.dma_semaphore, #tpu.memory_space<semaphore_mem>>) src(%dma_wait3A_56 : memref<128xi32, #tpu.memory_space<hbm>>) dst(%arg7 : memref<128xi32, #tpu.memory_space<vmem>>)
      tpu.yield
    }) : () -> ()
    "tpu.region"() ({
      %run_scoped3A_50 = tpu.sem_alloc : memref<!tpu.dma_semaphore, #tpu.memory_space<semaphore_mem>>
      %dma_start3A = arith.constant 0 : i32
      %dma_start3A_51 = arith.constant 0 : i32
      %dma_start3A_52 = tpu.memref_slice %arg9[%dma_start3A, %dma_start3A_51] : memref<8208x128xf32, #tpu.memory_space<vmem_shared>> -> memref<8208x128xf32, #tpu.memory_space<vmem_shared>>
      tpu.enqueue_indirect_dma source(%arg8 : memref<128x128xf32, #tpu.memory_space<vmem>>) target(%dma_start3A_52 : memref<8208x128xf32, #tpu.memory_space<vmem_shared>>) offsets(%arg6 : memref<128xi32, #tpu.memory_space<vmem>>) semaphore(%run_scoped3A_50 : memref<!tpu.dma_semaphore, #tpu.memory_space<semaphore_mem>>) {add = true}
      %dma_wait3A = arith.constant 0 : i32
      %dma_wait3A_53 = arith.constant 0 : i32
      %dma_wait3A_54 = tpu.memref_slice %arg9[%dma_wait3A, %dma_wait3A_53] : memref<8208x128xf32, #tpu.memory_space<vmem_shared>> -> memref<8208x128xf32, #tpu.memory_space<vmem_shared>>
      tpu.wait_indirect_dma semaphore(%run_scoped3A_50 : memref<!tpu.dma_semaphore, #tpu.memory_space<semaphore_mem>>) src(%arg8 : memref<128x128xf32, #tpu.memory_space<vmem>>) dst(%dma_wait3A_54 : memref<8208x128xf32, #tpu.memory_space<vmem_shared>>)
      tpu.yield
    }) : () -> ()
    "tpu.region"() ({
      %run_scoped3A_50 = tpu.sem_alloc : memref<!tpu.dma_semaphore, #tpu.memory_space<semaphore_mem>>
      %dma_start3A = arith.constant 0 : i32
      %dma_start3A_51 = arith.constant 0 : i32
      %dma_start3A_52 = tpu.memref_slice %arg9[%dma_start3A, %dma_start3A_51] : memref<8208x128xf32, #tpu.memory_space<vmem_shared>> -> memref<8208x128xf32, #tpu.memory_space<vmem_shared>>
      tpu.enqueue_indirect_dma source(%arg8 : memref<128x128xf32, #tpu.memory_space<vmem>>) target(%dma_start3A_52 : memref<8208x128xf32, #tpu.memory_space<vmem_shared>>) offsets(%arg7 : memref<128xi32, #tpu.memory_space<vmem>>) semaphore(%run_scoped3A_50 : memref<!tpu.dma_semaphore, #tpu.memory_space<semaphore_mem>>) {add = true}
      %dma_wait3A = arith.constant 0 : i32
      %dma_wait3A_53 = arith.constant 0 : i32
      %dma_wait3A_54 = tpu.memref_slice %arg9[%dma_wait3A, %dma_wait3A_53] : memref<8208x128xf32, #tpu.memory_space<vmem_shared>> -> memref<8208x128xf32, #tpu.memory_space<vmem_shared>>
      tpu.wait_indirect_dma semaphore(%run_scoped3A_50 : memref<!tpu.dma_semaphore, #tpu.memory_space<semaphore_mem>>) src(%arg8 : memref<128x128xf32, #tpu.memory_space<vmem>>) dst(%dma_wait3A_54 : memref<8208x128xf32, #tpu.memory_space<vmem_shared>>)
      tpu.yield
    }) : () -> ()
    %barrier3A_44 = arith.constant 0 : index
    tpu.barrier barrier_id(%barrier3A_44)
    %eq3A_45 = arith.constant 0 : i32
    %eq3A_46 = arith.cmpi eq, %arg1, %eq3A_45 : i32
    %convert_element_type3A_47 = arith.extui %eq3A_46 : i1 to i32
    %cond3A_48 = arith.constant 0 : i32
    %cond3A_49 = arith.cmpi ne, %convert_element_type3A_47, %cond3A_48 : i32
    scf.if %cond3A_49 {
      "tpu.region"() ({
        %run_scoped3A_50 = tpu.sem_alloc : memref<!tpu.dma_semaphore, #tpu.memory_space<semaphore_mem>>
        %dma_start3A = arith.constant 0 : i32
        %dma_start3A_51 = arith.constant 0 : i32
        %dma_start3A_52 = tpu.memref_slice %arg5[%arg0, %dma_start3A, %dma_start3A_51] : memref<2x8208x128xf32, #tpu.memory_space<hbm>> -> memref<1x8208x128xf32, #tpu.memory_space<hbm>>
        %dma_start3A_53 = tpu.memref_squeeze %dma_start3A_52 : memref<1x8208x128xf32, #tpu.memory_space<hbm>> -> memref<8208x128xf32, #tpu.memory_space<hbm>>
        tpu.enqueue_dma source(%arg9 : memref<8208x128xf32, #tpu.memory_space<vmem_shared>>) target(%dma_start3A_53 : memref<8208x128xf32, #tpu.memory_space<hbm>>) target_semaphore(%run_scoped3A_50 : memref<!tpu.dma_semaphore, #tpu.memory_space<semaphore_mem>>)
        %dma_wait3A = arith.constant 0 : i32
        %dma_wait3A_54 = arith.constant 0 : i32
        %dma_wait3A_55 = tpu.memref_slice %arg5[%arg0, %dma_wait3A, %dma_wait3A_54] : memref<2x8208x128xf32, #tpu.memory_space<hbm>> -> memref<1x8208x128xf32, #tpu.memory_space<hbm>>
        %dma_wait3A_56 = tpu.memref_squeeze %dma_wait3A_55 : memref<1x8208x128xf32, #tpu.memory_space<hbm>> -> memref<8208x128xf32, #tpu.memory_space<hbm>>
        tpu.wait_dma2 semaphore(%run_scoped3A_50 : memref<!tpu.dma_semaphore, #tpu.memory_space<semaphore_mem>>) src(%arg9 : memref<8208x128xf32, #tpu.memory_space<vmem_shared>>) dst(%dma_wait3A_56 : memref<8208x128xf32, #tpu.memory_space<hbm>>)
        tpu.yield
      }) : () -> ()
    } else {
    }
    return
  }
}

module attributes {stable_mosaic.version = 14 : i64} {
  func.func @_topk_body(%arg0: i32, %arg1: memref<256x128xf32, #tpu.memory_space<vmem>>, %arg2: memref<4096x128xf32, #tpu.memory_space<vmem>>, %arg3: memref<10x256xi32, #tpu.memory_space<vmem>>) attributes {dimension_semantics = [#tpu.dimension_semantics<arbitrary>], iteration_bounds = array<i64: 32>, scalar_prefetch = 0 : i64, scratch_operands = 0 : i64, tpu.core_type = #tpu.core_type<tc>, window_params = [{transform_indices = @transform_0, window_bounds = array<i64: 256, 128>}, {transform_indices = @transform_1, window_bounds = array<i64: 4096, 128>}, {transform_indices = @transform_2, window_bounds = array<i64: 10, 256>}]} {
    %get3A = arith.constant 0 : index
    %get3A_0 = arith.constant 0 : index
    %get3A_1 = vector.load %arg1[%get3A, %get3A_0] : memref<256x128xf32, #tpu.memory_space<vmem>>, vector<256x128xf32>
    %get3A_2 = arith.constant 0 : index
    %get3A_3 = arith.constant 0 : index
    %get3A_4 = vector.load %arg2[%get3A_2, %get3A_3] : memref<4096x128xf32, #tpu.memory_space<vmem>>, vector<4096x128xf32>
    %mul3A = arith.mulf %get3A_1, %get3A_1 : vector<256x128xf32>
    %reduce_sum3A = arith.constant dense<0.000000e+00> : vector<256xf32>
    %reduce_sum3A_5 = vector.multi_reduction <add>, %mul3A, %reduce_sum3A [1] : vector<256x128xf32> to vector<256xf32>
    %broadcast_in_dim3A = vector.shape_cast %reduce_sum3A_5 : vector<256xf32> to vector<256x1xf32>
    %sqrt3A = math.sqrt %broadcast_in_dim3A : vector<256x1xf32>
    %add3A = arith.constant 9.99999996E-13 : f32
    %add3A_6 = vector.broadcast %add3A : f32 to vector<256x1xf32>
    %add3A_7 = arith.addf %sqrt3A, %add3A_6 : vector<256x1xf32>
    %div3A = vector.broadcast %add3A_7 : vector<256x1xf32> to vector<256x128xf32>
    %div3A_8 = arith.divf %get3A_1, %div3A : vector<256x128xf32>
    %mul3A_9 = arith.mulf %get3A_4, %get3A_4 : vector<4096x128xf32>
    %reduce_sum3A_10 = arith.constant dense<0.000000e+00> : vector<4096xf32>
    %reduce_sum3A_11 = vector.multi_reduction <add>, %mul3A_9, %reduce_sum3A_10 [1] : vector<4096x128xf32> to vector<4096xf32>
    %broadcast_in_dim3A_12 = vector.shape_cast %reduce_sum3A_11 : vector<4096xf32> to vector<4096x1xf32>
    %sqrt3A_13 = math.sqrt %broadcast_in_dim3A_12 : vector<4096x1xf32>
    %add3A_14 = arith.constant 9.99999996E-13 : f32
    %add3A_15 = vector.broadcast %add3A_14 : f32 to vector<4096x1xf32>
    %add3A_16 = arith.addf %sqrt3A_13, %add3A_15 : vector<4096x1xf32>
    %div3A_17 = vector.broadcast %add3A_16 : vector<4096x1xf32> to vector<4096x128xf32>
    %div3A_18 = arith.divf %get3A_4, %div3A_17 : vector<4096x128xf32>
    %dot_general3A = arith.constant dense<0.000000e+00> : vector<256x4096xf32>
    %dot_general3A_19 = tpu.matmul %div3A_8, %div3A_18, %dot_general3A {dimension_numbers = #tpu.dot_dimension_numbers<[1], [1], [0], [0], [0, 0, 1, 0], [], []>, transpose_lhs_hint = false} : vector<256x128xf32>, vector<4096x128xf32>, vector<256x4096xf32> -> vector<256x4096xf32>
    %iota3A = tpu.iota {dimensions = array<i32: 1>} : vector<256x4096xi32>
    %lt3A = arith.constant 16 : i32
    %lt3A_20 = arith.cmpi slt, %arg0, %lt3A : i32
    %jit3A = arith.constant 4096 : i32
    %jit3A_21 = arith.constant 0 : i32
    %select_n3A = arith.select %lt3A_20, %jit3A, %jit3A_21 : i32
    %gt3A = arith.constant 0.000000e+00 : f32
    %gt3A_22 = vector.broadcast %gt3A : f32 to vector<256x4096xf32>
    %gt3A_23 = arith.cmpf ogt, %dot_general3A_19, %gt3A_22 : vector<256x4096xf32>
    %convert_element_type3A = arith.extui %gt3A_23 : vector<256x4096xi1> to vector<256x4096xi32>
    %convert_element_type3A_24 = arith.sitofp %convert_element_type3A : vector<256x4096xi32> to vector<256x4096xf32>
    %reduce_sum3A_25 = arith.constant dense<0.000000e+00> : vector<256xf32>
    %reduce_sum3A_26 = vector.multi_reduction <add>, %convert_element_type3A_24, %reduce_sum3A_25 [1] : vector<256x4096xf32> to vector<256xf32>
    %argmax3A = tpu.reduce_index %dot_general3A_19 {axis = 1 : i32, kind = #tpu.reduction_kind<arg_max>} : vector<256x4096xf32> -> vector<256xi32>
    %broadcast_in_dim3A_27 = vector.shape_cast %argmax3A : vector<256xi32> to vector<256x1xi32>
    %eq3A = vector.broadcast %broadcast_in_dim3A_27 : vector<256x1xi32> to vector<256x4096xi32>
    %eq3A_28 = arith.cmpi eq, %iota3A, %eq3A : vector<256x4096xi32>
    %jit3A_29 = arith.constant -3.000000e+00 : f32
    %broadcast_in_dim3A_30 = vector.broadcast %jit3A_29 : f32 to vector<256x4096xf32>
    %select_n3A_31 = arith.select %eq3A_28, %broadcast_in_dim3A_30, %dot_general3A_19 : vector<256x4096xi1>, vector<256x4096xf32>
    %gt3A_32 = arith.constant 0.000000e+00 : f32
    %gt3A_33 = vector.broadcast %gt3A_32 : f32 to vector<256xf32>
    %gt3A_34 = arith.cmpf ogt, %reduce_sum3A_26, %gt3A_33 : vector<256xf32>
    %add3A_35 = vector.broadcast %select_n3A : i32 to vector<256xi32>
    %add3A_36 = arith.addi %argmax3A, %add3A_35 : vector<256xi32>
    %jit3A_37 = arith.constant 8192 : i32
    %broadcast_in_dim3A_38 = vector.broadcast %jit3A_37 : i32 to vector<256xi32>
    %select_n3A_39 = arith.select %gt3A_34, %add3A_36, %broadcast_in_dim3A_38 : vector<256xi1>, vector<256xi32>
    %broadcast_in_dim3A_40 = vector.shape_cast %select_n3A_39 : vector<256xi32> to vector<256x1xi32>
    %argmax3A_41 = tpu.reduce_index %select_n3A_31 {axis = 1 : i32, kind = #tpu.reduction_kind<arg_max>} : vector<256x4096xf32> -> vector<256xi32>
    %broadcast_in_dim3A_42 = vector.shape_cast %argmax3A_41 : vector<256xi32> to vector<256x1xi32>
    %eq3A_43 = vector.broadcast %broadcast_in_dim3A_42 : vector<256x1xi32> to vector<256x4096xi32>
    %eq3A_44 = arith.cmpi eq, %iota3A, %eq3A_43 : vector<256x4096xi32>
    %jit3A_45 = arith.constant -3.000000e+00 : f32
    %broadcast_in_dim3A_46 = vector.broadcast %jit3A_45 : f32 to vector<256x4096xf32>
    %select_n3A_47 = arith.select %eq3A_44, %broadcast_in_dim3A_46, %select_n3A_31 : vector<256x4096xi1>, vector<256x4096xf32>
    %gt3A_48 = arith.constant 1.000000e+00 : f32
    %gt3A_49 = vector.broadcast %gt3A_48 : f32 to vector<256xf32>
    %gt3A_50 = arith.cmpf ogt, %reduce_sum3A_26, %gt3A_49 : vector<256xf32>
    %add3A_51 = vector.broadcast %select_n3A : i32 to vector<256xi32>
    %add3A_52 = arith.addi %argmax3A_41, %add3A_51 : vector<256xi32>
    %jit3A_53 = arith.constant 8192 : i32
    %broadcast_in_dim3A_54 = vector.broadcast %jit3A_53 : i32 to vector<256xi32>
    %select_n3A_55 = arith.select %gt3A_50, %add3A_52, %broadcast_in_dim3A_54 : vector<256xi1>, vector<256xi32>
    %broadcast_in_dim3A_56 = vector.shape_cast %select_n3A_55 : vector<256xi32> to vector<256x1xi32>
    %argmax3A_57 = tpu.reduce_index %select_n3A_47 {axis = 1 : i32, kind = #tpu.reduction_kind<arg_max>} : vector<256x4096xf32> -> vector<256xi32>
    %broadcast_in_dim3A_58 = vector.shape_cast %argmax3A_57 : vector<256xi32> to vector<256x1xi32>
    %eq3A_59 = vector.broadcast %broadcast_in_dim3A_58 : vector<256x1xi32> to vector<256x4096xi32>
    %eq3A_60 = arith.cmpi eq, %iota3A, %eq3A_59 : vector<256x4096xi32>
    %jit3A_61 = arith.constant -3.000000e+00 : f32
    %broadcast_in_dim3A_62 = vector.broadcast %jit3A_61 : f32 to vector<256x4096xf32>
    %select_n3A_63 = arith.select %eq3A_60, %broadcast_in_dim3A_62, %select_n3A_47 : vector<256x4096xi1>, vector<256x4096xf32>
    %gt3A_64 = arith.constant 2.000000e+00 : f32
    %gt3A_65 = vector.broadcast %gt3A_64 : f32 to vector<256xf32>
    %gt3A_66 = arith.cmpf ogt, %reduce_sum3A_26, %gt3A_65 : vector<256xf32>
    %add3A_67 = vector.broadcast %select_n3A : i32 to vector<256xi32>
    %add3A_68 = arith.addi %argmax3A_57, %add3A_67 : vector<256xi32>
    %jit3A_69 = arith.constant 8192 : i32
    %broadcast_in_dim3A_70 = vector.broadcast %jit3A_69 : i32 to vector<256xi32>
    %select_n3A_71 = arith.select %gt3A_66, %add3A_68, %broadcast_in_dim3A_70 : vector<256xi1>, vector<256xi32>
    %broadcast_in_dim3A_72 = vector.shape_cast %select_n3A_71 : vector<256xi32> to vector<256x1xi32>
    %argmax3A_73 = tpu.reduce_index %select_n3A_63 {axis = 1 : i32, kind = #tpu.reduction_kind<arg_max>} : vector<256x4096xf32> -> vector<256xi32>
    %broadcast_in_dim3A_74 = vector.shape_cast %argmax3A_73 : vector<256xi32> to vector<256x1xi32>
    %eq3A_75 = vector.broadcast %broadcast_in_dim3A_74 : vector<256x1xi32> to vector<256x4096xi32>
    %eq3A_76 = arith.cmpi eq, %iota3A, %eq3A_75 : vector<256x4096xi32>
    %jit3A_77 = arith.constant -3.000000e+00 : f32
    %broadcast_in_dim3A_78 = vector.broadcast %jit3A_77 : f32 to vector<256x4096xf32>
    %select_n3A_79 = arith.select %eq3A_76, %broadcast_in_dim3A_78, %select_n3A_63 : vector<256x4096xi1>, vector<256x4096xf32>
    %gt3A_80 = arith.constant 3.000000e+00 : f32
    %gt3A_81 = vector.broadcast %gt3A_80 : f32 to vector<256xf32>
    %gt3A_82 = arith.cmpf ogt, %reduce_sum3A_26, %gt3A_81 : vector<256xf32>
    %add3A_83 = vector.broadcast %select_n3A : i32 to vector<256xi32>
    %add3A_84 = arith.addi %argmax3A_73, %add3A_83 : vector<256xi32>
    %jit3A_85 = arith.constant 8192 : i32
    %broadcast_in_dim3A_86 = vector.broadcast %jit3A_85 : i32 to vector<256xi32>
    %select_n3A_87 = arith.select %gt3A_82, %add3A_84, %broadcast_in_dim3A_86 : vector<256xi1>, vector<256xi32>
    %broadcast_in_dim3A_88 = vector.shape_cast %select_n3A_87 : vector<256xi32> to vector<256x1xi32>
    %argmax3A_89 = tpu.reduce_index %select_n3A_79 {axis = 1 : i32, kind = #tpu.reduction_kind<arg_max>} : vector<256x4096xf32> -> vector<256xi32>
    %broadcast_in_dim3A_90 = vector.shape_cast %argmax3A_89 : vector<256xi32> to vector<256x1xi32>
    %eq3A_91 = vector.broadcast %broadcast_in_dim3A_90 : vector<256x1xi32> to vector<256x4096xi32>
    %eq3A_92 = arith.cmpi eq, %iota3A, %eq3A_91 : vector<256x4096xi32>
    %jit3A_93 = arith.constant -3.000000e+00 : f32
    %broadcast_in_dim3A_94 = vector.broadcast %jit3A_93 : f32 to vector<256x4096xf32>
    %select_n3A_95 = arith.select %eq3A_92, %broadcast_in_dim3A_94, %select_n3A_79 : vector<256x4096xi1>, vector<256x4096xf32>
    %gt3A_96 = arith.constant 4.000000e+00 : f32
    %gt3A_97 = vector.broadcast %gt3A_96 : f32 to vector<256xf32>
    %gt3A_98 = arith.cmpf ogt, %reduce_sum3A_26, %gt3A_97 : vector<256xf32>
    %add3A_99 = vector.broadcast %select_n3A : i32 to vector<256xi32>
    %add3A_100 = arith.addi %argmax3A_89, %add3A_99 : vector<256xi32>
    %jit3A_101 = arith.constant 8192 : i32
    %broadcast_in_dim3A_102 = vector.broadcast %jit3A_101 : i32 to vector<256xi32>
    %select_n3A_103 = arith.select %gt3A_98, %add3A_100, %broadcast_in_dim3A_102 : vector<256xi1>, vector<256xi32>
    %broadcast_in_dim3A_104 = vector.shape_cast %select_n3A_103 : vector<256xi32> to vector<256x1xi32>
    %argmax3A_105 = tpu.reduce_index %select_n3A_95 {axis = 1 : i32, kind = #tpu.reduction_kind<arg_max>} : vector<256x4096xf32> -> vector<256xi32>
    %broadcast_in_dim3A_106 = vector.shape_cast %argmax3A_105 : vector<256xi32> to vector<256x1xi32>
    %eq3A_107 = vector.broadcast %broadcast_in_dim3A_106 : vector<256x1xi32> to vector<256x4096xi32>
    %eq3A_108 = arith.cmpi eq, %iota3A, %eq3A_107 : vector<256x4096xi32>
    %jit3A_109 = arith.constant -3.000000e+00 : f32
    %broadcast_in_dim3A_110 = vector.broadcast %jit3A_109 : f32 to vector<256x4096xf32>
    %select_n3A_111 = arith.select %eq3A_108, %broadcast_in_dim3A_110, %select_n3A_95 : vector<256x4096xi1>, vector<256x4096xf32>
    %gt3A_112 = arith.constant 5.000000e+00 : f32
    %gt3A_113 = vector.broadcast %gt3A_112 : f32 to vector<256xf32>
    %gt3A_114 = arith.cmpf ogt, %reduce_sum3A_26, %gt3A_113 : vector<256xf32>
    %add3A_115 = vector.broadcast %select_n3A : i32 to vector<256xi32>
    %add3A_116 = arith.addi %argmax3A_105, %add3A_115 : vector<256xi32>
    %jit3A_117 = arith.constant 8192 : i32
    %broadcast_in_dim3A_118 = vector.broadcast %jit3A_117 : i32 to vector<256xi32>
    %select_n3A_119 = arith.select %gt3A_114, %add3A_116, %broadcast_in_dim3A_118 : vector<256xi1>, vector<256xi32>
    %broadcast_in_dim3A_120 = vector.shape_cast %select_n3A_119 : vector<256xi32> to vector<256x1xi32>
    %argmax3A_121 = tpu.reduce_index %select_n3A_111 {axis = 1 : i32, kind = #tpu.reduction_kind<arg_max>} : vector<256x4096xf32> -> vector<256xi32>
    %broadcast_in_dim3A_122 = vector.shape_cast %argmax3A_121 : vector<256xi32> to vector<256x1xi32>
    %eq3A_123 = vector.broadcast %broadcast_in_dim3A_122 : vector<256x1xi32> to vector<256x4096xi32>
    %eq3A_124 = arith.cmpi eq, %iota3A, %eq3A_123 : vector<256x4096xi32>
    %jit3A_125 = arith.constant -3.000000e+00 : f32
    %broadcast_in_dim3A_126 = vector.broadcast %jit3A_125 : f32 to vector<256x4096xf32>
    %select_n3A_127 = arith.select %eq3A_124, %broadcast_in_dim3A_126, %select_n3A_111 : vector<256x4096xi1>, vector<256x4096xf32>
    %gt3A_128 = arith.constant 6.000000e+00 : f32
    %gt3A_129 = vector.broadcast %gt3A_128 : f32 to vector<256xf32>
    %gt3A_130 = arith.cmpf ogt, %reduce_sum3A_26, %gt3A_129 : vector<256xf32>
    %add3A_131 = vector.broadcast %select_n3A : i32 to vector<256xi32>
    %add3A_132 = arith.addi %argmax3A_121, %add3A_131 : vector<256xi32>
    %jit3A_133 = arith.constant 8192 : i32
    %broadcast_in_dim3A_134 = vector.broadcast %jit3A_133 : i32 to vector<256xi32>
    %select_n3A_135 = arith.select %gt3A_130, %add3A_132, %broadcast_in_dim3A_134 : vector<256xi1>, vector<256xi32>
    %broadcast_in_dim3A_136 = vector.shape_cast %select_n3A_135 : vector<256xi32> to vector<256x1xi32>
    %argmax3A_137 = tpu.reduce_index %select_n3A_127 {axis = 1 : i32, kind = #tpu.reduction_kind<arg_max>} : vector<256x4096xf32> -> vector<256xi32>
    %broadcast_in_dim3A_138 = vector.shape_cast %argmax3A_137 : vector<256xi32> to vector<256x1xi32>
    %eq3A_139 = vector.broadcast %broadcast_in_dim3A_138 : vector<256x1xi32> to vector<256x4096xi32>
    %eq3A_140 = arith.cmpi eq, %iota3A, %eq3A_139 : vector<256x4096xi32>
    %jit3A_141 = arith.constant -3.000000e+00 : f32
    %broadcast_in_dim3A_142 = vector.broadcast %jit3A_141 : f32 to vector<256x4096xf32>
    %select_n3A_143 = arith.select %eq3A_140, %broadcast_in_dim3A_142, %select_n3A_127 : vector<256x4096xi1>, vector<256x4096xf32>
    %gt3A_144 = arith.constant 7.000000e+00 : f32
    %gt3A_145 = vector.broadcast %gt3A_144 : f32 to vector<256xf32>
    %gt3A_146 = arith.cmpf ogt, %reduce_sum3A_26, %gt3A_145 : vector<256xf32>
    %add3A_147 = vector.broadcast %select_n3A : i32 to vector<256xi32>
    %add3A_148 = arith.addi %argmax3A_137, %add3A_147 : vector<256xi32>
    %jit3A_149 = arith.constant 8192 : i32
    %broadcast_in_dim3A_150 = vector.broadcast %jit3A_149 : i32 to vector<256xi32>
    %select_n3A_151 = arith.select %gt3A_146, %add3A_148, %broadcast_in_dim3A_150 : vector<256xi1>, vector<256xi32>
    %broadcast_in_dim3A_152 = vector.shape_cast %select_n3A_151 : vector<256xi32> to vector<256x1xi32>
    %argmax3A_153 = tpu.reduce_index %select_n3A_143 {axis = 1 : i32, kind = #tpu.reduction_kind<arg_max>} : vector<256x4096xf32> -> vector<256xi32>
    %broadcast_in_dim3A_154 = vector.shape_cast %argmax3A_153 : vector<256xi32> to vector<256x1xi32>
    %eq3A_155 = vector.broadcast %broadcast_in_dim3A_154 : vector<256x1xi32> to vector<256x4096xi32>
    %eq3A_156 = arith.cmpi eq, %iota3A, %eq3A_155 : vector<256x4096xi32>
    %jit3A_157 = arith.constant -3.000000e+00 : f32
    %broadcast_in_dim3A_158 = vector.broadcast %jit3A_157 : f32 to vector<256x4096xf32>
    %select_n3A_159 = arith.select %eq3A_156, %broadcast_in_dim3A_158, %select_n3A_143 : vector<256x4096xi1>, vector<256x4096xf32>
    %gt3A_160 = arith.constant 8.000000e+00 : f32
    %gt3A_161 = vector.broadcast %gt3A_160 : f32 to vector<256xf32>
    %gt3A_162 = arith.cmpf ogt, %reduce_sum3A_26, %gt3A_161 : vector<256xf32>
    %add3A_163 = vector.broadcast %select_n3A : i32 to vector<256xi32>
    %add3A_164 = arith.addi %argmax3A_153, %add3A_163 : vector<256xi32>
    %jit3A_165 = arith.constant 8192 : i32
    %broadcast_in_dim3A_166 = vector.broadcast %jit3A_165 : i32 to vector<256xi32>
    %select_n3A_167 = arith.select %gt3A_162, %add3A_164, %broadcast_in_dim3A_166 : vector<256xi1>, vector<256xi32>
    %broadcast_in_dim3A_168 = vector.shape_cast %select_n3A_167 : vector<256xi32> to vector<256x1xi32>
    %argmax3A_169 = tpu.reduce_index %select_n3A_159 {axis = 1 : i32, kind = #tpu.reduction_kind<arg_max>} : vector<256x4096xf32> -> vector<256xi32>
    %gt3A_170 = arith.constant 9.000000e+00 : f32
    %gt3A_171 = vector.broadcast %gt3A_170 : f32 to vector<256xf32>
    %gt3A_172 = arith.cmpf ogt, %reduce_sum3A_26, %gt3A_171 : vector<256xf32>
    %add3A_173 = vector.broadcast %select_n3A : i32 to vector<256xi32>
    %add3A_174 = arith.addi %argmax3A_169, %add3A_173 : vector<256xi32>
    %jit3A_175 = arith.constant 8192 : i32
    %broadcast_in_dim3A_176 = vector.broadcast %jit3A_175 : i32 to vector<256xi32>
    %select_n3A_177 = arith.select %gt3A_172, %add3A_174, %broadcast_in_dim3A_176 : vector<256xi1>, vector<256xi32>
    %broadcast_in_dim3A_178 = vector.shape_cast %select_n3A_177 : vector<256xi32> to vector<256x1xi32>
    %concatenate3A = tpu.concatenate %broadcast_in_dim3A_40, %broadcast_in_dim3A_56, %broadcast_in_dim3A_72, %broadcast_in_dim3A_88, %broadcast_in_dim3A_104, %broadcast_in_dim3A_120, %broadcast_in_dim3A_136, %broadcast_in_dim3A_152, %broadcast_in_dim3A_168, %broadcast_in_dim3A_178 in 1 : vector<256x1xi32>, vector<256x1xi32>, vector<256x1xi32>, vector<256x1xi32>, vector<256x1xi32>, vector<256x1xi32>, vector<256x1xi32>, vector<256x1xi32>, vector<256x1xi32>, vector<256x1xi32> -> vector<256x10xi32>
    %transpose3A = tpu.transpose %concatenate3A, [1, 0] : vector<256x10xi32> -> vector<10x256xi32>
    %swap3A = arith.constant 0 : index
    %swap3A_179 = arith.constant 0 : index
    %swap3A_180 = vector.load %arg3[%swap3A, %swap3A_179] : memref<10x256xi32, #tpu.memory_space<vmem>>, vector<10x256xi32>
    tpu.vector_store %arg3[%swap3A, %swap3A_179], %transpose3A {strides = array<i32>} : memref<10x256xi32, #tpu.memory_space<vmem>>, vector<10x256xi32>,
    return
  }
  func.func @transform_0(%arg0: i32) -> (i32, i32) {
    %c0_i32 = arith.constant 0 : i32
    %c0_i32_0 = arith.constant 0 : i32
    return %arg0, %c0_i32 : i32, i32
  }
  func.func @transform_1(%arg0: i32) -> (i32, i32) {
    %jit3A = arith.constant 16 : i32
    %div3A = arith.divsi %arg0, %jit3A : i32
    %sign3A = arith.constant 0 : i32
    %sign3A_0 = arith.cmpi sgt, %arg0, %sign3A : i32
    %sign3A_1 = arith.extui %sign3A_0 : i1 to i32
    %sign3A_2 = arith.constant 0 : i32
    %sign3A_3 = arith.cmpi slt, %arg0, %sign3A_2 : i32
    %sign3A_4 = arith.extui %sign3A_3 : i1 to i32
    %sign3A_5 = arith.subi %sign3A_1, %sign3A_4 : i32
    %sign3A_6 = arith.constant 0 : i32
    %sign3A_7 = arith.cmpi sgt, %jit3A, %sign3A_6 : i32
    %sign3A_8 = arith.extui %sign3A_7 : i1 to i32
    %sign3A_9 = arith.constant 0 : i32
    %sign3A_10 = arith.cmpi slt, %jit3A, %sign3A_9 : i32
    %sign3A_11 = arith.extui %sign3A_10 : i1 to i32
    %sign3A_12 = arith.subi %sign3A_8, %sign3A_11 : i32
    %ne3A = arith.cmpi ne, %sign3A_5, %sign3A_12 : i32
    %rem3A = arith.remsi %arg0, %jit3A : i32
    %ne3A_13 = arith.constant 0 : i32
    %ne3A_14 = arith.cmpi ne, %rem3A, %ne3A_13 : i32
    %and3A = arith.andi %ne3A, %ne3A_14 : i1
    %sub3A = arith.constant 1 : i32
    %sub3A_15 = arith.subi %div3A, %sub3A : i32
    %select_n3A = arith.select %and3A, %sub3A_15, %div3A : i32
    %sub3A_16 = arith.constant 1 : i32
    %sub3A_17 = arith.subi %sub3A_16, %select_n3A : i32
    %c0_i32 = arith.constant 0 : i32
    %c0_i32_18 = arith.constant 0 : i32
    return %sub3A_17, %c0_i32 : i32, i32
  }
  func.func @transform_2(%arg0: i32) -> (i32, i32) {
    %c0_i32 = arith.constant 0 : i32
    %c0_i32_0 = arith.constant 0 : i32
    return %c0_i32, %arg0 : i32, i32
  }
}

module attributes {stable_mosaic.version = 14 : i64} {
  func.func @_xw_body(%arg0: i32, %arg1: memref<1024x128xf32, #tpu.memory_space<vmem>>, %arg2: memref<128x128xf32, #tpu.memory_space<vmem>>, %arg3: memref<1024x128xf32, #tpu.memory_space<vmem>>) attributes {dimension_semantics = [#tpu.dimension_semantics<arbitrary>], iteration_bounds = array<i64: 8>, scalar_prefetch = 0 : i64, scratch_operands = 0 : i64, tpu.core_type = #tpu.core_type<tc>, window_params = [{transform_indices = @transform_0, window_bounds = array<i64: 1024, 128>}, {pipeline_mode = #tpu.pipeline_mode<synchronous>, transform_indices = @transform_1, window_bounds = array<i64: 128, 128>}, {transform_indices = @transform_2, window_bounds = array<i64: 1024, 128>}]} {
    %get3A = arith.constant 0 : index
    %get3A_0 = arith.constant 0 : index
    %get3A_1 = vector.load %arg1[%get3A, %get3A_0] : memref<1024x128xf32, #tpu.memory_space<vmem>>, vector<1024x128xf32>
    %get3A_2 = arith.constant 0 : index
    %get3A_3 = arith.constant 0 : index
    %get3A_4 = vector.load %arg2[%get3A_2, %get3A_3] : memref<128x128xf32, #tpu.memory_space<vmem>>, vector<128x128xf32>
    %dot_general3A = arith.constant dense<0.000000e+00> : vector<1024x128xf32>
    %dot_general3A_5 = tpu.matmul %get3A_1, %get3A_4, %dot_general3A {dimension_numbers = #tpu.dot_dimension_numbers<[1], [0], [0], [1], [0, 0, 1, 1], [], []>, transpose_lhs_hint = false} : vector<1024x128xf32>, vector<128x128xf32>, vector<1024x128xf32> -> vector<1024x128xf32>
    %swap3A = arith.constant 0 : index
    %swap3A_6 = arith.constant 0 : index
    %swap3A_7 = vector.load %arg3[%swap3A, %swap3A_6] : memref<1024x128xf32, #tpu.memory_space<vmem>>, vector<1024x128xf32>
    tpu.vector_store %arg3[%swap3A, %swap3A_6], %dot_general3A_5 {strides = array<i32>} : memref<1024x128xf32, #tpu.memory_space<vmem>>, vector<1024x128xf32>,
    return
  }
  func.func @transform_0(%arg0: i32) -> (i32, i32) {
    %c0_i32 = arith.constant 0 : i32
    %c0_i32_0 = arith.constant 0 : i32
    return %arg0, %c0_i32 : i32, i32
  }
  func.func @transform_1(%arg0: i32) -> (i32, i32) {
    %c0_i32 = arith.constant 0 : i32
    %c0_i32_0 = arith.constant 0 : i32
    %c0_i32_1 = arith.constant 0 : i32
    return %c0_i32, %c0_i32_0 : i32, i32
  }
  func.func @transform_2(%arg0: i32) -> (i32, i32) {
    %c0_i32 = arith.constant 0 : i32
    %c0_i32_0 = arith.constant 0 : i32
    return %arg0, %c0_i32 : i32, i32
  }
}

module attributes {stable_mosaic.version = 14 : i64} {
  func.func @_out_body(%arg0: i32, %arg1: memref<2x1024x128xf32, #tpu.memory_space<vmem>>, %arg2: memref<2x1024x128xf32, #tpu.memory_space<vmem>>, %arg3: memref<1024x128xf32, #tpu.memory_space<vmem>>, %arg4: memref<1x128xf32, #tpu.memory_space<vmem>>, %arg5: memref<1024x128xf32, #tpu.memory_space<vmem>>) attributes {dimension_semantics = [#tpu.dimension_semantics<arbitrary>], iteration_bounds = array<i64: 8>, scalar_prefetch = 0 : i64, scratch_operands = 0 : i64, tpu.core_type = #tpu.core_type<tc>, window_params = [{transform_indices = @transform_0, window_bounds = array<i64: 2, 1024, 128>}, {transform_indices = @transform_1, window_bounds = array<i64: 2, 1024, 128>}, {transform_indices = @transform_2, window_bounds = array<i64: 1024, 128>}, {pipeline_mode = #tpu.pipeline_mode<synchronous>, transform_indices = @transform_3, window_bounds = array<i64: 1, 128>}, {transform_indices = @transform_4, window_bounds = array<i64: 1024, 128>}]} {
    %get3A = arith.constant 0 : index
    %get3A_0 = arith.constant 0 : index
    %get3A_1 = arith.constant 0 : index
    %get3A_2 = vector.load %arg2[%get3A, %get3A_0, %get3A_1] : memref<2x1024x128xf32, #tpu.memory_space<vmem>>, vector<1x1024x1xf32>
    %get3A_3 = vector.shape_cast %get3A_2 : vector<1x1024x1xf32> to vector<1024xf32>
    %get3A_4 = arith.constant 1 : index
    %get3A_5 = arith.constant 0 : index
    %get3A_6 = arith.constant 0 : index
    %get3A_7 = vector.load %arg2[%get3A_4, %get3A_5, %get3A_6] : memref<2x1024x128xf32, #tpu.memory_space<vmem>>, vector<1x1024x1xf32>
    %get3A_8 = vector.shape_cast %get3A_7 : vector<1x1024x1xf32> to vector<1024xf32>
    %add3A = arith.addf %get3A_3, %get3A_8 : vector<1024xf32>
    %add3A_9 = arith.constant 1.000000e+00 : f32
    %add3A_10 = vector.broadcast %add3A_9 : f32 to vector<1024xf32>
    %add3A_11 = arith.addf %add3A, %add3A_10 : vector<1024xf32>
    %sqrt3A = math.sqrt %add3A_11 : vector<1024xf32>
    %div3A = arith.constant 1.000000e+00 : f32
    %div3A_12 = vector.broadcast %div3A : f32 to vector<1024xf32>
    %div3A_13 = arith.divf %div3A_12, %sqrt3A : vector<1024xf32>
    %broadcast_in_dim3A = vector.shape_cast %div3A_13 : vector<1024xf32> to vector<1024x1xf32>
    %get3A_14 = arith.constant 0 : index
    %get3A_15 = arith.constant 0 : index
    %get3A_16 = arith.constant 0 : index
    %get3A_17 = vector.load %arg1[%get3A_14, %get3A_15, %get3A_16] : memref<2x1024x128xf32, #tpu.memory_space<vmem>>, vector<1x1024x128xf32>
    %get3A_18 = vector.shape_cast %get3A_17 : vector<1x1024x128xf32> to vector<1024x128xf32>
    %get3A_19 = arith.constant 1 : index
    %get3A_20 = arith.constant 0 : index
    %get3A_21 = arith.constant 0 : index
    %get3A_22 = vector.load %arg1[%get3A_19, %get3A_20, %get3A_21] : memref<2x1024x128xf32, #tpu.memory_space<vmem>>, vector<1x1024x128xf32>
    %get3A_23 = vector.shape_cast %get3A_22 : vector<1x1024x128xf32> to vector<1024x128xf32>
    %add3A_24 = arith.addf %get3A_18, %get3A_23 : vector<1024x128xf32>
    %get3A_25 = arith.constant 0 : index
    %get3A_26 = arith.constant 0 : index
    %get3A_27 = vector.load %arg3[%get3A_25, %get3A_26] : memref<1024x128xf32, #tpu.memory_space<vmem>>, vector<1024x128xf32>
    %add3A_28 = arith.addf %add3A_24, %get3A_27 : vector<1024x128xf32>
    %mul3A = vector.broadcast %broadcast_in_dim3A : vector<1024x1xf32> to vector<1024x128xf32>
    %mul3A_29 = arith.mulf %mul3A, %add3A_28 : vector<1024x128xf32>
    %get3A_30 = arith.constant 0 : index
    %get3A_31 = arith.constant 0 : index
    %get3A_32 = vector.load %arg4[%get3A_30, %get3A_31] : memref<1x128xf32, #tpu.memory_space<vmem>>, vector<1x128xf32>
    %add3A_33 = vector.broadcast %get3A_32 : vector<1x128xf32> to vector<1024x128xf32>
    %add3A_34 = arith.addf %mul3A_29, %add3A_33 : vector<1024x128xf32>
    %swap3A = arith.constant 0 : index
    %swap3A_35 = arith.constant 0 : index
    %swap3A_36 = vector.load %arg5[%swap3A, %swap3A_35] : memref<1024x128xf32, #tpu.memory_space<vmem>>, vector<1024x128xf32>
    tpu.vector_store %arg5[%swap3A, %swap3A_35], %add3A_34 {strides = array<i32>} : memref<1024x128xf32, #tpu.memory_space<vmem>>, vector<1024x128xf32>,
    return
  }
  func.func @transform_0(%arg0: i32) -> (i32, i32, i32) {
    %c0_i32 = arith.constant 0 : i32
    %c0_i32_0 = arith.constant 0 : i32
    %c0_i32_1 = arith.constant 0 : i32
    return %c0_i32, %arg0, %c0_i32_0 : i32, i32, i32
  }
  func.func @transform_1(%arg0: i32) -> (i32, i32, i32) {
    %c0_i32 = arith.constant 0 : i32
    %c0_i32_0 = arith.constant 0 : i32
    %c0_i32_1 = arith.constant 0 : i32
    return %c0_i32, %arg0, %c0_i32_0 : i32, i32, i32
  }
  func.func @transform_2(%arg0: i32) -> (i32, i32) {
    %c0_i32 = arith.constant 0 : i32
    %c0_i32_0 = arith.constant 0 : i32
    return %arg0, %c0_i32 : i32, i32
  }
  func.func @transform_3(%arg0: i32) -> (i32, i32) {
    %c0_i32 = arith.constant 0 : i32
    %c0_i32_0 = arith.constant 0 : i32
    %c0_i32_1 = arith.constant 0 : i32
    return %c0_i32, %c0_i32_0 : i32, i32
  }
  func.func @transform_4(%arg0: i32) -> (i32, i32) {
    %c0_i32 = arith.constant 0 : i32
    %c0_i32_0 = arith.constant 0 : i32
    return %arg0, %c0_i32 : i32, i32
  }
}

module attributes {stable_mosaic.version = 14 : i64} {
  func.func @_y_body(%arg0: i32, %arg1: memref<1024x128xf32, #tpu.memory_space<vmem>>, %arg2: memref<2x1024x128xf32, #tpu.memory_space<vmem>>, %arg3: memref<1024x128xf32, #tpu.memory_space<vmem>>) attributes {dimension_semantics = [#tpu.dimension_semantics<arbitrary>], iteration_bounds = array<i64: 8>, scalar_prefetch = 0 : i64, scratch_operands = 0 : i64, tpu.core_type = #tpu.core_type<tc>, window_params = [{transform_indices = @transform_0, window_bounds = array<i64: 1024, 128>}, {transform_indices = @transform_1, window_bounds = array<i64: 2, 1024, 128>}, {transform_indices = @transform_2, window_bounds = array<i64: 1024, 128>}]} {
    %get3A = arith.constant 0 : index
    %get3A_0 = arith.constant 0 : index
    %get3A_1 = arith.constant 0 : index
    %get3A_2 = vector.load %arg2[%get3A, %get3A_0, %get3A_1] : memref<2x1024x128xf32, #tpu.memory_space<vmem>>, vector<1x1024x1xf32>
    %get3A_3 = vector.shape_cast %get3A_2 : vector<1x1024x1xf32> to vector<1024xf32>
    %get3A_4 = arith.constant 1 : index
    %get3A_5 = arith.constant 0 : index
    %get3A_6 = arith.constant 0 : index
    %get3A_7 = vector.load %arg2[%get3A_4, %get3A_5, %get3A_6] : memref<2x1024x128xf32, #tpu.memory_space<vmem>>, vector<1x1024x1xf32>
    %get3A_8 = vector.shape_cast %get3A_7 : vector<1x1024x1xf32> to vector<1024xf32>
    %add3A = arith.addf %get3A_3, %get3A_8 : vector<1024xf32>
    %add3A_9 = arith.constant 1.000000e+00 : f32
    %add3A_10 = vector.broadcast %add3A_9 : f32 to vector<1024xf32>
    %add3A_11 = arith.addf %add3A, %add3A_10 : vector<1024xf32>
    %sqrt3A = math.sqrt %add3A_11 : vector<1024xf32>
    %div3A = arith.constant 1.000000e+00 : f32
    %div3A_12 = vector.broadcast %div3A : f32 to vector<1024xf32>
    %div3A_13 = arith.divf %div3A_12, %sqrt3A : vector<1024xf32>
    %broadcast_in_dim3A = vector.shape_cast %div3A_13 : vector<1024xf32> to vector<1024x1xf32>
    %get3A_14 = arith.constant 0 : index
    %get3A_15 = arith.constant 0 : index
    %get3A_16 = vector.load %arg1[%get3A_14, %get3A_15] : memref<1024x128xf32, #tpu.memory_space<vmem>>, vector<1024x128xf32>
    %mul3A = vector.broadcast %broadcast_in_dim3A : vector<1024x1xf32> to vector<1024x128xf32>
    %mul3A_17 = arith.mulf %mul3A, %get3A_16 : vector<1024x128xf32>
    %swap3A = arith.constant 0 : index
    %swap3A_18 = arith.constant 0 : index
    %swap3A_19 = vector.load %arg3[%swap3A, %swap3A_18] : memref<1024x128xf32, #tpu.memory_space<vmem>>, vector<1024x128xf32>
    tpu.vector_store %arg3[%swap3A, %swap3A_18], %mul3A_17 {strides = array<i32>} : memref<1024x128xf32, #tpu.memory_space<vmem>>, vector<1024x128xf32>,
    return
  }
  func.func @transform_0(%arg0: i32) -> (i32, i32) {
    %c0_i32 = arith.constant 0 : i32
    %c0_i32_0 = arith.constant 0 : i32
    return %arg0, %c0_i32 : i32, i32
  }
  func.func @transform_1(%arg0: i32) -> (i32, i32, i32) {
    %c0_i32 = arith.constant 0 : i32
    %c0_i32_0 = arith.constant 0 : i32
    %c0_i32_1 = arith.constant 0 : i32
    return %c0_i32, %arg0, %c0_i32_0 : i32, i32, i32
  }
  func.func @transform_2(%arg0: i32) -> (i32, i32) {
    %c0_i32 = arith.constant 0 : i32
    %c0_i32_0 = arith.constant 0 : i32
    return %arg0, %c0_i32 : i32, i32
  }
}

</mosaic_0001>

<sc_bundles>
// kernel: kernel.11.cloned.1.call-start
scs
__scs_entry_jumppad:
0x0: {  	(pc) =	sbr.rel $0x88, $3  }
0x1: {  	(tag) =	ssettag $0x0;
	lr =	simm.s32 $0x1  }
0x2: {  	[smem:$0x3F9D] =	sst lr;
	_ =	strace $0xD0000000  }
0x3: {  	_ = 	snop  }
0x4: {  	_ = 	snop  }
0x5: {  	_ = 	snop  }
0x6: {  	_ = 	snop  }
0x7: {  	_ = 	snop  }
__scs_overlays_trampoline_lowered:
0x8: {  	[smem:$0x3FAC] =	sst s0  }
0x9: {  	[smem:$0x3FAD] =	sst s1  }
0xa: {  	[smem:$0x3FAE] =	sst s2  }
0xb: {  	[smem:$0x3FAF] =	sst s3  }
0xc: {  	[smem:$0x3FB0] =	sst s4  }
0xd: {  	[smem:$0x3FB1] =	sst s5  }
0xe: {  	[smem:$0x3FB2] =	sst s6  }
0xf: {  	[smem:$0x3FB3] =	sst s7  }
0x10: {  	[smem:$0x3FB4] =	sst s8  }
0x11: {  	[smem:$0x3FB5] =	sst s9;
	s0 =	simm.s32 @!p0 $0x0  }
0x12: {  	s1 =	sld [smem:$0x3F9B];
	s0 =	simm.s32 @p0 $0x1  }
0x13: {  	[smem:$0x3FB6] =	sst s0;
	s0 =	simm.s32 @!p1 $0x0  }
0x14: {  	s2 =	sld [smem:$0x3F9A];
	s0 =	simm.s32 @p1 $0x1  }
0x15: {  	[smem:$0x3FB7] =	sst s0;
	s0 =	simm.s32 @!p2 $0x0  }
0x16: {  	s3 =	sld [smem:$0x3FDB];
	s0 =	simm.s32 @p2 $0x1  }
0x17: {  	s4 =	simm.s32 $0x1BF5;
	[smem:$0x3FB9] =	sst s0  }
0x18: {  	s0 =	sld [smem:$0x3F9C];
	_ =	swait.ge [sflag:s4], $0x0  }
0x19: {  	s7 =	sld [smem:$0x3F9D]  }
0x1a: {  	s8 =	sadd.s32 $0xFFFFE003, lr  }
0x1b: {  	s9 =	sadd.s32 $0xFFFFFEF7, lr;
	s5 =	simm.s32 $0xFFFFFFFF;
	p2 =	slt.u32 s8, $0xFFFFF086  }
0x1c: {  	p1 =	slt.u32 s9, $0xF7A;
	s5 =	simm.s32 @!p2 $0x0  }
0x1d: {  	s5 =	simm.s32 @p1 $0x1;
	p0 =	seq.s32 s7, s2  }
0x1e: {  	s7 =	smul.u32 @!p0 $0xF7A, s2;
	p2 =	seq.s32 @!p0 s5, $0x0  }
0x1f: {  	s9 =	smul.u32 $0xF7A, s1;
	s8 =	simm.s32 @!p0 $0x1BF5;
	p2 =	por !p2, p0  }
0x20: {  	[sflag:s8] =	ssyncset.s32 @!p0 $0xFFFFF086;
	s6 =	sadd.s32 @!p0 s3, s7;
	s7 =	simm.s32 @!p0 $0x108  }
0x21: {  	s3 =	sadd.s32 s3, s9;
	s6 =	sadd.s32 @!p0 $0x88, s6;
	s7 =	simm.s32 @p2 $0x1082  }
0x22: {  	[simem:s7], [sflag:s8] =	dma.local @!p0 [hbm:s6], $0xF7A  }
0x23: {  	s9 =	sor.u32 $0xD0000000, s2;
	s6 =	simm.s32 $0x108;
	_ =	swait.ge @!p0 [sflag:s8], $0x0  }
0x24: {  	s3 =	sadd.s32 $0x88, s3;
	s6 =	simm.s32 @!p1 $0x1082;
	[sflag:s4] =	ssyncset.s32 $0xFFFFF086  }
0x25: {  	[simem:s6], [sflag:s4] =	dma.local [hbm:s3], $0xF7A  }
0x26: {  	[smem:$0x3F9D] =	sst s1;
	(tag) =	ssettag s2;
	_ =	strace s9  }
0x27: {  	s1 =	sld [smem:$0x3FAD]  }
0x28: {  	s2 =	sld [smem:$0x3FAE]  }
0x29: {  	s4 =	sld [smem:$0x3FB0]  }
0x2a: {  	p0 =	seq.s32 s5, $0x0;
	s5 =	sld [smem:$0x3FB1]  }
0x2b: {  	s6 =	sld [smem:$0x3FB2]  }
0x2c: {  	s7 =	sld [smem:$0x3FB3]  }
0x2d: {  	s3 =	simm.s32 $0x108;
	s8 =	sld [smem:$0x3FB4]  }
0x2e: {  	s3 =	simm.s32 @!p0 $0x1082;
	s9 =	sld [smem:$0x3FB5]  }
0x2f: {  	lr =	sadd.s32 s0, s3;
	s0 =	sld [smem:$0x3FAC]  }
0x30: {  	s3 =	sld [smem:$0x3FAF]  }
0x31: {  	[smem:$0x3FB8] =	sst s10  }
0x32: {  	s10 =	sld [smem:$0x3FB6];
	_ =	sdelay $0x3  }
0x33: {  	p0 =	seq.s32 s10, $0x1;
	s10 =	sld [smem:$0x3FB8];
	_ =	sdelay $0x3  }
0x34: {  	[smem:$0x3FB8] =	sst s10  }
0x35: {  	s10 =	sld [smem:$0x3FB7];
	_ =	sdelay $0x3  }
0x36: {  	p1 =	seq.s32 s10, $0x1;
	s10 =	sld [smem:$0x3FB8];
	_ =	sdelay $0x3  }
0x37: {  	[smem:$0x3FB8] =	sst s10  }
0x38: {  	s10 =	sld [smem:$0x3FB9]  }
0x39: {  	_ = 	snop;
	(pc) =	sbr.ind lr, $3  }
0x3a: {  	_ = 	snop  }
0x3b: {  	_ = 	snop  }
0x3c: {  	p2 =	seq.s32 s10, $0x1;
	s10 =	sld [smem:$0x3FB8]  }
0x3d: {  	_ =	shalt  }
0x3e: {  	_ =	shalt  }
0x3f: {  	_ =	shalt  }
0x40: {  	_ =	shalt  }
0x41: {  	_ =	shalt  }
0x42: {  	_ =	shalt  }
0x43: {  	_ =	shalt  }
0x44: {  	_ =	shalt  }
0x45: {  	_ =	shalt  }
0x46: {  	_ =	shalt  }
0x47: {  	_ =	shalt  }
0x48: {  	_ =	shalt  }
0x49: {  	_ =	shalt  }
0x4a: {  	_ =	shalt  }
0x4b: {  	_ =	shalt  }
0x4c: {  	_ =	shalt  }
0x4d: {  	_ =	shalt  }
0x4e: {  	_ =	shalt  }
0x4f: {  	_ =	shalt  }
0x50: {  	_ =	shalt  }
0x51: {  	_ =	shalt  }
0x52: {  	_ =	shalt  }
0x53: {  	_ =	shalt  }
0x54: {  	_ =	shalt  }
0x55: {  	_ =	shalt  }
0x56: {  	_ =	shalt  }
0x57: {  	_ =	shalt  }
0x58: {  	_ =	shalt  }
0x59: {  	_ =	shalt  }
0x5a: {  	_ =	shalt  }
0x5b: {  	_ =	shalt  }
0x5c: {  	_ =	shalt  }
0x5d: {  	_ =	shalt  }
0x5e: {  	_ =	shalt  }
0x5f: {  	_ =	shalt  }
0x60: {  	_ =	shalt  }
0x61: {  	_ =	shalt  }
0x62: {  	_ =	shalt  }
0x63: {  	_ =	shalt  }
0x64: {  	_ =	shalt  }
0x65: {  	_ =	shalt  }
0x66: {  	_ =	shalt  }
0x67: {  	_ =	shalt  }
0x68: {  	_ =	shalt  }
0x69: {  	_ =	shalt  }
0x6a: {  	_ =	shalt  }
0x6b: {  	_ =	shalt  }
0x6c: {  	_ =	shalt  }
0x6d: {  	_ =	shalt  }
0x6e: {  	_ =	shalt  }
0x6f: {  	_ =	shalt  }
0x70: {  	_ =	shalt  }
0x71: {  	_ =	shalt  }
0x72: {  	_ =	shalt  }
0x73: {  	_ =	shalt  }
0x74: {  	_ =	shalt  }
0x75: {  	_ =	shalt  }
0x76: {  	_ =	shalt  }
0x77: {  	_ =	shalt  }
0x78: {  	_ =	shalt  }
0x79: {  	_ =	shalt  }
0x7a: {  	_ =	shalt  }
0x7b: {  	_ =	shalt  }
0x7c: {  	_ =	shalt  }
0x7d: {  	_ =	shalt  }
0x7e: {  	_ =	shalt  }
0x7f: {  	_ =	shalt  }
0x80: {  	_ =	shalt  }
0x81: {  	_ =	shalt  }
0x82: {  	_ =	shalt  }
0x83: {  	_ =	shalt  }
0x84: {  	_ =	shalt  }
0x85: {  	_ =	shalt  }
0x86: {  	_ =	shalt  }
0x87: {  	_ =	shalt  }
.Lfunc_end0:
.L_simem_size_0:
called_computation.1_lowered:
.L_overlay_start_0:
0x88: {  	s2 =	sld [smem:$0x3FD9]  }
0x89: {  	s3 =	sld [smem:$0x3FFE];
	_ =	sdelay $0x1  }
0x8a: {  	s1 =	srdreg.scid  }
0x8b: {  	s0 =	sand.u32 $0x1, s1  }
0x8c: {  	s17 =	sshll.u32 s0, $0xA;
	s2 =	sadd.s32 s3, s2  }
0x8d: {  	s2 =	sadd.s32 s2, s17  }
0x8e: {  	[smem:$0x3FC4] =	sst s2  }
0x8f: {  	_ = 	snop  }
0x90: {  	s2 =	sld [smem:$0x3FD0];
	(tm) =	ssettm $0x1  }
0x91: {  	s18 =	sld [smem:$0x3FFB];
	_ =	sdelay $0x3  }
0x92: {  	_ =	strace s18  }
0x93: {  	s3 =	sld [smem:$0x3FFC];
	_ =	sdelay $0x3  }
0x94: {  	_ =	strace s3  }
0x95: {  	s3 =	sld [smem:$0x3FFD];
	_ =	sdelay $0x3  }
0x96: {  	_ =	strace s3  }
0x97: {  	_ =	strace $0x8FFFFFFF  }
0x98: {  	s19 =	sld [smem:$0x3FDB];
	_ =	sdelay $0x1  }
0x99: {  	s4 =	simm.s32 $_scs_section_size  }
0x9a: {  	s5 =	simm.s32 $_size__tile_overlayer_lowered;
	s6 =	simm.s32 $_tile_overlayer_lowered  }
0x9b: {  	s22 =	simm.s32 $0x1BFF;
	s21 =	sshll.u32 s6, $0x1;
	s3 =	sadd.s32 s4, s19  }
0x9c: {  	s7 =	simm.s32 $0x0;
	s20 =	sshll.u32 s5, $0x1;
	s5 =	sadd.s32 s21, s3  }
0x9d: {  	[timem:s7], [sflag:s22] =	dma.local [hbm:s5], s20  }
0x9e: {  	_ =	swait.ge [sflag:s22], s20  }
0x9f: {  	s4 =	ssub.s32 $0x0, s20;
	[sflag:s22] =	ssyncset.done $0x0  }
0xa0: {  	[sflag:s22] =	ssyncadd.s32 s4;
	_ =	sdelay $0x1  }
0xa1: {  	s23 =	simm.s32 $0x1B8B  }
0xa2: {  	_ =	swait.ge [sflag:s23], $0x1  }
0xa3: {  	[sflag:s23] =	ssyncset.done $0x0  }
0xa4: {  	s25 =	simm.s32 $0x1B8E;
	s24 =	sld [smem:$0x3FFE];
	[sflag:s23] =	ssyncadd.s32 $0xFFFFFFFF  }
0xa5: {  	s26 =	simm.s32 $execute0_lowered;
	[smem:$0x3FD2] =	sst s25  }
0xa6: {  	s5 =	sshll.u32 s26, $0x1;
	_ =	strace $0x80000049;
	[dreg:$0x1] =	wrdreg $0xFFFFFFFF  }
0xa7: {  	s28 =	simm.s32 $_size_execute0_lowered;
	s3 =	sadd.s32 s3, s5;
	[dreg:$0x0] =	wrdreg $0x0  }
0xa8: {  	s5 =	sshll.u32 s28, $0x1;
	[dreg:$0x2] =	wrdreg s3  }
0xa9: {  	[dreg:$0x3] =	wrdreg s5  }
0xaa: {  	[dreg:$0x4] =	wrdreg $0xC0  }
0xab: {  	_ =	task [dreg:s7], $0x5FFFF  }
0xac: {  	[dreg:$0x1] =	wrdreg $0xFFFFFFFF  }
0xad: {  	[dreg:$0x0] =	wrdreg $0x60  }
0xae: {  	[dreg:$0x2] =	wrdreg s2  }
0xaf: {  	[dreg:$0x3] =	wrdreg s24  }
0xb0: {  	[dreg:$0x4] =	wrdreg $0x81000  }
0xb1: {  	[dreg:$0x5] =	wrdreg $0x9  }
0xb2: {  	_ =	task.clear_ibuf [dreg:s7], $0x6FFFF;
	_ =	strace $0x90000049  }
0xb3: {  	s29 =	simm.s32 $0x9;
	_ =	strace $0x8000004B  }
0xb4: {  	_ =	swait.ge [sflag:s29], $0x1  }
0xb5: {  	[sflag:s29] =	ssyncadd.s32 $0xFFFFFFFF  }
0xb6: {  	_ =	strace $0x9000004B  }
0xb7: {  	_ =	sfence  }
0xb8: {  	s30 =	sld [smem:$0x0];
	_ =	sdelay $0x2  }
0xb9: {  	s31 =	sshll.u32 s1, $0xD;
	s1 =	sshrl.u32 s1, $0x2  }
0xba: {  	s3 =	sand.u32 $0x4000, s31;
	s1 =	sadd.s32 s1, s30  }
0xbb: {  	s0 =	sor.u32 s3, s0;
	s1 =	sshll.u32 s1, $0x11  }
0xbc: {  	s0 =	sor.u32 s1, s0  }
0xbd: {  	s0 =	sadd.s32 $0x8F2B, s0  }
0xbe: {  	[sflag:s0] =	ssyncadd.remote.s32 $0x1  }
0xbf: {  	_ =	sfence.sel $0xFFFF  }
0xc0: {  	[dreg:$0x0] =	wrdreg $0xFFFFFFFF;
	(pc) =	sbr.abs _section_cstart, $3  }
0xc1: {  	[dreg:$0x1] =	wrdreg $0xFFFFFFFF  }
0xc2: {  	_ =	task.clear_ibuf [dreg:s7], $0x2FFFF;
	_ =	strace $0x9FFFFFFF  }
0xc3: {  	(tm) =	ssettm $0x7FFFFFFF  }
tec
execute0_lowered:
.L_overlay_start_1:
0x0: {  	(tag) =	ssettag $0x1  }
0x1: {  	s3 =	rddreg [dreg:$0x0]  }
0x2: {  	s0 =	rddreg [dreg:$0x1]  }
0x3: {  	s1 =	rddreg [dreg:$0x2];
	s2 =	srdreg.scid  }
0x4: {  	s4 =	stileid.u32;
	s30 =	sand.u32 $0x1, s2;
	s2 =	simm.s32 $0x0  }
0x5: {  	s6 =	sshll.u32 s4, $0x8;
	s24 =	sadd.s32 $0x5800, s0;
	s5 =	sshll.u32 s30, $0xC  }
0x6: {  	p0 =	sne.s32 s4, $0x0;
	[smem:$0x7FF] =	sst s2;
	s5 =	sor.u32 s6, s5  }
0x7: {  	_ =	strace $0x8000004A;
	[dreg:$0x4] =	wrdreg s24;
	s7 =	sshll.u32 s5, $0x4  }
0x8: {  	s29 =	sadd.s32 s5, s0;
	s6 =	rddreg [dreg:$0x4];
	s3 =	sadd.s32 s3, s7  }
0x9: {  	s4 =	sshrl.u32 @!p0 s1, $0x3;
	s25 =	sadd.s32 $0x1800, s29;
	[dreg:$0x5] =	wrdreg s3  }
0xa: {  	s5 =	simm.s32 @!p0 $0x1C01;
	[dreg:$0x6] =	wrdreg s25;
	s3 =	simm.s32 @!p0 $0x1  }
0xb: {  	[spmem:s4], [sflag:s5] =	dma.local @!p0 [hbm:s6], $0x20100  }
0xc: {  	_ =	swait.ge @!p0 [sflag:s3], $0x20100  }
0xd: {  	s7 =	simm.s32 $0x1;
	[sflag:s3] =	ssyncset.done @!p0 $0x0  }
0xe: {  	s6 =	simm.s32 $0x100;
	s8 =	rddreg [dreg:$0x5];
	[sflag:s3] =	ssyncadd.s32 @!p0 $0xFFFDFF00  }
0xf: {  	[tilespmem:s6], [sflag:$0x1] =	stream.linear.gather [hbm4b:s8+s2], $0x8000, $0x38;
	[tilespmem:$0x18180] =	vst v63  }
0x10: {  	_ =	swait.ge [sflag:s7], $0x8000  }
0x11: {  	[sflag:s7] =	ssyncset.done $0x0  }
0x12: {  	[sflag:s7] =	ssyncadd.s32 $0xFFFF8000  }
0x13: {  	[bflag:$0x0] =	sbarrier.arrive $0xFFFF  }
0x14: {  	s26 =	rddreg [dreg:$0x6]  }
0x15: {  	[tilespmem:s2], [sflag:$0x1] =	stream.linear.gather [hbm4b:s26+s2], $0x80, $0x38;
	[tilespmem:$0x18180] =	vst v63  }
0x16: {  	_ =	swait.ge [sflag:s7], $0x80  }
0x17: {  	[sflag:s7] =	ssyncset.done $0x0  }
0x18: {  	s9 =	simm.s32 $0x80;
	s8 =	sadd.s32 $0x1880, s29;
	[sflag:s7] =	ssyncadd.s32 $0xFFFFFF80  }
0x19: {  	[tilespmem:s9], [sflag:$0x1] =	stream.linear.gather [hbm4b:s8+s2], $0x80, $0x38;
	[tilespmem:$0x18180] =	vst v63  }
0x1a: {  	_ =	swait.ge [sflag:s7], $0x80  }
0x1b: {  	[sflag:s7] =	ssyncset.done $0x0  }
0x1c: {  	[sflag:s7] =	ssyncadd.s32 $0xFFFFFF80  }
0x1d: {  	[spmem:s1] =	stream.indirect.scatter.add.f32 [tilespmem:s6], [sflag:$0x1], $0x80, s2, s9, $0xb8;
	[tilespmem:$0x18180] =	vst v63  }
0x1e: {  	_ =	swait.ge [sflag:s7], $0x4000  }
0x1f: {  	[sflag:s7] =	ssyncset.done $0x0  }
0x20: {  	s10 =	simm.s32 $0x4100;
	[sflag:s7] =	ssyncadd.s32 $0xFFFFC000  }
0x21: {  	[spmem:s1] =	stream.indirect.scatter.add.f32 [tilespmem:s10], [sflag:$0x1], $0x80, s9, s9, $0xb8;
	[tilespmem:$0x18180] =	vst v63  }
0x22: {  	_ =	swait.ge [sflag:s7], $0x4000  }
0x23: {  	[sflag:s7] =	ssyncset.done $0x0  }
0x24: {  	s11 =	sadd.s32 $0x1810, s29;
	[sflag:s7] =	ssyncadd.s32 $0xFFFFC000  }
0x25: {  	[tilespmem:s2], [sflag:$0x1] =	stream.linear.gather [hbm4b:s11+s2], $0x80, $0x38;
	[tilespmem:$0x18180] =	vst v63  }
0x26: {  	_ =	swait.ge [sflag:s7], $0x80  }
0x27: {  	[sflag:s7] =	ssyncset.done $0x0  }
0x28: {  	s12 =	sadd.s32 $0x1890, s29;
	[sflag:s7] =	ssyncadd.s32 $0xFFFFFF80  }
0x29: {  	[tilespmem:s9], [sflag:$0x1] =	stream.linear.gather [hbm4b:s12+s2], $0x80, $0x38;
	[tilespmem:$0x18180] =	vst v63  }
0x2a: {  	_ =	swait.ge [sflag:s7], $0x80  }
0x2b: {  	[sflag:s7] =	ssyncset.done $0x0  }
0x2c: {  	[sflag:s7] =	ssyncadd.s32 $0xFFFFFF80  }
0x2d: {  	[spmem:s1] =	stream.indirect.scatter.add.f32 [tilespmem:s6], [sflag:$0x1], $0x80, s2, s9, $0xb8;
	[tilespmem:$0x18180] =	vst v63  }
0x2e: {  	_ =	swait.ge [sflag:s7], $0x4000  }
0x2f: {  	[sflag:s7] =	ssyncset.done $0x0  }
0x30: {  	[sflag:s7] =	ssyncadd.s32 $0xFFFFC000  }
0x31: {  	[spmem:s1] =	stream.indirect.scatter.add.f32 [tilespmem:s10], [sflag:$0x1], $0x80, s9, s9, $0xb8;
	[tilespmem:$0x18180] =	vst v63  }
0x32: {  	_ =	swait.ge [sflag:s7], $0x4000  }
0x33: {  	[sflag:s7] =	ssyncset.done $0x0  }
0x34: {  	s13 =	sadd.s32 $0x1820, s29;
	[sflag:s7] =	ssyncadd.s32 $0xFFFFC000  }
0x35: {  	[tilespmem:s2], [sflag:$0x1] =	stream.linear.gather [hbm4b:s13+s2], $0x80, $0x38;
	[tilespmem:$0x18180] =	vst v63  }
0x36: {  	_ =	swait.ge [sflag:s7], $0x80  }
0x37: {  	[sflag:s7] =	ssyncset.done $0x0  }
0x38: {  	s14 =	sadd.s32 $0x18A0, s29;
	[sflag:s7] =	ssyncadd.s32 $0xFFFFFF80  }
0x39: {  	[tilespmem:s9], [sflag:$0x1] =	stream.linear.gather [hbm4b:s14+s2], $0x80, $0x38;
	[tilespmem:$0x18180] =	vst v63  }
0x3a: {  	_ =	swait.ge [sflag:s7], $0x80  }
0x3b: {  	[sflag:s7] =	ssyncset.done $0x0  }
0x3c: {  	[sflag:s7] =	ssyncadd.s32 $0xFFFFFF80  }
0x3d: {  	[spmem:s1] =	stream.indirect.scatter.add.f32 [tilespmem:s6], [sflag:$0x1], $0x80, s2, s9, $0xb8;
	[tilespmem:$0x18180] =	vst v63  }
0x3e: {  	_ =	swait.ge [sflag:s7], $0x4000  }
0x3f: {  	[sflag:s7] =	ssyncset.done $0x0  }
0x40: {  	[sflag:s7] =	ssyncadd.s32 $0xFFFFC000  }
0x41: {  	[spmem:s1] =	stream.indirect.scatter.add.f32 [tilespmem:s10], [sflag:$0x1], $0x80, s9, s9, $0xb8;
	[tilespmem:$0x18180] =	vst v63  }
0x42: {  	_ =	swait.ge [sflag:s7], $0x4000  }
0x43: {  	[sflag:s7] =	ssyncset.done $0x0  }
0x44: {  	s15 =	sadd.s32 $0x1830, s29;
	[sflag:s7] =	ssyncadd.s32 $0xFFFFC000  }
0x45: {  	[tilespmem:s2], [sflag:$0x1] =	stream.linear.gather [hbm4b:s15+s2], $0x80, $0x38;
	[tilespmem:$0x18180] =	vst v63  }
0x46: {  	_ =	swait.ge [sflag:s7], $0x80  }
0x47: {  	[sflag:s7] =	ssyncset.done $0x0  }
0x48: {  	s16 =	sadd.s32 $0x18B0, s29;
	[sflag:s7] =	ssyncadd.s32 $0xFFFFFF80  }
0x49: {  	[tilespmem:s9], [sflag:$0x1] =	stream.linear.gather [hbm4b:s16+s2], $0x80, $0x38;
	[tilespmem:$0x18180] =	vst v63  }
0x4a: {  	_ =	swait.ge [sflag:s7], $0x80  }
0x4b: {  	[sflag:s7] =	ssyncset.done $0x0  }
0x4c: {  	[sflag:s7] =	ssyncadd.s32 $0xFFFFFF80  }
0x4d: {  	[spmem:s1] =	stream.indirect.scatter.add.f32 [tilespmem:s6], [sflag:$0x1], $0x80, s2, s9, $0xb8;
	[tilespmem:$0x18180] =	vst v63  }
0x4e: {  	_ =	swait.ge [sflag:s7], $0x4000  }
0x4f: {  	[sflag:s7] =	ssyncset.done $0x0  }
0x50: {  	[sflag:s7] =	ssyncadd.s32 $0xFFFFC000  }
0x51: {  	[spmem:s1] =	stream.indirect.scatter.add.f32 [tilespmem:s10], [sflag:$0x1], $0x80, s9, s9, $0xb8;
	[tilespmem:$0x18180] =	vst v63  }
0x52: {  	_ =	swait.ge [sflag:s7], $0x4000  }
0x53: {  	[sflag:s7] =	ssyncset.done $0x0  }
0x54: {  	s17 =	sadd.s32 $0x1840, s29;
	[sflag:s7] =	ssyncadd.s32 $0xFFFFC000  }
0x55: {  	[tilespmem:s2], [sflag:$0x1] =	stream.linear.gather [hbm4b:s17+s2], $0x80, $0x38;
	[tilespmem:$0x18180] =	vst v63  }
0x56: {  	_ =	swait.ge [sflag:s7], $0x80  }
0x57: {  	[sflag:s7] =	ssyncset.done $0x0  }
0x58: {  	s18 =	sadd.s32 $0x18C0, s29;
	[sflag:s7] =	ssyncadd.s32 $0xFFFFFF80  }
0x59: {  	[tilespmem:s9], [sflag:$0x1] =	stream.linear.gather [hbm4b:s18+s2], $0x80, $0x38;
	[tilespmem:$0x18180] =	vst v63  }
0x5a: {  	_ =	swait.ge [sflag:s7], $0x80  }
0x5b: {  	[sflag:s7] =	ssyncset.done $0x0  }
0x5c: {  	[sflag:s7] =	ssyncadd.s32 $0xFFFFFF80  }
0x5d: {  	[spmem:s1] =	stream.indirect.scatter.add.f32 [tilespmem:s6], [sflag:$0x1], $0x80, s2, s9, $0xb8;
	[tilespmem:$0x18180] =	vst v63  }
0x5e: {  	_ =	swait.ge [sflag:s7], $0x4000  }
0x5f: {  	[sflag:s7] =	ssyncset.done $0x0  }
0x60: {  	[sflag:s7] =	ssyncadd.s32 $0xFFFFC000  }
0x61: {  	[spmem:s1] =	stream.indirect.scatter.add.f32 [tilespmem:s10], [sflag:$0x1], $0x80, s9, s9, $0xb8;
	[tilespmem:$0x18180] =	vst v63  }
0x62: {  	_ =	swait.ge [sflag:s7], $0x4000  }
0x63: {  	[sflag:s7] =	ssyncset.done $0x0  }
0x64: {  	s19 =	sadd.s32 $0x1850, s29;
	[sflag:s7] =	ssyncadd.s32 $0xFFFFC000  }
0x65: {  	[tilespmem:s2], [sflag:$0x1] =	stream.linear.gather [hbm4b:s19+s2], $0x80, $0x38;
	[tilespmem:$0x18180] =	vst v63  }
0x66: {  	_ =	swait.ge [sflag:s7], $0x80  }
0x67: {  	[sflag:s7] =	ssyncset.done $0x0  }
0x68: {  	s20 =	sadd.s32 $0x18D0, s29;
	[sflag:s7] =	ssyncadd.s32 $0xFFFFFF80  }
0x69: {  	[tilespmem:s9], [sflag:$0x1] =	stream.linear.gather [hbm4b:s20+s2], $0x80, $0x38;
	[tilespmem:$0x18180] =	vst v63  }
0x6a: {  	_ =	swait.ge [sflag:s7], $0x80  }
0x6b: {  	[sflag:s7] =	ssyncset.done $0x0  }
0x6c: {  	[sflag:s7] =	ssyncadd.s32 $0xFFFFFF80  }
0x6d: {  	[spmem:s1] =	stream.indirect.scatter.add.f32 [tilespmem:s6], [sflag:$0x1], $0x80, s2, s9, $0xb8;
	[tilespmem:$0x18180] =	vst v63  }
0x6e: {  	_ =	swait.ge [sflag:s7], $0x4000  }
0x6f: {  	[sflag:s7] =	ssyncset.done $0x0  }
0x70: {  	[sflag:s7] =	ssyncadd.s32 $0xFFFFC000  }
0x71: {  	[spmem:s1] =	stream.indirect.scatter.add.f32 [tilespmem:s10], [sflag:$0x1], $0x80, s9, s9, $0xb8;
	[tilespmem:$0x18180] =	vst v63  }
0x72: {  	_ =	swait.ge [sflag:s7], $0x4000  }
0x73: {  	[sflag:s7] =	ssyncset.done $0x0  }
0x74: {  	s21 =	sadd.s32 $0x1860, s29;
	[sflag:s7] =	ssyncadd.s32 $0xFFFFC000  }
0x75: {  	[tilespmem:s2], [sflag:$0x1] =	stream.linear.gather [hbm4b:s21+s2], $0x80, $0x38;
	[tilespmem:$0x18180] =	vst v63  }
0x76: {  	_ =	swait.ge [sflag:s7], $0x80  }
0x77: {  	[sflag:s7] =	ssyncset.done $0x0  }
0x78: {  	s22 =	sadd.s32 $0x18E0, s29;
	[sflag:s7] =	ssyncadd.s32 $0xFFFFFF80  }
0x79: {  	[tilespmem:s9], [sflag:$0x1] =	stream.linear.gather [hbm4b:s22+s2], $0x80, $0x38;
	[tilespmem:$0x18180] =	vst v63  }
0x7a: {  	_ =	swait.ge [sflag:s7], $0x80  }
0x7b: {  	[sflag:s7] =	ssyncset.done $0x0  }
0x7c: {  	[sflag:s7] =	ssyncadd.s32 $0xFFFFFF80  }
0x7d: {  	[spmem:s1] =	stream.indirect.scatter.add.f32 [tilespmem:s6], [sflag:$0x1], $0x80, s2, s9, $0xb8;
	[tilespmem:$0x18180] =	vst v63  }
0x7e: {  	_ =	swait.ge [sflag:s7], $0x4000  }
0x7f: {  	[sflag:s7] =	ssyncset.done $0x0  }
0x80: {  	[sflag:s7] =	ssyncadd.s32 $0xFFFFC000  }
0x81: {  	[spmem:s1] =	stream.indirect.scatter.add.f32 [tilespmem:s10], [sflag:$0x1], $0x80, s9, s9, $0xb8;
	[tilespmem:$0x18180] =	vst v63  }
0x82: {  	_ =	swait.ge [sflag:s7], $0x4000  }
0x83: {  	[sflag:s7] =	ssyncset.done $0x0  }
0x84: {  	s23 =	sadd.s32 $0x1870, s29;
	[sflag:s7] =	ssyncadd.s32 $0xFFFFC000  }
0x85: {  	[tilespmem:s2], [sflag:$0x1] =	stream.linear.gather [hbm4b:s23+s2], $0x80, $0x38;
	[tilespmem:$0x18180] =	vst v63  }
0x86: {  	_ =	swait.ge [sflag:s7], $0x80  }
0x87: {  	[sflag:s7] =	ssyncset.done $0x0  }
0x88: {  	s24 =	sadd.s32 $0x18F0, s29;
	[sflag:s7] =	ssyncadd.s32 $0xFFFFFF80  }
0x89: {  	[tilespmem:s9], [sflag:$0x1] =	stream.linear.gather [hbm4b:s24+s2], $0x80, $0x38;
	[tilespmem:$0x18180] =	vst v63  }
0x8a: {  	_ =	swait.ge [sflag:s7], $0x80  }
0x8b: {  	[sflag:s7] =	ssyncset.done $0x0  }
0x8c: {  	[sflag:s7] =	ssyncadd.s32 $0xFFFFFF80  }
0x8d: {  	[spmem:s1] =	stream.indirect.scatter.add.f32 [tilespmem:s6], [sflag:$0x1], $0x80, s2, s9, $0xb8;
	[tilespmem:$0x18180] =	vst v63  }
0x8e: {  	_ =	swait.ge [sflag:s7], $0x4000  }
0x8f: {  	[sflag:s7] =	ssyncset.done $0x0  }
0x90: {  	[sflag:s7] =	ssyncadd.s32 $0xFFFFC000  }
0x91: {  	[spmem:s1] =	stream.indirect.scatter.add.f32 [tilespmem:s10], [sflag:$0x1], $0x80, s9, s9, $0xb8;
	[tilespmem:$0x18180] =	vst v63  }
0x92: {  	_ =	swait.ge [sflag:s7], $0x4000  }
0x93: {  	[sflag:s7] =	ssyncset.done $0x0  }
0x94: {  	s25 =	sadd.s32 $0x3800, s29;
	[sflag:s7] =	ssyncadd.s32 $0xFFFFC000  }
0x95: {  	[tilespmem:s2], [sflag:$0x1] =	stream.linear.gather [hbm4b:s25+s2], $0x80, $0x38;
	[tilespmem:$0x18180] =	vst v63  }
0x96: {  	_ =	swait.ge [sflag:s7], $0x80  }
0x97: {  	[sflag:s7] =	ssyncset.done $0x0  }
0x98: {  	s26 =	sadd.s32 $0x3880, s29;
	[sflag:s7] =	ssyncadd.s32 $0xFFFFFF80  }
0x99: {  	[tilespmem:s9], [sflag:$0x1] =	stream.linear.gather [hbm4b:s26+s2], $0x80, $0x38;
	[tilespmem:$0x18180] =	vst v63  }
0x9a: {  	_ =	swait.ge [sflag:s7], $0x80  }
0x9b: {  	[sflag:s7] =	ssyncset.done $0x0  }
0x9c: {  	[sflag:s7] =	ssyncadd.s32 $0xFFFFFF80  }
0x9d: {  	[spmem:s1] =	stream.indirect.scatter.add.f32 [tilespmem:s6], [sflag:$0x1], $0x80, s2, s9, $0xb8;
	[tilespmem:$0x18180] =	vst v63  }
0x9e: {  	_ =	swait.ge [sflag:s7], $0x4000  }
0x9f: {  	[sflag:s7] =	ssyncset.done $0x0  }
0xa0: {  	[sflag:s7] =	ssyncadd.s32 $0xFFFFC000  }
0xa1: {  	[spmem:s1] =	stream.indirect.scatter.add.f32 [tilespmem:s10], [sflag:$0x1], $0x80, s9, s9, $0xb8;
	[tilespmem:$0x18180] =	vst v63  }
0xa2: {  	_ =	swait.ge [sflag:s7], $0x4000  }
0xa3: {  	[sflag:s7] =	ssyncset.done $0x0  }
0xa4: {  	s28 =	sadd.s32 $0x3810, s29;
	[sflag:s7] =	ssyncadd.s32 $0xFFFFC000  }
0xa5: {  	[tilespmem:s2], [sflag:$0x1] =	stream.linear.gather [hbm4b:s28+s2], $0x80, $0x38;
	[tilespmem:$0x18180] =	vst v63  }
0xa6: {  	_ =	swait.ge [sflag:s7], $0x80  }
0xa7: {  	[sflag:s7] =	ssyncset.done $0x0  }
0xa8: {  	s29 =	sadd.s32 $0x3890, s29;
	[sflag:s7] =	ssyncadd.s32 $0xFFFFFF80  }
0xa9: {  	[tilespmem:s9], [sflag:$0x1] =	stream.linear.gather [hbm4b:s29+s2], $0x80, $0x38;
	[tilespmem:$0x18180] =	vst v63  }
0xaa: {  	_ =	swait.ge [sflag:s7], $0x80  }
0xab: {  	[sflag:s7] =	ssyncset.done $0x0  }
0xac: {  	[sflag:s7] =	ssyncadd.s32 $0xFFFFFF80  }
0xad: {  	[spmem:s1] =	stream.indirect.scatter.add.f32 [tilespmem:s6], [sflag:$0x1], $0x80, s2, s9, $0xb8;
	[tilespmem:$0x18180] =	vst v63  }
0xae: {  	_ =	swait.ge [sflag:s7], $0x4000  }
0xaf: {  	[sflag:s7] =	ssyncset.done $0x0  }
0xb0: {  	s31 =	ssub.s32 $0x2, s30;
	[sflag:s7] =	ssyncadd.s32 $0xFFFFC000  }
0xb1: {  	[spmem:s1] =	stream.indirect.scatter.add.f32 [tilespmem:s10], [sflag:$0x1], $0x80, s9, s9, $0xb8;
	[tilespmem:$0x18180] =	vst v63  }
0xb2: {  	s0 =	sshrl.u32 s31, $0x1;
	_ =	swait.ge [sflag:s7], $0x4000  }
0xb3: {  	s30 =	smul.u32 $0x20100, s30;
	s0 =	ssub.s32 s31, s0;
	[sflag:s7] =	ssyncset.done $0x0  }
0xb4: {  	s0 =	smax.u32 s0, $0x1;
	s31 =	rddreg [dreg:$0x1]  }
0xb5: {  	s30 =	sadd.s32 s30, s31;
	s31 =	sadd.s32 $0xFFFFFFFF, s0  }
0xb6: {  	p1 =	sne.s32 s31, $0x0  }
.Ltmp0:
0xb7: {  	_ = 	snop;
	(pc) =	sbr.rel @!p1 .LBB2_1-.Ltmp0, $4  }
0xb8: {  	[sflag:s7] =	ssyncadd.s32 $0xFFFFC000  }
0xb9: {  	[bflag:$0x0] =	sbarrier.arrive $0xFFFF;
	s30 =	sadd.s32 $0x25A00, s30  }
0xba: {  	[hbm:s30], [sflag:s5] =	dma.local @!p0 [spmem:s4], $0x20100  }
0xbb: {  	s0 =	simm.s32 @!p0 $0x1;
	_ =	swait.ge @!p0 [sflag:s3], $0x20100  }
.LBB2_2:
0xbc: {  	[sflag:s0] =	ssyncset.done @!p0 $0x0  }
0xbd: {  	s3 =	rddreg [dreg:$0x4];
	[sflag:s0] =	ssyncadd.s32 @!p0 $0xFFFDFF00  }
0xbe: {  	[spmem:s4], [sflag:s5] =	dma.local @!p0 [hbm:s3], $0x20100  }
0xbf: {  	s3 =	simm.s32 @!p0 $0x1  }
0xc0: {  	_ =	swait.ge @!p0 [sflag:s3], $0x20100;
	s0 =	smov.u32 s3  }
0xc1: {  	[sflag:s0] =	ssyncset.done @!p0 $0x0  }
0xc2: {  	s3 =	rddreg [dreg:$0x5];
	[sflag:s0] =	ssyncadd.s32 @!p0 $0xFFFDFF00  }
0xc3: {  	[tilespmem:s6], [sflag:$0x1] =	stream.linear.gather [hbm4b:s3+s2], $0x8000, $0x38;
	[tilespmem:$0x18180] =	vst v63  }
0xc4: {  	_ =	swait.ge [sflag:s7], $0x8000  }
0xc5: {  	[sflag:s7] =	ssyncset.done $0x0  }
0xc6: {  	[sflag:s7] =	ssyncadd.s32 $0xFFFF8000  }
0xc7: {  	[bflag:$0x0] =	sbarrier.arrive $0xFFFF  }
0xc8: {  	s3 =	rddreg [dreg:$0x6]  }
0xc9: {  	[tilespmem:s2], [sflag:$0x1] =	stream.linear.gather [hbm4b:s3+s2], $0x80, $0x38;
	[tilespmem:$0x18180] =	vst v63  }
0xca: {  	_ =	swait.ge [sflag:s7], $0x80  }
0xcb: {  	[sflag:s7] =	ssyncset.done $0x0  }
0xcc: {  	[sflag:s7] =	ssyncadd.s32 $0xFFFFFF80  }
0xcd: {  	[tilespmem:s9], [sflag:$0x1] =	stream.linear.gather [hbm4b:s8+s2], $0x80, $0x38;
	[tilespmem:$0x18180] =	vst v63  }
0xce: {  	_ =	swait.ge [sflag:s7], $0x80  }
0xcf: {  	[sflag:s7] =	ssyncset.done $0x0  }
0xd0: {  	[sflag:s7] =	ssyncadd.s32 $0xFFFFFF80  }
0xd1: {  	[spmem:s1] =	stream.indirect.scatter.add.f32 [tilespmem:s6], [sflag:$0x1], $0x80, s2, s9, $0xb8;
	[tilespmem:$0x18180] =	vst v63  }
0xd2: {  	_ =	swait.ge [sflag:s7], $0x4000  }
0xd3: {  	[sflag:s7] =	ssyncset.done $0x0  }
0xd4: {  	[sflag:s7] =	ssyncadd.s32 $0xFFFFC000  }
0xd5: {  	[spmem:s1] =	stream.indirect.scatter.add.f32 [tilespmem:s10], [sflag:$0x1], $0x80, s9, s9, $0xb8;
	[tilespmem:$0x18180] =	vst v63  }
0xd6: {  	_ =	swait.ge [sflag:s7], $0x4000  }
0xd7: {  	[sflag:s7] =	ssyncset.done $0x0  }
0xd8: {  	[sflag:s7] =	ssyncadd.s32 $0xFFFFC000  }
0xd9: {  	[tilespmem:s2], [sflag:$0x1] =	stream.linear.gather [hbm4b:s11+s2], $0x80, $0x38;
	[tilespmem:$0x18180] =	vst v63  }
0xda: {  	_ =	swait.ge [sflag:s7], $0x80  }
0xdb: {  	[sflag:s7] =	ssyncset.done $0x0  }
0xdc: {  	[sflag:s7] =	ssyncadd.s32 $0xFFFFFF80  }
0xdd: {  	[tilespmem:s9], [sflag:$0x1] =	stream.linear.gather [hbm4b:s12+s2], $0x80, $0x38;
	[tilespmem:$0x18180] =	vst v63  }
0xde: {  	_ =	swait.ge [sflag:s7], $0x80  }
0xdf: {  	[sflag:s7] =	ssyncset.done $0x0  }
0xe0: {  	[sflag:s7] =	ssyncadd.s32 $0xFFFFFF80  }
0xe1: {  	[spmem:s1] =	stream.indirect.scatter.add.f32 [tilespmem:s6], [sflag:$0x1], $0x80, s2, s9, $0xb8;
	[tilespmem:$0x18180] =	vst v63  }
0xe2: {  	_ =	swait.ge [sflag:s7], $0x4000  }
0xe3: {  	[sflag:s7] =	ssyncset.done $0x0  }
0xe4: {  	[sflag:s7] =	ssyncadd.s32 $0xFFFFC000  }
0xe5: {  	[spmem:s1] =	stream.indirect.scatter.add.f32 [tilespmem:s10], [sflag:$0x1], $0x80, s9, s9, $0xb8;
	[tilespmem:$0x18180] =	vst v63  }
0xe6: {  	_ =	swait.ge [sflag:s7], $0x4000  }
0xe7: {  	[sflag:s7] =	ssyncset.done $0x0  }
0xe8: {  	[sflag:s7] =	ssyncadd.s32 $0xFFFFC000  }
0xe9: {  	[tilespmem:s2], [sflag:$0x1] =	stream.linear.gather [hbm4b:s13+s2], $0x80, $0x38;
	[tilespmem:$0x18180] =	vst v63  }
0xea: {  	_ =	swait.ge [sflag:s7], $0x80  }
0xeb: {  	[sflag:s7] =	ssyncset.done $0x0  }
0xec: {  	[sflag:s7] =	ssyncadd.s32 $0xFFFFFF80  }
0xed: {  	[tilespmem:s9], [sflag:$0x1] =	stream.linear.gather [hbm4b:s14+s2], $0x80, $0x38;
	[tilespmem:$0x18180] =	vst v63  }
0xee: {  	_ =	swait.ge [sflag:s7], $0x80  }
0xef: {  	[sflag:s7] =	ssyncset.done $0x0  }
0xf0: {  	[sflag:s7] =	ssyncadd.s32 $0xFFFFFF80  }
0xf1: {  	[spmem:s1] =	stream.indirect.scatter.add.f32 [tilespmem:s6], [sflag:$0x1], $0x80, s2, s9, $0xb8;
	[tilespmem:$0x18180] =	vst v63  }
0xf2: {  	_ =	swait.ge [sflag:s7], $0x4000  }
0xf3: {  	[sflag:s7] =	ssyncset.done $0x0  }
0xf4: {  	[sflag:s7] =	ssyncadd.s32 $0xFFFFC000  }
0xf5: {  	[spmem:s1] =	stream.indirect.scatter.add.f32 [tilespmem:s10], [sflag:$0x1], $0x80, s9, s9, $0xb8;
	[tilespmem:$0x18180] =	vst v63  }
0xf6: {  	_ =	swait.ge [sflag:s7], $0x4000  }
0xf7: {  	[sflag:s7] =	ssyncset.done $0x0  }
0xf8: {  	[sflag:s7] =	ssyncadd.s32 $0xFFFFC000  }
0xf9: {  	[tilespmem:s2], [sflag:$0x1] =	stream.linear.gather [hbm4b:s15+s2], $0x80, $0x38;
	[tilespmem:$0x18180] =	vst v63  }
0xfa: {  	_ =	swait.ge [sflag:s7], $0x80  }
0xfb: {  	[sflag:s7] =	ssyncset.done $0x0  }
0xfc: {  	[sflag:s7] =	ssyncadd.s32 $0xFFFFFF80  }
0xfd: {  	[tilespmem:s9], [sflag:$0x1] =	stream.linear.gather [hbm4b:s16+s2], $0x80, $0x38;
	[tilespmem:$0x18180] =	vst v63  }
0xfe: {  	_ =	swait.ge [sflag:s7], $0x80  }
0xff: {  	[sflag:s7] =	ssyncset.done $0x0  }
0x100: {  	[sflag:s7] =	ssyncadd.s32 $0xFFFFFF80  }
0x101: {  	[spmem:s1] =	stream.indirect.scatter.add.f32 [tilespmem:s6], [sflag:$0x1], $0x80, s2, s9, $0xb8;
	[tilespmem:$0x18180] =	vst v63  }
0x102: {  	_ =	swait.ge [sflag:s7], $0x4000  }
0x103: {  	[sflag:s7] =	ssyncset.done $0x0  }
0x104: {  	[sflag:s7] =	ssyncadd.s32 $0xFFFFC000  }
0x105: {  	[spmem:s1] =	stream.indirect.scatter.add.f32 [tilespmem:s10], [sflag:$0x1], $0x80, s9, s9, $0xb8;
	[tilespmem:$0x18180] =	vst v63  }
0x106: {  	_ =	swait.ge [sflag:s7], $0x4000  }
0x107: {  	[sflag:s7] =	ssyncset.done $0x0  }
0x108: {  	[sflag:s7] =	ssyncadd.s32 $0xFFFFC000  }
0x109: {  	[tilespmem:s2], [sflag:$0x1] =	stream.linear.gather [hbm4b:s17+s2], $0x80, $0x38;
	[tilespmem:$0x18180] =	vst v63  }
0x10a: {  	_ =	swait.ge [sflag:s7], $0x80  }
0x10b: {  	[sflag:s7] =	ssyncset.done $0x0  }
0x10c: {  	[sflag:s7] =	ssyncadd.s32 $0xFFFFFF80  }
0x10d: {  	[tilespmem:s9], [sflag:$0x1] =	stream.linear.gather [hbm4b:s18+s2], $0x80, $0x38;
	[tilespmem:$0x18180] =	vst v63  }
0x10e: {  	_ =	swait.ge [sflag:s7], $0x80  }
0x10f: {  	[sflag:s7] =	ssyncset.done $0x0  }
0x110: {  	[sflag:s7] =	ssyncadd.s32 $0xFFFFFF80  }
0x111: {  	[spmem:s1] =	stream.indirect.scatter.add.f32 [tilespmem:s6], [sflag:$0x1], $0x80, s2, s9, $0xb8;
	[tilespmem:$0x18180] =	vst v63  }
0x112: {  	_ =	swait.ge [sflag:s7], $0x4000  }
0x113: {  	[sflag:s7] =	ssyncset.done $0x0  }
0x114: {  	[sflag:s7] =	ssyncadd.s32 $0xFFFFC000  }
0x115: {  	[spmem:s1] =	stream.indirect.scatter.add.f32 [tilespmem:s10], [sflag:$0x1], $0x80, s9, s9, $0xb8;
	[tilespmem:$0x18180] =	vst v63  }
0x116: {  	_ =	swait.ge [sflag:s7], $0x4000  }
0x117: {  	[sflag:s7] =	ssyncset.done $0x0  }
0x118: {  	[sflag:s7] =	ssyncadd.s32 $0xFFFFC000  }
0x119: {  	[tilespmem:s2], [sflag:$0x1] =	stream.linear.gather [hbm4b:s19+s2], $0x80, $0x38;
	[tilespmem:$0x18180] =	vst v63  }
0x11a: {  	_ =	swait.ge [sflag:s7], $0x80  }
0x11b: {  	[sflag:s7] =	ssyncset.done $0x0  }
0x11c: {  	[sflag:s7] =	ssyncadd.s32 $0xFFFFFF80  }
0x11d: {  	[tilespmem:s9], [sflag:$0x1] =	stream.linear.gather [hbm4b:s20+s2], $0x80, $0x38;
	[tilespmem:$0x18180] =	vst v63  }
0x11e: {  	_ =	swait.ge [sflag:s7], $0x80  }
0x11f: {  	[sflag:s7] =	ssyncset.done $0x0  }
0x120: {  	[sflag:s7] =	ssyncadd.s32 $0xFFFFFF80  }
0x121: {  	[spmem:s1] =	stream.indirect.scatter.add.f32 [tilespmem:s6], [sflag:$0x1], $0x80, s2, s9, $0xb8;
	[tilespmem:$0x18180] =	vst v63  }
0x122: {  	_ =	swait.ge [sflag:s7], $0x4000  }
0x123: {  	[sflag:s7] =	ssyncset.done $0x0  }
0x124: {  	[sflag:s7] =	ssyncadd.s32 $0xFFFFC000  }
0x125: {  	[spmem:s1] =	stream.indirect.scatter.add.f32 [tilespmem:s10], [sflag:$0x1], $0x80, s9, s9, $0xb8;
	[tilespmem:$0x18180] =	vst v63  }
0x126: {  	_ =	swait.ge [sflag:s7], $0x4000  }
0x127: {  	[sflag:s7] =	ssyncset.done $0x0  }
0x128: {  	[sflag:s7] =	ssyncadd.s32 $0xFFFFC000  }
0x129: {  	[tilespmem:s2], [sflag:$0x1] =	stream.linear.gather [hbm4b:s21+s2], $0x80, $0x38;
	[tilespmem:$0x18180] =	vst v63  }
0x12a: {  	_ =	swait.ge [sflag:s7], $0x80  }
0x12b: {  	[sflag:s7] =	ssyncset.done $0x0  }
0x12c: {  	[sflag:s7] =	ssyncadd.s32 $0xFFFFFF80  }
0x12d: {  	[tilespmem:s9], [sflag:$0x1] =	stream.linear.gather [hbm4b:s22+s2], $0x80, $0x38;
	[tilespmem:$0x18180] =	vst v63  }
0x12e: {  	_ =	swait.ge [sflag:s7], $0x80  }
0x12f: {  	[sflag:s7] =	ssyncset.done $0x0  }
0x130: {  	[sflag:s7] =	ssyncadd.s32 $0xFFFFFF80  }
0x131: {  	[spmem:s1] =	stream.indirect.scatter.add.f32 [tilespmem:s6], [sflag:$0x1], $0x80, s2, s9, $0xb8;
	[tilespmem:$0x18180] =	vst v63  }
0x132: {  	_ =	swait.ge [sflag:s7], $0x4000  }
0x133: {  	[sflag:s7] =	ssyncset.done $0x0  }
0x134: {  	[sflag:s7] =	ssyncadd.s32 $0xFFFFC000  }
0x135: {  	[spmem:s1] =	stream.indirect.scatter.add.f32 [tilespmem:s10], [sflag:$0x1], $0x80, s9, s9, $0xb8;
	[tilespmem:$0x18180] =	vst v63  }
0x136: {  	_ =	swait.ge [sflag:s7], $0x4000  }
0x137: {  	[sflag:s7] =	ssyncset.done $0x0  }
0x138: {  	[sflag:s7] =	ssyncadd.s32 $0xFFFFC000  }
0x139: {  	[tilespmem:s2], [sflag:$0x1] =	stream.linear.gather [hbm4b:s23+s2], $0x80, $0x38;
	[tilespmem:$0x18180] =	vst v63  }
0x13a: {  	_ =	swait.ge [sflag:s7], $0x80  }
0x13b: {  	[sflag:s7] =	ssyncset.done $0x0  }
0x13c: {  	[sflag:s7] =	ssyncadd.s32 $0xFFFFFF80  }
0x13d: {  	[tilespmem:s9], [sflag:$0x1] =	stream.linear.gather [hbm4b:s24+s2], $0x80, $0x38;
	[tilespmem:$0x18180] =	vst v63  }
0x13e: {  	_ =	swait.ge [sflag:s7], $0x80  }
0x13f: {  	[sflag:s7] =	ssyncset.done $0x0  }
0x140: {  	[sflag:s7] =	ssyncadd.s32 $0xFFFFFF80  }
0x141: {  	[spmem:s1] =	stream.indirect.scatter.add.f32 [tilespmem:s6], [sflag:$0x1], $0x80, s2, s9, $0xb8;
	[tilespmem:$0x18180] =	vst v63  }
0x142: {  	_ =	swait.ge [sflag:s7], $0x4000  }
0x143: {  	[sflag:s7] =	ssyncset.done $0x0  }
0x144: {  	[sflag:s7] =	ssyncadd.s32 $0xFFFFC000  }
0x145: {  	[spmem:s1] =	stream.indirect.scatter.add.f32 [tilespmem:s10], [sflag:$0x1], $0x80, s9, s9, $0xb8;
	[tilespmem:$0x18180] =	vst v63  }
0x146: {  	_ =	swait.ge [sflag:s7], $0x4000  }
0x147: {  	[sflag:s7] =	ssyncset.done $0x0  }
0x148: {  	[sflag:s7] =	ssyncadd.s32 $0xFFFFC000  }
0x149: {  	[tilespmem:s2], [sflag:$0x1] =	stream.linear.gather [hbm4b:s25+s2], $0x80, $0x38;
	[tilespmem:$0x18180] =	vst v63  }
0x14a: {  	_ =	swait.ge [sflag:s7], $0x80  }
0x14b: {  	[sflag:s7] =	ssyncset.done $0x0  }
0x14c: {  	[sflag:s7] =	ssyncadd.s32 $0xFFFFFF80  }
0x14d: {  	[tilespmem:s9], [sflag:$0x1] =	stream.linear.gather [hbm4b:s26+s2], $0x80, $0x38;
	[tilespmem:$0x18180] =	vst v63  }
0x14e: {  	_ =	swait.ge [sflag:s7], $0x80  }
0x14f: {  	[sflag:s7] =	ssyncset.done $0x0  }
0x150: {  	[sflag:s7] =	ssyncadd.s32 $0xFFFFFF80  }
0x151: {  	[spmem:s1] =	stream.indirect.scatter.add.f32 [tilespmem:s6], [sflag:$0x1], $0x80, s2, s9, $0xb8;
	[tilespmem:$0x18180] =	vst v63  }
0x152: {  	_ =	swait.ge [sflag:s7], $0x4000  }
0x153: {  	[sflag:s7] =	ssyncset.done $0x0  }
0x154: {  	[sflag:s7] =	ssyncadd.s32 $0xFFFFC000  }
0x155: {  	[spmem:s1] =	stream.indirect.scatter.add.f32 [tilespmem:s10], [sflag:$0x1], $0x80, s9, s9, $0xb8;
	[tilespmem:$0x18180] =	vst v63  }
0x156: {  	_ =	swait.ge [sflag:s7], $0x4000  }
0x157: {  	[sflag:s7] =	ssyncset.done $0x0  }
0x158: {  	[sflag:s7] =	ssyncadd.s32 $0xFFFFC000  }
0x159: {  	[tilespmem:s2], [sflag:$0x1] =	stream.linear.gather [hbm4b:s28+s2], $0x80, $0x38;
	[tilespmem:$0x18180] =	vst v63  }
0x15a: {  	_ =	swait.ge [sflag:s7], $0x80  }
0x15b: {  	[sflag:s7] =	ssyncset.done $0x0  }
0x15c: {  	[sflag:s7] =	ssyncadd.s32 $0xFFFFFF80  }
0x15d: {  	[tilespmem:s9], [sflag:$0x1] =	stream.linear.gather [hbm4b:s29+s2], $0x80, $0x38;
	[tilespmem:$0x18180] =	vst v63  }
0x15e: {  	_ =	swait.ge [sflag:s7], $0x80  }
0x15f: {  	[sflag:s7] =	ssyncset.done $0x0  }
0x160: {  	[sflag:s7] =	ssyncadd.s32 $0xFFFFFF80  }
0x161: {  	[spmem:s1] =	stream.indirect.scatter.add.f32 [tilespmem:s6], [sflag:$0x1], $0x80, s2, s9, $0xb8;
	[tilespmem:$0x18180] =	vst v63  }
0x162: {  	_ =	swait.ge [sflag:s7], $0x4000  }
0x163: {  	[sflag:s7] =	ssyncset.done $0x0  }
0x164: {  	s31 =	sadd.s32 $0xFFFFFFFF, s31;
	[sflag:s7] =	ssyncadd.s32 $0xFFFFC000  }
0x165: {  	[spmem:s1] =	stream.indirect.scatter.add.f32 [tilespmem:s10], [sflag:$0x1], $0x80, s9, s9, $0xb8;
	[tilespmem:$0x18180] =	vst v63  }
0x166: {  	p1 =	sne.s32 s31, $0x0;
	_ =	swait.ge [sflag:s7], $0x4000  }
.Ltmp1:
0x167: {  	[sflag:s7] =	ssyncset.done $0x0;
	(pc) =	sbr.rel @p1 .LBB2_2-.Ltmp1, $4  }
0x168: {  	[sflag:s7] =	ssyncadd.s32 $0xFFFFC000  }
0x169: {  	[bflag:$0x0] =	sbarrier.arrive $0xFFFF  }
0x16a: {  	[hbm:s30], [sflag:s5] =	dma.local @!p0 [spmem:s4], $0x20100  }
0x16b: {  	_ =	swait.ge @!p0 [sflag:s0], $0x20100  }
.LBB2_3:
0x16c: {  	[sflag:s0] =	ssyncset.done @!p0 $0x0  }
0x16d: {  	[sflag:s0] =	ssyncadd.s32 @!p0 $0xFFFDFF00  }
0x16e: {  	_ =	sfence.sel $0x180000  }
0x16f: {  	[bflag:$0x0] =	sbarrier.arrive $0xFFFF  }
0x170: {  	_ =	strace $0x9000004A  }
0x171: {  	[bflag:$0x2] =	sbarrier.arrive $0xFFFF  }
0x172: {  	s0 =	rddreg [dreg:$0x3]  }
0x173: {  	s0 =	sadd.s32 @!p0 $0x100000, s0  }
0x174: {  	[sflag:s0] =	ssyncadd.tile.s32 @!p0 $0x1;
	_ =	shalt  }
.LBB2_1:
.Ltmp2:
0x175: {  	(pc) =	sbr.rel .LBB2_3-.Ltmp2, $2  }
0x176: {  	_ =	sdelay $0x2  }
0x177: {  	s0 =	simm.s32 @!p0 $0x1  }
.Lfunc_end2:
_tile_overlayer_lowered:
.L_overlay_start_2:
0x178: {  	(tag) =	ssettag $0x2  }
0x179: {  	s0 =	rddreg [dreg:$0x0];
	s2 =	stileid.u32  }
0x17a: {  	s1 =	rddreg [dreg:$0x1];
	p0 =	sne.s32 s2, $0x0  }
0x17b: {  	s3 =	rddreg [dreg:$0x2];
	[bflag:$0x3] =	sbarrier.arrive $0xFFFF;
	s2 =	simm.s32 @!p0 $0x1C01  }
0x17c: {  	[timem:s3], [sflag:s2] =	dma.local @!p0 [hbm:s0], s1  }
0x17d: {  	s0 =	simm.s32 @!p0 $0x1  }
0x17e: {  	_ =	swait.ge @!p0 [sflag:s0], s1  }
0x17f: {  	s1 =	ssub.s32 @!p0 $0x0, s1;
	[sflag:s0] =	ssyncset.done @!p0 $0x0  }
0x180: {  	[sflag:s0] =	ssyncadd.s32 @!p0 s1  }
0x181: {  	[bflag:$0x3] =	sbarrier.arrive $0xFFFF  }
0x182: {  	_ =	shalt  }

// kernel: kernel.8.cloned.1.call-start
scs
__scs_entry_jumppad:
0x0: {  	(pc) =	sbr.rel $0x88, $3  }
0x1: {  	(tag) =	ssettag $0x0;
	lr =	simm.s32 $0x1  }
0x2: {  	[smem:$0x3F9D] =	sst lr;
	_ =	strace $0xD0000000  }
0x3: {  	_ = 	snop  }
0x4: {  	_ = 	snop  }
0x5: {  	_ = 	snop  }
0x6: {  	_ = 	snop  }
0x7: {  	_ = 	snop  }
__scs_overlays_trampoline_lowered:
0x8: {  	[smem:$0x3FAC] =	sst s0  }
0x9: {  	[smem:$0x3FAD] =	sst s1  }
0xa: {  	[smem:$0x3FAE] =	sst s2  }
0xb: {  	[smem:$0x3FAF] =	sst s3  }
0xc: {  	[smem:$0x3FB0] =	sst s4  }
0xd: {  	[smem:$0x3FB1] =	sst s5  }
0xe: {  	[smem:$0x3FB2] =	sst s6  }
0xf: {  	[smem:$0x3FB3] =	sst s7  }
0x10: {  	[smem:$0x3FB4] =	sst s8  }
0x11: {  	[smem:$0x3FB5] =	sst s9;
	s0 =	simm.s32 @!p0 $0x0  }
0x12: {  	s1 =	sld [smem:$0x3F9B];
	s0 =	simm.s32 @p0 $0x1  }
0x13: {  	[smem:$0x3FB6] =	sst s0;
	s0 =	simm.s32 @!p1 $0x0  }
0x14: {  	s2 =	sld [smem:$0x3F9A];
	s0 =	simm.s32 @p1 $0x1  }
0x15: {  	[smem:$0x3FB7] =	sst s0;
	s0 =	simm.s32 @!p2 $0x0  }
0x16: {  	s3 =	sld [smem:$0x3FDB];
	s0 =	simm.s32 @p2 $0x1  }
0x17: {  	s4 =	simm.s32 $0x1BF5;
	[smem:$0x3FB9] =	sst s0  }
0x18: {  	s0 =	sld [smem:$0x3F9C];
	_ =	swait.ge [sflag:s4], $0x0  }
0x19: {  	s7 =	sld [smem:$0x3F9D]  }
0x1a: {  	s8 =	sadd.s32 $0xFFFFE003, lr  }
0x1b: {  	s9 =	sadd.s32 $0xFFFFFEF7, lr;
	s5 =	simm.s32 $0xFFFFFFFF;
	p2 =	slt.u32 s8, $0xFFFFF086  }
0x1c: {  	p1 =	slt.u32 s9, $0xF7A;
	s5 =	simm.s32 @!p2 $0x0  }
0x1d: {  	s5 =	simm.s32 @p1 $0x1;
	p0 =	seq.s32 s7, s2  }
0x1e: {  	s7 =	smul.u32 @!p0 $0xF7A, s2;
	p2 =	seq.s32 @!p0 s5, $0x0  }
0x1f: {  	s9 =	smul.u32 $0xF7A, s1;
	s8 =	simm.s32 @!p0 $0x1BF5;
	p2 =	por !p2, p0  }
0x20: {  	[sflag:s8] =	ssyncset.s32 @!p0 $0xFFFFF086;
	s6 =	sadd.s32 @!p0 s3, s7;
	s7 =	simm.s32 @!p0 $0x108  }
0x21: {  	s3 =	sadd.s32 s3, s9;
	s6 =	sadd.s32 @!p0 $0x88, s6;
	s7 =	simm.s32 @p2 $0x1082  }
0x22: {  	[simem:s7], [sflag:s8] =	dma.local @!p0 [hbm:s6], $0xF7A  }
0x23: {  	s9 =	sor.u32 $0xD0000000, s2;
	s6 =	simm.s32 $0x108;
	_ =	swait.ge @!p0 [sflag:s8], $0x0  }
0x24: {  	s3 =	sadd.s32 $0x88, s3;
	s6 =	simm.s32 @!p1 $0x1082;
	[sflag:s4] =	ssyncset.s32 $0xFFFFF086  }
0x25: {  	[simem:s6], [sflag:s4] =	dma.local [hbm:s3], $0xF7A  }
0x26: {  	[smem:$0x3F9D] =	sst s1;
	(tag) =	ssettag s2;
	_ =	strace s9  }
0x27: {  	s1 =	sld [smem:$0x3FAD]  }
0x28: {  	s2 =	sld [smem:$0x3FAE]  }
0x29: {  	s4 =	sld [smem:$0x3FB0]  }
0x2a: {  	p0 =	seq.s32 s5, $0x0;
	s5 =	sld [smem:$0x3FB1]  }
0x2b: {  	s6 =	sld [smem:$0x3FB2]  }
0x2c: {  	s7 =	sld [smem:$0x3FB3]  }
0x2d: {  	s3 =	simm.s32 $0x108;
	s8 =	sld [smem:$0x3FB4]  }
0x2e: {  	s3 =	simm.s32 @!p0 $0x1082;
	s9 =	sld [smem:$0x3FB5]  }
0x2f: {  	lr =	sadd.s32 s0, s3;
	s0 =	sld [smem:$0x3FAC]  }
0x30: {  	s3 =	sld [smem:$0x3FAF]  }
0x31: {  	[smem:$0x3FB8] =	sst s10  }
0x32: {  	s10 =	sld [smem:$0x3FB6];
	_ =	sdelay $0x3  }
0x33: {  	p0 =	seq.s32 s10, $0x1;
	s10 =	sld [smem:$0x3FB8];
	_ =	sdelay $0x3  }
0x34: {  	[smem:$0x3FB8] =	sst s10  }
0x35: {  	s10 =	sld [smem:$0x3FB7];
	_ =	sdelay $0x3  }
0x36: {  	p1 =	seq.s32 s10, $0x1;
	s10 =	sld [smem:$0x3FB8];
	_ =	sdelay $0x3  }
0x37: {  	[smem:$0x3FB8] =	sst s10  }
0x38: {  	s10 =	sld [smem:$0x3FB9]  }
0x39: {  	_ = 	snop;
	(pc) =	sbr.ind lr, $3  }
0x3a: {  	_ = 	snop  }
0x3b: {  	_ = 	snop  }
0x3c: {  	p2 =	seq.s32 s10, $0x1;
	s10 =	sld [smem:$0x3FB8]  }
0x3d: {  	_ =	shalt  }
0x3e: {  	_ =	shalt  }
0x3f: {  	_ =	shalt  }
0x40: {  	_ =	shalt  }
0x41: {  	_ =	shalt  }
0x42: {  	_ =	shalt  }
0x43: {  	_ =	shalt  }
0x44: {  	_ =	shalt  }
0x45: {  	_ =	shalt  }
0x46: {  	_ =	shalt  }
0x47: {  	_ =	shalt  }
0x48: {  	_ =	shalt  }
0x49: {  	_ =	shalt  }
0x4a: {  	_ =	shalt  }
0x4b: {  	_ =	shalt  }
0x4c: {  	_ =	shalt  }
0x4d: {  	_ =	shalt  }
0x4e: {  	_ =	shalt  }
0x4f: {  	_ =	shalt  }
0x50: {  	_ =	shalt  }
0x51: {  	_ =	shalt  }
0x52: {  	_ =	shalt  }
0x53: {  	_ =	shalt  }
0x54: {  	_ =	shalt  }
0x55: {  	_ =	shalt  }
0x56: {  	_ =	shalt  }
0x57: {  	_ =	shalt  }
0x58: {  	_ =	shalt  }
0x59: {  	_ =	shalt  }
0x5a: {  	_ =	shalt  }
0x5b: {  	_ =	shalt  }
0x5c: {  	_ =	shalt  }
0x5d: {  	_ =	shalt  }
0x5e: {  	_ =	shalt  }
0x5f: {  	_ =	shalt  }
0x60: {  	_ =	shalt  }
0x61: {  	_ =	shalt  }
0x62: {  	_ =	shalt  }
0x63: {  	_ =	shalt  }
0x64: {  	_ =	shalt  }
0x65: {  	_ =	shalt  }
0x66: {  	_ =	shalt  }
0x67: {  	_ =	shalt  }
0x68: {  	_ =	shalt  }
0x69: {  	_ =	shalt  }
0x6a: {  	_ =	shalt  }
0x6b: {  	_ =	shalt  }
0x6c: {  	_ =	shalt  }
0x6d: {  	_ =	shalt  }
0x6e: {  	_ =	shalt  }
0x6f: {  	_ =	shalt  }
0x70: {  	_ =	shalt  }
0x71: {  	_ =	shalt  }
0x72: {  	_ =	shalt  }
0x73: {  	_ =	shalt  }
0x74: {  	_ =	shalt  }
0x75: {  	_ =	shalt  }
0x76: {  	_ =	shalt  }
0x77: {  	_ =	shalt  }
0x78: {  	_ =	shalt  }
0x79: {  	_ =	shalt  }
0x7a: {  	_ =	shalt  }
0x7b: {  	_ =	shalt  }
0x7c: {  	_ =	shalt  }
0x7d: {  	_ =	shalt  }
0x7e: {  	_ =	shalt  }
0x7f: {  	_ =	shalt  }
0x80: {  	_ =	shalt  }
0x81: {  	_ =	shalt  }
0x82: {  	_ =	shalt  }
0x83: {  	_ =	shalt  }
0x84: {  	_ =	shalt  }
0x85: {  	_ =	shalt  }
0x86: {  	_ =	shalt  }
0x87: {  	_ =	shalt  }
.Lfunc_end0:
.L_simem_size_0:
called_computation_lowered:
.L_overlay_start_0:
0x88: {  	s2 =	sld [smem:$0x3FD9]  }
0x89: {  	s3 =	sld [smem:$0x3FFE];
	_ =	sdelay $0x1  }
0x8a: {  	s1 =	srdreg.scid  }
0x8b: {  	s0 =	sand.u32 $0x1, s1  }
0x8c: {  	s17 =	sshll.u32 s0, $0xA;
	s2 =	sadd.s32 s3, s2  }
0x8d: {  	s2 =	sadd.s32 s2, s17  }
0x8e: {  	[smem:$0x3FC4] =	sst s2  }
0x8f: {  	_ = 	snop  }
0x90: {  	s2 =	sld [smem:$0x3FD0];
	(tm) =	ssettm $0x1  }
0x91: {  	s18 =	sld [smem:$0x3FFB];
	_ =	sdelay $0x3  }
0x92: {  	_ =	strace s18  }
0x93: {  	s3 =	sld [smem:$0x3FFC];
	_ =	sdelay $0x3  }
0x94: {  	_ =	strace s3  }
0x95: {  	s3 =	sld [smem:$0x3FFD];
	_ =	sdelay $0x3  }
0x96: {  	_ =	strace s3  }
0x97: {  	_ =	strace $0x8FFFFFFF  }
0x98: {  	s19 =	sld [smem:$0x3FDB];
	_ =	sdelay $0x1  }
0x99: {  	s4 =	simm.s32 $_scs_section_size  }
0x9a: {  	s5 =	simm.s32 $_size__tile_overlayer_lowered;
	s6 =	simm.s32 $_tile_overlayer_lowered  }
0x9b: {  	s22 =	simm.s32 $0x1BFF;
	s21 =	sshll.u32 s6, $0x1;
	s3 =	sadd.s32 s4, s19  }
0x9c: {  	s7 =	simm.s32 $0x0;
	s20 =	sshll.u32 s5, $0x1;
	s5 =	sadd.s32 s21, s3  }
0x9d: {  	[timem:s7], [sflag:s22] =	dma.local [hbm:s5], s20  }
0x9e: {  	_ =	swait.ge [sflag:s22], s20  }
0x9f: {  	s4 =	ssub.s32 $0x0, s20;
	[sflag:s22] =	ssyncset.done $0x0  }
0xa0: {  	[sflag:s22] =	ssyncadd.s32 s4;
	_ =	sdelay $0x1  }
0xa1: {  	s23 =	simm.s32 $0x1B8B  }
0xa2: {  	_ =	swait.ge [sflag:s23], $0x1  }
0xa3: {  	[sflag:s23] =	ssyncset.done $0x0  }
0xa4: {  	s25 =	simm.s32 $0x1B8E;
	s24 =	sld [smem:$0x3FFE];
	[sflag:s23] =	ssyncadd.s32 $0xFFFFFFFF  }
0xa5: {  	s26 =	simm.s32 $execute0_lowered;
	[smem:$0x3FD2] =	sst s25  }
0xa6: {  	s5 =	sshll.u32 s26, $0x1;
	_ =	strace $0x80000046;
	[dreg:$0x1] =	wrdreg $0xFFFFFFFF  }
0xa7: {  	s28 =	simm.s32 $_size_execute0_lowered;
	s3 =	sadd.s32 s3, s5;
	[dreg:$0x0] =	wrdreg $0x0  }
0xa8: {  	s5 =	sshll.u32 s28, $0x1;
	[dreg:$0x2] =	wrdreg s3  }
0xa9: {  	[dreg:$0x3] =	wrdreg s5  }
0xaa: {  	[dreg:$0x4] =	wrdreg $0xC0  }
0xab: {  	_ =	task [dreg:s7], $0x5FFFF  }
0xac: {  	[dreg:$0x1] =	wrdreg $0xFFFFFFFF  }
0xad: {  	[dreg:$0x0] =	wrdreg $0x60  }
0xae: {  	[dreg:$0x2] =	wrdreg s24  }
0xaf: {  	[dreg:$0x3] =	wrdreg s2  }
0xb0: {  	[dreg:$0x4] =	wrdreg $0x41000  }
0xb1: {  	[dreg:$0x5] =	wrdreg $0x9  }
0xb2: {  	_ =	task.clear_ibuf [dreg:s7], $0x6FFFF;
	_ =	strace $0x90000046  }
0xb3: {  	s29 =	simm.s32 $0x9;
	_ =	strace $0x80000048  }
0xb4: {  	_ =	swait.ge [sflag:s29], $0x1  }
0xb5: {  	[sflag:s29] =	ssyncadd.s32 $0xFFFFFFFF  }
0xb6: {  	_ =	strace $0x90000048  }
0xb7: {  	_ =	sfence  }
0xb8: {  	s30 =	sld [smem:$0x0];
	_ =	sdelay $0x2  }
0xb9: {  	s31 =	sshll.u32 s1, $0xD;
	s1 =	sshrl.u32 s1, $0x2  }
0xba: {  	s3 =	sand.u32 $0x4000, s31;
	s1 =	sadd.s32 s1, s30  }
0xbb: {  	s0 =	sor.u32 s3, s0;
	s1 =	sshll.u32 s1, $0x11  }
0xbc: {  	s0 =	sor.u32 s1, s0  }
0xbd: {  	s0 =	sadd.s32 $0x8F2B, s0  }
0xbe: {  	[sflag:s0] =	ssyncadd.remote.s32 $0x1  }
0xbf: {  	_ =	sfence.sel $0xFFFF  }
0xc0: {  	[dreg:$0x0] =	wrdreg $0xFFFFFFFF;
	(pc) =	sbr.abs _section_cstart, $3  }
0xc1: {  	[dreg:$0x1] =	wrdreg $0xFFFFFFFF  }
0xc2: {  	_ =	task.clear_ibuf [dreg:s7], $0x2FFFF;
	_ =	strace $0x9FFFFFFF  }
0xc3: {  	(tm) =	ssettm $0x7FFFFFFF  }
tec
execute0_lowered:
.L_overlay_start_1:
0x0: {  	(tag) =	ssettag $0x1  }
0x1: {  	s0 =	rddreg [dreg:$0x0]  }
0x2: {  	s1 =	rddreg [dreg:$0x1]  }
0x3: {  	[dreg:$0x4] =	wrdreg s1  }
0x4: {  	s2 =	simm.s32 $0x0;
	s8 =	stileid.u32;
	s1 =	rddreg [dreg:$0x2]  }
0x5: {  	[smem:$0x7FF] =	sst s2;
	s3 =	sadd.s32 $0x5800, s0;
	p0 =	sne.s32 s8, $0x0  }
0x6: {  	_ =	strace $0x80000047;
	[dreg:$0x5] =	wrdreg s3;
	s3 =	simm.s32 @!p0 $0x1  }
0x7: {  	s4 =	sshrl.u32 @!p0 s1, $0x3;
	s5 =	simm.s32 @!p0 $0x1C01;
	s6 =	rddreg [dreg:$0x5]  }
0x8: {  	[spmem:s4], [sflag:s5] =	dma.local @!p0 [hbm:s6], $0x20100  }
0x9: {  	s25 =	srdreg.scid;
	_ =	swait.ge @!p0 [sflag:s3], $0x20100  }
0xa: {  	s7 =	simm.s32 $0x1;
	s30 =	sand.u32 $0x1, s25;
	[sflag:s3] =	ssyncset.done @!p0 $0x0  }
0xb: {  	s6 =	simm.s32 $0x100;
	s9 =	rddreg [dreg:$0x4];
	[sflag:s3] =	ssyncadd.s32 @!p0 $0xFFFDFF00  }
0xc: {  	[tilespmem:s6], [sflag:$0x1] =	stream.linear.gather [hbm4b:s9+s2], $0x4000, $0x38;
	[tilespmem:$0x14180] =	vst v63  }
0xd: {  	s8 =	sshll.u32 s8, $0x8;
	s26 =	sshll.u32 s30, $0xC;
	_ =	swait.ge [sflag:s7], $0x4000  }
0xe: {  	s8 =	sor.u32 s8, s26;
	[sflag:s7] =	ssyncset.done $0x0  }
0xf: {  	s29 =	sadd.s32 s8, s0;
	[sflag:s7] =	ssyncadd.s32 $0xFFFFC000  }
0x10: {  	s8 =	sadd.s32 $0x1800, s29;
	[bflag:$0x0] =	sbarrier.arrive $0xFFFF  }
0x11: {  	[tilespmem:s2], [sflag:$0x1] =	stream.linear.gather [hbm4b:s8+s2], $0x80, $0x38;
	[tilespmem:$0x14180] =	vst v63  }
0x12: {  	_ =	swait.ge [sflag:s7], $0x80  }
0x13: {  	[sflag:s7] =	ssyncset.done $0x0  }
0x14: {  	s10 =	simm.s32 $0x80;
	s9 =	sadd.s32 $0x1880, s29;
	[sflag:s7] =	ssyncadd.s32 $0xFFFFFF80  }
0x15: {  	[tilespmem:s10], [sflag:$0x1] =	stream.linear.gather [hbm4b:s9+s2], $0x80, $0x38;
	[tilespmem:$0x14180] =	vst v63  }
0x16: {  	_ =	swait.ge [sflag:s7], $0x80  }
0x17: {  	[sflag:s7] =	ssyncset.done $0x0  }
0x18: {  	[sflag:s7] =	ssyncadd.s32 $0xFFFFFF80  }
0x19: {  	[spmem:s1] =	stream.indirect.scatter.add.f32 [tilespmem:s6], [sflag:$0x1], $0x80, s2, s10, $0xb8;
	[tilespmem:$0x14180] =	vst v63  }
0x1a: {  	_ =	swait.ge [sflag:s7], $0x4000  }
0x1b: {  	[sflag:s7] =	ssyncset.done $0x0  }
0x1c: {  	[sflag:s7] =	ssyncadd.s32 $0xFFFFC000  }
0x1d: {  	[spmem:s1] =	stream.indirect.scatter.add.f32 [tilespmem:s6], [sflag:$0x1], $0x80, s10, s10, $0xb8;
	[tilespmem:$0x14180] =	vst v63  }
0x1e: {  	_ =	swait.ge [sflag:s7], $0x4000  }
0x1f: {  	[sflag:s7] =	ssyncset.done $0x0  }
0x20: {  	s11 =	sadd.s32 $0x1810, s29;
	[sflag:s7] =	ssyncadd.s32 $0xFFFFC000  }
0x21: {  	[tilespmem:s2], [sflag:$0x1] =	stream.linear.gather [hbm4b:s11+s2], $0x80, $0x38;
	[tilespmem:$0x14180] =	vst v63  }
0x22: {  	_ =	swait.ge [sflag:s7], $0x80  }
0x23: {  	[sflag:s7] =	ssyncset.done $0x0  }
0x24: {  	s12 =	sadd.s32 $0x1890, s29;
	[sflag:s7] =	ssyncadd.s32 $0xFFFFFF80  }
0x25: {  	[tilespmem:s10], [sflag:$0x1] =	stream.linear.gather [hbm4b:s12+s2], $0x80, $0x38;
	[tilespmem:$0x14180] =	vst v63  }
0x26: {  	_ =	swait.ge [sflag:s7], $0x80  }
0x27: {  	[sflag:s7] =	ssyncset.done $0x0  }
0x28: {  	[sflag:s7] =	ssyncadd.s32 $0xFFFFFF80  }
0x29: {  	[spmem:s1] =	stream.indirect.scatter.add.f32 [tilespmem:s6], [sflag:$0x1], $0x80, s2, s10, $0xb8;
	[tilespmem:$0x14180] =	vst v63  }
0x2a: {  	_ =	swait.ge [sflag:s7], $0x4000  }
0x2b: {  	[sflag:s7] =	ssyncset.done $0x0  }
0x2c: {  	[sflag:s7] =	ssyncadd.s32 $0xFFFFC000  }
0x2d: {  	[spmem:s1] =	stream.indirect.scatter.add.f32 [tilespmem:s6], [sflag:$0x1], $0x80, s10, s10, $0xb8;
	[tilespmem:$0x14180] =	vst v63  }
0x2e: {  	_ =	swait.ge [sflag:s7], $0x4000  }
0x2f: {  	[sflag:s7] =	ssyncset.done $0x0  }
0x30: {  	s13 =	sadd.s32 $0x1820, s29;
	[sflag:s7] =	ssyncadd.s32 $0xFFFFC000  }
0x31: {  	[tilespmem:s2], [sflag:$0x1] =	stream.linear.gather [hbm4b:s13+s2], $0x80, $0x38;
	[tilespmem:$0x14180] =	vst v63  }
0x32: {  	_ =	swait.ge [sflag:s7], $0x80  }
0x33: {  	[sflag:s7] =	ssyncset.done $0x0  }
0x34: {  	s14 =	sadd.s32 $0x18A0, s29;
	[sflag:s7] =	ssyncadd.s32 $0xFFFFFF80  }
0x35: {  	[tilespmem:s10], [sflag:$0x1] =	stream.linear.gather [hbm4b:s14+s2], $0x80, $0x38;
	[tilespmem:$0x14180] =	vst v63  }
0x36: {  	_ =	swait.ge [sflag:s7], $0x80  }
0x37: {  	[sflag:s7] =	ssyncset.done $0x0  }
0x38: {  	[sflag:s7] =	ssyncadd.s32 $0xFFFFFF80  }
0x39: {  	[spmem:s1] =	stream.indirect.scatter.add.f32 [tilespmem:s6], [sflag:$0x1], $0x80, s2, s10, $0xb8;
	[tilespmem:$0x14180] =	vst v63  }
0x3a: {  	_ =	swait.ge [sflag:s7], $0x4000  }
0x3b: {  	[sflag:s7] =	ssyncset.done $0x0  }
0x3c: {  	[sflag:s7] =	ssyncadd.s32 $0xFFFFC000  }
0x3d: {  	[spmem:s1] =	stream.indirect.scatter.add.f32 [tilespmem:s6], [sflag:$0x1], $0x80, s10, s10, $0xb8;
	[tilespmem:$0x14180] =	vst v63  }
0x3e: {  	_ =	swait.ge [sflag:s7], $0x4000  }
0x3f: {  	[sflag:s7] =	ssyncset.done $0x0  }
0x40: {  	s15 =	sadd.s32 $0x1830, s29;
	[sflag:s7] =	ssyncadd.s32 $0xFFFFC000  }
0x41: {  	[tilespmem:s2], [sflag:$0x1] =	stream.linear.gather [hbm4b:s15+s2], $0x80, $0x38;
	[tilespmem:$0x14180] =	vst v63  }
0x42: {  	_ =	swait.ge [sflag:s7], $0x80  }
0x43: {  	[sflag:s7] =	ssyncset.done $0x0  }
0x44: {  	s16 =	sadd.s32 $0x18B0, s29;
	[sflag:s7] =	ssyncadd.s32 $0xFFFFFF80  }
0x45: {  	[tilespmem:s10], [sflag:$0x1] =	stream.linear.gather [hbm4b:s16+s2], $0x80, $0x38;
	[tilespmem:$0x14180] =	vst v63  }
0x46: {  	_ =	swait.ge [sflag:s7], $0x80  }
0x47: {  	[sflag:s7] =	ssyncset.done $0x0  }
0x48: {  	[sflag:s7] =	ssyncadd.s32 $0xFFFFFF80  }
0x49: {  	[spmem:s1] =	stream.indirect.scatter.add.f32 [tilespmem:s6], [sflag:$0x1], $0x80, s2, s10, $0xb8;
	[tilespmem:$0x14180] =	vst v63  }
0x4a: {  	_ =	swait.ge [sflag:s7], $0x4000  }
0x4b: {  	[sflag:s7] =	ssyncset.done $0x0  }
0x4c: {  	[sflag:s7] =	ssyncadd.s32 $0xFFFFC000  }
0x4d: {  	[spmem:s1] =	stream.indirect.scatter.add.f32 [tilespmem:s6], [sflag:$0x1], $0x80, s10, s10, $0xb8;
	[tilespmem:$0x14180] =	vst v63  }
0x4e: {  	_ =	swait.ge [sflag:s7], $0x4000  }
0x4f: {  	[sflag:s7] =	ssyncset.done $0x0  }
0x50: {  	s17 =	sadd.s32 $0x1840, s29;
	[sflag:s7] =	ssyncadd.s32 $0xFFFFC000  }
0x51: {  	[tilespmem:s2], [sflag:$0x1] =	stream.linear.gather [hbm4b:s17+s2], $0x80, $0x38;
	[tilespmem:$0x14180] =	vst v63  }
0x52: {  	_ =	swait.ge [sflag:s7], $0x80  }
0x53: {  	[sflag:s7] =	ssyncset.done $0x0  }
0x54: {  	s18 =	sadd.s32 $0x18C0, s29;
	[sflag:s7] =	ssyncadd.s32 $0xFFFFFF80  }
0x55: {  	[tilespmem:s10], [sflag:$0x1] =	stream.linear.gather [hbm4b:s18+s2], $0x80, $0x38;
	[tilespmem:$0x14180] =	vst v63  }
0x56: {  	_ =	swait.ge [sflag:s7], $0x80  }
0x57: {  	[sflag:s7] =	ssyncset.done $0x0  }
0x58: {  	[sflag:s7] =	ssyncadd.s32 $0xFFFFFF80  }
0x59: {  	[spmem:s1] =	stream.indirect.scatter.add.f32 [tilespmem:s6], [sflag:$0x1], $0x80, s2, s10, $0xb8;
	[tilespmem:$0x14180] =	vst v63  }
0x5a: {  	_ =	swait.ge [sflag:s7], $0x4000  }
0x5b: {  	[sflag:s7] =	ssyncset.done $0x0  }
0x5c: {  	[sflag:s7] =	ssyncadd.s32 $0xFFFFC000  }
0x5d: {  	[spmem:s1] =	stream.indirect.scatter.add.f32 [tilespmem:s6], [sflag:$0x1], $0x80, s10, s10, $0xb8;
	[tilespmem:$0x14180] =	vst v63  }
0x5e: {  	_ =	swait.ge [sflag:s7], $0x4000  }
0x5f: {  	[sflag:s7] =	ssyncset.done $0x0  }
0x60: {  	s19 =	sadd.s32 $0x1850, s29;
	[sflag:s7] =	ssyncadd.s32 $0xFFFFC000  }
0x61: {  	[tilespmem:s2], [sflag:$0x1] =	stream.linear.gather [hbm4b:s19+s2], $0x80, $0x38;
	[tilespmem:$0x14180] =	vst v63  }
0x62: {  	_ =	swait.ge [sflag:s7], $0x80  }
0x63: {  	[sflag:s7] =	ssyncset.done $0x0  }
0x64: {  	s20 =	sadd.s32 $0x18D0, s29;
	[sflag:s7] =	ssyncadd.s32 $0xFFFFFF80  }
0x65: {  	[tilespmem:s10], [sflag:$0x1] =	stream.linear.gather [hbm4b:s20+s2], $0x80, $0x38;
	[tilespmem:$0x14180] =	vst v63  }
0x66: {  	_ =	swait.ge [sflag:s7], $0x80  }
0x67: {  	[sflag:s7] =	ssyncset.done $0x0  }
0x68: {  	[sflag:s7] =	ssyncadd.s32 $0xFFFFFF80  }
0x69: {  	[spmem:s1] =	stream.indirect.scatter.add.f32 [tilespmem:s6], [sflag:$0x1], $0x80, s2, s10, $0xb8;
	[tilespmem:$0x14180] =	vst v63  }
0x6a: {  	_ =	swait.ge [sflag:s7], $0x4000  }
0x6b: {  	[sflag:s7] =	ssyncset.done $0x0  }
0x6c: {  	[sflag:s7] =	ssyncadd.s32 $0xFFFFC000  }
0x6d: {  	[spmem:s1] =	stream.indirect.scatter.add.f32 [tilespmem:s6], [sflag:$0x1], $0x80, s10, s10, $0xb8;
	[tilespmem:$0x14180] =	vst v63  }
0x6e: {  	_ =	swait.ge [sflag:s7], $0x4000  }
0x6f: {  	[sflag:s7] =	ssyncset.done $0x0  }
0x70: {  	s21 =	sadd.s32 $0x1860, s29;
	[sflag:s7] =	ssyncadd.s32 $0xFFFFC000  }
0x71: {  	[tilespmem:s2], [sflag:$0x1] =	stream.linear.gather [hbm4b:s21+s2], $0x80, $0x38;
	[tilespmem:$0x14180] =	vst v63  }
0x72: {  	_ =	swait.ge [sflag:s7], $0x80  }
0x73: {  	[sflag:s7] =	ssyncset.done $0x0  }
0x74: {  	s22 =	sadd.s32 $0x18E0, s29;
	[sflag:s7] =	ssyncadd.s32 $0xFFFFFF80  }
0x75: {  	[tilespmem:s10], [sflag:$0x1] =	stream.linear.gather [hbm4b:s22+s2], $0x80, $0x38;
	[tilespmem:$0x14180] =	vst v63  }
0x76: {  	_ =	swait.ge [sflag:s7], $0x80  }
0x77: {  	[sflag:s7] =	ssyncset.done $0x0  }
0x78: {  	[sflag:s7] =	ssyncadd.s32 $0xFFFFFF80  }
0x79: {  	[spmem:s1] =	stream.indirect.scatter.add.f32 [tilespmem:s6], [sflag:$0x1], $0x80, s2, s10, $0xb8;
	[tilespmem:$0x14180] =	vst v63  }
0x7a: {  	_ =	swait.ge [sflag:s7], $0x4000  }
0x7b: {  	[sflag:s7] =	ssyncset.done $0x0  }
0x7c: {  	[sflag:s7] =	ssyncadd.s32 $0xFFFFC000  }
0x7d: {  	[spmem:s1] =	stream.indirect.scatter.add.f32 [tilespmem:s6], [sflag:$0x1], $0x80, s10, s10, $0xb8;
	[tilespmem:$0x14180] =	vst v63  }
0x7e: {  	_ =	swait.ge [sflag:s7], $0x4000  }
0x7f: {  	[sflag:s7] =	ssyncset.done $0x0  }
0x80: {  	s23 =	sadd.s32 $0x1870, s29;
	[sflag:s7] =	ssyncadd.s32 $0xFFFFC000  }
0x81: {  	[tilespmem:s2], [sflag:$0x1] =	stream.linear.gather [hbm4b:s23+s2], $0x80, $0x38;
	[tilespmem:$0x14180] =	vst v63  }
0x82: {  	_ =	swait.ge [sflag:s7], $0x80  }
0x83: {  	[sflag:s7] =	ssyncset.done $0x0  }
0x84: {  	s24 =	sadd.s32 $0x18F0, s29;
	[sflag:s7] =	ssyncadd.s32 $0xFFFFFF80  }
0x85: {  	[tilespmem:s10], [sflag:$0x1] =	stream.linear.gather [hbm4b:s24+s2], $0x80, $0x38;
	[tilespmem:$0x14180] =	vst v63  }
0x86: {  	_ =	swait.ge [sflag:s7], $0x80  }
0x87: {  	[sflag:s7] =	ssyncset.done $0x0  }
0x88: {  	[sflag:s7] =	ssyncadd.s32 $0xFFFFFF80  }
0x89: {  	[spmem:s1] =	stream.indirect.scatter.add.f32 [tilespmem:s6], [sflag:$0x1], $0x80, s2, s10, $0xb8;
	[tilespmem:$0x14180] =	vst v63  }
0x8a: {  	_ =	swait.ge [sflag:s7], $0x4000  }
0x8b: {  	[sflag:s7] =	ssyncset.done $0x0  }
0x8c: {  	[sflag:s7] =	ssyncadd.s32 $0xFFFFC000  }
0x8d: {  	[spmem:s1] =	stream.indirect.scatter.add.f32 [tilespmem:s6], [sflag:$0x1], $0x80, s10, s10, $0xb8;
	[tilespmem:$0x14180] =	vst v63  }
0x8e: {  	_ =	swait.ge [sflag:s7], $0x4000  }
0x8f: {  	[sflag:s7] =	ssyncset.done $0x0  }
0x90: {  	s25 =	sadd.s32 $0x3800, s29;
	[sflag:s7] =	ssyncadd.s32 $0xFFFFC000  }
0x91: {  	[tilespmem:s2], [sflag:$0x1] =	stream.linear.gather [hbm4b:s25+s2], $0x80, $0x38;
	[tilespmem:$0x14180] =	vst v63  }
0x92: {  	_ =	swait.ge [sflag:s7], $0x80  }
0x93: {  	[sflag:s7] =	ssyncset.done $0x0  }
0x94: {  	s26 =	sadd.s32 $0x3880, s29;
	[sflag:s7] =	ssyncadd.s32 $0xFFFFFF80  }
0x95: {  	[tilespmem:s10], [sflag:$0x1] =	stream.linear.gather [hbm4b:s26+s2], $0x80, $0x38;
	[tilespmem:$0x14180] =	vst v63  }
0x96: {  	_ =	swait.ge [sflag:s7], $0x80  }
0x97: {  	[sflag:s7] =	ssyncset.done $0x0  }
0x98: {  	[sflag:s7] =	ssyncadd.s32 $0xFFFFFF80  }
0x99: {  	[spmem:s1] =	stream.indirect.scatter.add.f32 [tilespmem:s6], [sflag:$0x1], $0x80, s2, s10, $0xb8;
	[tilespmem:$0x14180] =	vst v63  }
0x9a: {  	_ =	swait.ge [sflag:s7], $0x4000  }
0x9b: {  	[sflag:s7] =	ssyncset.done $0x0  }
0x9c: {  	[sflag:s7] =	ssyncadd.s32 $0xFFFFC000  }
0x9d: {  	[spmem:s1] =	stream.indirect.scatter.add.f32 [tilespmem:s6], [sflag:$0x1], $0x80, s10, s10, $0xb8;
	[tilespmem:$0x14180] =	vst v63  }
0x9e: {  	_ =	swait.ge [sflag:s7], $0x4000  }
0x9f: {  	[sflag:s7] =	ssyncset.done $0x0  }
0xa0: {  	s28 =	sadd.s32 $0x3810, s29;
	[sflag:s7] =	ssyncadd.s32 $0xFFFFC000  }
0xa1: {  	[tilespmem:s2], [sflag:$0x1] =	stream.linear.gather [hbm4b:s28+s2], $0x80, $0x38;
	[tilespmem:$0x14180] =	vst v63  }
0xa2: {  	_ =	swait.ge [sflag:s7], $0x80  }
0xa3: {  	[sflag:s7] =	ssyncset.done $0x0  }
0xa4: {  	s29 =	sadd.s32 $0x3890, s29;
	[sflag:s7] =	ssyncadd.s32 $0xFFFFFF80  }
0xa5: {  	[tilespmem:s10], [sflag:$0x1] =	stream.linear.gather [hbm4b:s29+s2], $0x80, $0x38;
	[tilespmem:$0x14180] =	vst v63  }
0xa6: {  	_ =	swait.ge [sflag:s7], $0x80  }
0xa7: {  	[sflag:s7] =	ssyncset.done $0x0  }
0xa8: {  	[sflag:s7] =	ssyncadd.s32 $0xFFFFFF80  }
0xa9: {  	[spmem:s1] =	stream.indirect.scatter.add.f32 [tilespmem:s6], [sflag:$0x1], $0x80, s2, s10, $0xb8;
	[tilespmem:$0x14180] =	vst v63  }
0xaa: {  	_ =	swait.ge [sflag:s7], $0x4000  }
0xab: {  	[sflag:s7] =	ssyncset.done $0x0  }
0xac: {  	s31 =	ssub.s32 $0x2, s30;
	[sflag:s7] =	ssyncadd.s32 $0xFFFFC000  }
0xad: {  	[spmem:s1] =	stream.indirect.scatter.add.f32 [tilespmem:s6], [sflag:$0x1], $0x80, s10, s10, $0xb8;
	[tilespmem:$0x14180] =	vst v63  }
0xae: {  	s0 =	sshrl.u32 s31, $0x1;
	_ =	swait.ge [sflag:s7], $0x4000  }
0xaf: {  	s30 =	smul.u32 $0x20100, s30;
	s0 =	ssub.s32 s31, s0;
	[sflag:s7] =	ssyncset.done $0x0  }
0xb0: {  	s0 =	smax.u32 s0, $0x1;
	s31 =	rddreg [dreg:$0x0]  }
0xb1: {  	s30 =	sadd.s32 s30, s31;
	s31 =	sadd.s32 $0xFFFFFFFF, s0  }
0xb2: {  	p1 =	sne.s32 s31, $0x0  }
.Ltmp0:
0xb3: {  	_ = 	snop;
	(pc) =	sbr.rel @!p1 .LBB2_1-.Ltmp0, $4  }
0xb4: {  	[sflag:s7] =	ssyncadd.s32 $0xFFFFC000  }
0xb5: {  	[bflag:$0x0] =	sbarrier.arrive $0xFFFF;
	s30 =	sadd.s32 $0x25A00, s30  }
0xb6: {  	[hbm:s30], [sflag:s5] =	dma.local @!p0 [spmem:s4], $0x20100  }
0xb7: {  	s0 =	simm.s32 @!p0 $0x1;
	_ =	swait.ge @!p0 [sflag:s3], $0x20100  }
.LBB2_2:
0xb8: {  	[sflag:s0] =	ssyncset.done @!p0 $0x0  }
0xb9: {  	s3 =	rddreg [dreg:$0x5];
	[sflag:s0] =	ssyncadd.s32 @!p0 $0xFFFDFF00  }
0xba: {  	[spmem:s4], [sflag:s5] =	dma.local @!p0 [hbm:s3], $0x20100  }
0xbb: {  	s3 =	simm.s32 @!p0 $0x1  }
0xbc: {  	_ =	swait.ge @!p0 [sflag:s3], $0x20100;
	s0 =	smov.u32 s3  }
0xbd: {  	[sflag:s0] =	ssyncset.done @!p0 $0x0  }
0xbe: {  	s3 =	rddreg [dreg:$0x4];
	[sflag:s0] =	ssyncadd.s32 @!p0 $0xFFFDFF00  }
0xbf: {  	[tilespmem:s6], [sflag:$0x1] =	stream.linear.gather [hbm4b:s3+s2], $0x4000, $0x38;
	[tilespmem:$0x14180] =	vst v63  }
0xc0: {  	_ =	swait.ge [sflag:s7], $0x4000  }
0xc1: {  	[sflag:s7] =	ssyncset.done $0x0  }
0xc2: {  	[sflag:s7] =	ssyncadd.s32 $0xFFFFC000  }
0xc3: {  	[bflag:$0x0] =	sbarrier.arrive $0xFFFF  }
0xc4: {  	[tilespmem:s2], [sflag:$0x1] =	stream.linear.gather [hbm4b:s8+s2], $0x80, $0x38;
	[tilespmem:$0x14180] =	vst v63  }
0xc5: {  	_ =	swait.ge [sflag:s7], $0x80  }
0xc6: {  	[sflag:s7] =	ssyncset.done $0x0  }
0xc7: {  	[sflag:s7] =	ssyncadd.s32 $0xFFFFFF80  }
0xc8: {  	[tilespmem:s10], [sflag:$0x1] =	stream.linear.gather [hbm4b:s9+s2], $0x80, $0x38;
	[tilespmem:$0x14180] =	vst v63  }
0xc9: {  	_ =	swait.ge [sflag:s7], $0x80  }
0xca: {  	[sflag:s7] =	ssyncset.done $0x0  }
0xcb: {  	[sflag:s7] =	ssyncadd.s32 $0xFFFFFF80  }
0xcc: {  	[spmem:s1] =	stream.indirect.scatter.add.f32 [tilespmem:s6], [sflag:$0x1], $0x80, s2, s10, $0xb8;
	[tilespmem:$0x14180] =	vst v63  }
0xcd: {  	_ =	swait.ge [sflag:s7], $0x4000  }
0xce: {  	[sflag:s7] =	ssyncset.done $0x0  }
0xcf: {  	[sflag:s7] =	ssyncadd.s32 $0xFFFFC000  }
0xd0: {  	[spmem:s1] =	stream.indirect.scatter.add.f32 [tilespmem:s6], [sflag:$0x1], $0x80, s10, s10, $0xb8;
	[tilespmem:$0x14180] =	vst v63  }
0xd1: {  	_ =	swait.ge [sflag:s7], $0x4000  }
0xd2: {  	[sflag:s7] =	ssyncset.done $0x0  }
0xd3: {  	[sflag:s7] =	ssyncadd.s32 $0xFFFFC000  }
0xd4: {  	[tilespmem:s2], [sflag:$0x1] =	stream.linear.gather [hbm4b:s11+s2], $0x80, $0x38;
	[tilespmem:$0x14180] =	vst v63  }
0xd5: {  	_ =	swait.ge [sflag:s7], $0x80  }
0xd6: {  	[sflag:s7] =	ssyncset.done $0x0  }
0xd7: {  	[sflag:s7] =	ssyncadd.s32 $0xFFFFFF80  }
0xd8: {  	[tilespmem:s10], [sflag:$0x1] =	stream.linear.gather [hbm4b:s12+s2], $0x80, $0x38;
	[tilespmem:$0x14180] =	vst v63  }
0xd9: {  	_ =	swait.ge [sflag:s7], $0x80  }
0xda: {  	[sflag:s7] =	ssyncset.done $0x0  }
0xdb: {  	[sflag:s7] =	ssyncadd.s32 $0xFFFFFF80  }
0xdc: {  	[spmem:s1] =	stream.indirect.scatter.add.f32 [tilespmem:s6], [sflag:$0x1], $0x80, s2, s10, $0xb8;
	[tilespmem:$0x14180] =	vst v63  }
0xdd: {  	_ =	swait.ge [sflag:s7], $0x4000  }
0xde: {  	[sflag:s7] =	ssyncset.done $0x0  }
0xdf: {  	[sflag:s7] =	ssyncadd.s32 $0xFFFFC000  }
0xe0: {  	[spmem:s1] =	stream.indirect.scatter.add.f32 [tilespmem:s6], [sflag:$0x1], $0x80, s10, s10, $0xb8;
	[tilespmem:$0x14180] =	vst v63  }
0xe1: {  	_ =	swait.ge [sflag:s7], $0x4000  }
0xe2: {  	[sflag:s7] =	ssyncset.done $0x0  }
0xe3: {  	[sflag:s7] =	ssyncadd.s32 $0xFFFFC000  }
0xe4: {  	[tilespmem:s2], [sflag:$0x1] =	stream.linear.gather [hbm4b:s13+s2], $0x80, $0x38;
	[tilespmem:$0x14180] =	vst v63  }
0xe5: {  	_ =	swait.ge [sflag:s7], $0x80  }
0xe6: {  	[sflag:s7] =	ssyncset.done $0x0  }
0xe7: {  	[sflag:s7] =	ssyncadd.s32 $0xFFFFFF80  }
0xe8: {  	[tilespmem:s10], [sflag:$0x1] =	stream.linear.gather [hbm4b:s14+s2], $0x80, $0x38;
	[tilespmem:$0x14180] =	vst v63  }
0xe9: {  	_ =	swait.ge [sflag:s7], $0x80  }
0xea: {  	[sflag:s7] =	ssyncset.done $0x0  }
0xeb: {  	[sflag:s7] =	ssyncadd.s32 $0xFFFFFF80  }
0xec: {  	[spmem:s1] =	stream.indirect.scatter.add.f32 [tilespmem:s6], [sflag:$0x1], $0x80, s2, s10, $0xb8;
	[tilespmem:$0x14180] =	vst v63  }
0xed: {  	_ =	swait.ge [sflag:s7], $0x4000  }
0xee: {  	[sflag:s7] =	ssyncset.done $0x0  }
0xef: {  	[sflag:s7] =	ssyncadd.s32 $0xFFFFC000  }
0xf0: {  	[spmem:s1] =	stream.indirect.scatter.add.f32 [tilespmem:s6], [sflag:$0x1], $0x80, s10, s10, $0xb8;
	[tilespmem:$0x14180] =	vst v63  }
0xf1: {  	_ =	swait.ge [sflag:s7], $0x4000  }
0xf2: {  	[sflag:s7] =	ssyncset.done $0x0  }
0xf3: {  	[sflag:s7] =	ssyncadd.s32 $0xFFFFC000  }
0xf4: {  	[tilespmem:s2], [sflag:$0x1] =	stream.linear.gather [hbm4b:s15+s2], $0x80, $0x38;
	[tilespmem:$0x14180] =	vst v63  }
0xf5: {  	_ =	swait.ge [sflag:s7], $0x80  }
0xf6: {  	[sflag:s7] =	ssyncset.done $0x0  }
0xf7: {  	[sflag:s7] =	ssyncadd.s32 $0xFFFFFF80  }
0xf8: {  	[tilespmem:s10], [sflag:$0x1] =	stream.linear.gather [hbm4b:s16+s2], $0x80, $0x38;
	[tilespmem:$0x14180] =	vst v63  }
0xf9: {  	_ =	swait.ge [sflag:s7], $0x80  }
0xfa: {  	[sflag:s7] =	ssyncset.done $0x0  }
0xfb: {  	[sflag:s7] =	ssyncadd.s32 $0xFFFFFF80  }
0xfc: {  	[spmem:s1] =	stream.indirect.scatter.add.f32 [tilespmem:s6], [sflag:$0x1], $0x80, s2, s10, $0xb8;
	[tilespmem:$0x14180] =	vst v63  }
0xfd: {  	_ =	swait.ge [sflag:s7], $0x4000  }
0xfe: {  	[sflag:s7] =	ssyncset.done $0x0  }
0xff: {  	[sflag:s7] =	ssyncadd.s32 $0xFFFFC000  }
0x100: {  	[spmem:s1] =	stream.indirect.scatter.add.f32 [tilespmem:s6], [sflag:$0x1], $0x80, s10, s10, $0xb8;
	[tilespmem:$0x14180] =	vst v63  }
0x101: {  	_ =	swait.ge [sflag:s7], $0x4000  }
0x102: {  	[sflag:s7] =	ssyncset.done $0x0  }
0x103: {  	[sflag:s7] =	ssyncadd.s32 $0xFFFFC000  }
0x104: {  	[tilespmem:s2], [sflag:$0x1] =	stream.linear.gather [hbm4b:s17+s2], $0x80, $0x38;
	[tilespmem:$0x14180] =	vst v63  }
0x105: {  	_ =	swait.ge [sflag:s7], $0x80  }
0x106: {  	[sflag:s7] =	ssyncset.done $0x0  }
0x107: {  	[sflag:s7] =	ssyncadd.s32 $0xFFFFFF80  }
0x108: {  	[tilespmem:s10], [sflag:$0x1] =	stream.linear.gather [hbm4b:s18+s2], $0x80, $0x38;
	[tilespmem:$0x14180] =	vst v63  }
0x109: {  	_ =	swait.ge [sflag:s7], $0x80  }
0x10a: {  	[sflag:s7] =	ssyncset.done $0x0  }
0x10b: {  	[sflag:s7] =	ssyncadd.s32 $0xFFFFFF80  }
0x10c: {  	[spmem:s1] =	stream.indirect.scatter.add.f32 [tilespmem:s6], [sflag:$0x1], $0x80, s2, s10, $0xb8;
	[tilespmem:$0x14180] =	vst v63  }
0x10d: {  	_ =	swait.ge [sflag:s7], $0x4000  }
0x10e: {  	[sflag:s7] =	ssyncset.done $0x0  }
0x10f: {  	[sflag:s7] =	ssyncadd.s32 $0xFFFFC000  }
0x110: {  	[spmem:s1] =	stream.indirect.scatter.add.f32 [tilespmem:s6], [sflag:$0x1], $0x80, s10, s10, $0xb8;
	[tilespmem:$0x14180] =	vst v63  }
0x111: {  	_ =	swait.ge [sflag:s7], $0x4000  }
0x112: {  	[sflag:s7] =	ssyncset.done $0x0  }
0x113: {  	[sflag:s7] =	ssyncadd.s32 $0xFFFFC000  }
0x114: {  	[tilespmem:s2], [sflag:$0x1] =	stream.linear.gather [hbm4b:s19+s2], $0x80, $0x38;
	[tilespmem:$0x14180] =	vst v63  }
0x115: {  	_ =	swait.ge [sflag:s7], $0x80  }
0x116: {  	[sflag:s7] =	ssyncset.done $0x0  }
0x117: {  	[sflag:s7] =	ssyncadd.s32 $0xFFFFFF80  }
0x118: {  	[tilespmem:s10], [sflag:$0x1] =	stream.linear.gather [hbm4b:s20+s2], $0x80, $0x38;
	[tilespmem:$0x14180] =	vst v63  }
0x119: {  	_ =	swait.ge [sflag:s7], $0x80  }
0x11a: {  	[sflag:s7] =	ssyncset.done $0x0  }
0x11b: {  	[sflag:s7] =	ssyncadd.s32 $0xFFFFFF80  }
0x11c: {  	[spmem:s1] =	stream.indirect.scatter.add.f32 [tilespmem:s6], [sflag:$0x1], $0x80, s2, s10, $0xb8;
	[tilespmem:$0x14180] =	vst v63  }
0x11d: {  	_ =	swait.ge [sflag:s7], $0x4000  }
0x11e: {  	[sflag:s7] =	ssyncset.done $0x0  }
0x11f: {  	[sflag:s7] =	ssyncadd.s32 $0xFFFFC000  }
0x120: {  	[spmem:s1] =	stream.indirect.scatter.add.f32 [tilespmem:s6], [sflag:$0x1], $0x80, s10, s10, $0xb8;
	[tilespmem:$0x14180] =	vst v63  }
0x121: {  	_ =	swait.ge [sflag:s7], $0x4000  }
0x122: {  	[sflag:s7] =	ssyncset.done $0x0  }
0x123: {  	[sflag:s7] =	ssyncadd.s32 $0xFFFFC000  }
0x124: {  	[tilespmem:s2], [sflag:$0x1] =	stream.linear.gather [hbm4b:s21+s2], $0x80, $0x38;
	[tilespmem:$0x14180] =	vst v63  }
0x125: {  	_ =	swait.ge [sflag:s7], $0x80  }
0x126: {  	[sflag:s7] =	ssyncset.done $0x0  }
0x127: {  	[sflag:s7] =	ssyncadd.s32 $0xFFFFFF80  }
0x128: {  	[tilespmem:s10], [sflag:$0x1] =	stream.linear.gather [hbm4b:s22+s2], $0x80, $0x38;
	[tilespmem:$0x14180] =	vst v63  }
0x129: {  	_ =	swait.ge [sflag:s7], $0x80  }
0x12a: {  	[sflag:s7] =	ssyncset.done $0x0  }
0x12b: {  	[sflag:s7] =	ssyncadd.s32 $0xFFFFFF80  }
0x12c: {  	[spmem:s1] =	stream.indirect.scatter.add.f32 [tilespmem:s6], [sflag:$0x1], $0x80, s2, s10, $0xb8;
	[tilespmem:$0x14180] =	vst v63  }
0x12d: {  	_ =	swait.ge [sflag:s7], $0x4000  }
0x12e: {  	[sflag:s7] =	ssyncset.done $0x0  }
0x12f: {  	[sflag:s7] =	ssyncadd.s32 $0xFFFFC000  }
0x130: {  	[spmem:s1] =	stream.indirect.scatter.add.f32 [tilespmem:s6], [sflag:$0x1], $0x80, s10, s10, $0xb8;
	[tilespmem:$0x14180] =	vst v63  }
0x131: {  	_ =	swait.ge [sflag:s7], $0x4000  }
0x132: {  	[sflag:s7] =	ssyncset.done $0x0  }
0x133: {  	[sflag:s7] =	ssyncadd.s32 $0xFFFFC000  }
0x134: {  	[tilespmem:s2], [sflag:$0x1] =	stream.linear.gather [hbm4b:s23+s2], $0x80, $0x38;
	[tilespmem:$0x14180] =	vst v63  }
0x135: {  	_ =	swait.ge [sflag:s7], $0x80  }
0x136: {  	[sflag:s7] =	ssyncset.done $0x0  }
0x137: {  	[sflag:s7] =	ssyncadd.s32 $0xFFFFFF80  }
0x138: {  	[tilespmem:s10], [sflag:$0x1] =	stream.linear.gather [hbm4b:s24+s2], $0x80, $0x38;
	[tilespmem:$0x14180] =	vst v63  }
0x139: {  	_ =	swait.ge [sflag:s7], $0x80  }
0x13a: {  	[sflag:s7] =	ssyncset.done $0x0  }
0x13b: {  	[sflag:s7] =	ssyncadd.s32 $0xFFFFFF80  }
0x13c: {  	[spmem:s1] =	stream.indirect.scatter.add.f32 [tilespmem:s6], [sflag:$0x1], $0x80, s2, s10, $0xb8;
	[tilespmem:$0x14180] =	vst v63  }
0x13d: {  	_ =	swait.ge [sflag:s7], $0x4000  }
0x13e: {  	[sflag:s7] =	ssyncset.done $0x0  }
0x13f: {  	[sflag:s7] =	ssyncadd.s32 $0xFFFFC000  }
0x140: {  	[spmem:s1] =	stream.indirect.scatter.add.f32 [tilespmem:s6], [sflag:$0x1], $0x80, s10, s10, $0xb8;
	[tilespmem:$0x14180] =	vst v63  }
0x141: {  	_ =	swait.ge [sflag:s7], $0x4000  }
0x142: {  	[sflag:s7] =	ssyncset.done $0x0  }
0x143: {  	[sflag:s7] =	ssyncadd.s32 $0xFFFFC000  }
0x144: {  	[tilespmem:s2], [sflag:$0x1] =	stream.linear.gather [hbm4b:s25+s2], $0x80, $0x38;
	[tilespmem:$0x14180] =	vst v63  }
0x145: {  	_ =	swait.ge [sflag:s7], $0x80  }
0x146: {  	[sflag:s7] =	ssyncset.done $0x0  }
0x147: {  	[sflag:s7] =	ssyncadd.s32 $0xFFFFFF80  }
0x148: {  	[tilespmem:s10], [sflag:$0x1] =	stream.linear.gather [hbm4b:s26+s2], $0x80, $0x38;
	[tilespmem:$0x14180] =	vst v63  }
0x149: {  	_ =	swait.ge [sflag:s7], $0x80  }
0x14a: {  	[sflag:s7] =	ssyncset.done $0x0  }
0x14b: {  	[sflag:s7] =	ssyncadd.s32 $0xFFFFFF80  }
0x14c: {  	[spmem:s1] =	stream.indirect.scatter.add.f32 [tilespmem:s6], [sflag:$0x1], $0x80, s2, s10, $0xb8;
	[tilespmem:$0x14180] =	vst v63  }
0x14d: {  	_ =	swait.ge [sflag:s7], $0x4000  }
0x14e: {  	[sflag:s7] =	ssyncset.done $0x0  }
0x14f: {  	[sflag:s7] =	ssyncadd.s32 $0xFFFFC000  }
0x150: {  	[spmem:s1] =	stream.indirect.scatter.add.f32 [tilespmem:s6], [sflag:$0x1], $0x80, s10, s10, $0xb8;
	[tilespmem:$0x14180] =	vst v63  }
0x151: {  	_ =	swait.ge [sflag:s7], $0x4000  }
0x152: {  	[sflag:s7] =	ssyncset.done $0x0  }
0x153: {  	[sflag:s7] =	ssyncadd.s32 $0xFFFFC000  }
0x154: {  	[tilespmem:s2], [sflag:$0x1] =	stream.linear.gather [hbm4b:s28+s2], $0x80, $0x38;
	[tilespmem:$0x14180] =	vst v63  }
0x155: {  	_ =	swait.ge [sflag:s7], $0x80  }
0x156: {  	[sflag:s7] =	ssyncset.done $0x0  }
0x157: {  	[sflag:s7] =	ssyncadd.s32 $0xFFFFFF80  }
0x158: {  	[tilespmem:s10], [sflag:$0x1] =	stream.linear.gather [hbm4b:s29+s2], $0x80, $0x38;
	[tilespmem:$0x14180] =	vst v63  }
0x159: {  	_ =	swait.ge [sflag:s7], $0x80  }
0x15a: {  	[sflag:s7] =	ssyncset.done $0x0  }
0x15b: {  	[sflag:s7] =	ssyncadd.s32 $0xFFFFFF80  }
0x15c: {  	[spmem:s1] =	stream.indirect.scatter.add.f32 [tilespmem:s6], [sflag:$0x1], $0x80, s2, s10, $0xb8;
	[tilespmem:$0x14180] =	vst v63  }
0x15d: {  	_ =	swait.ge [sflag:s7], $0x4000  }
0x15e: {  	[sflag:s7] =	ssyncset.done $0x0  }
0x15f: {  	s31 =	sadd.s32 $0xFFFFFFFF, s31;
	[sflag:s7] =	ssyncadd.s32 $0xFFFFC000  }
0x160: {  	[spmem:s1] =	stream.indirect.scatter.add.f32 [tilespmem:s6], [sflag:$0x1], $0x80, s10, s10, $0xb8;
	[tilespmem:$0x14180] =	vst v63  }
0x161: {  	p1 =	sne.s32 s31, $0x0;
	_ =	swait.ge [sflag:s7], $0x4000  }
.Ltmp1:
0x162: {  	[sflag:s7] =	ssyncset.done $0x0;
	(pc) =	sbr.rel @p1 .LBB2_2-.Ltmp1, $4  }
0x163: {  	[sflag:s7] =	ssyncadd.s32 $0xFFFFC000  }
0x164: {  	[bflag:$0x0] =	sbarrier.arrive $0xFFFF  }
0x165: {  	[hbm:s30], [sflag:s5] =	dma.local @!p0 [spmem:s4], $0x20100  }
0x166: {  	_ =	swait.ge @!p0 [sflag:s0], $0x20100  }
.LBB2_3:
0x167: {  	[sflag:s0] =	ssyncset.done @!p0 $0x0  }
0x168: {  	[sflag:s0] =	ssyncadd.s32 @!p0 $0xFFFDFF00  }
0x169: {  	_ =	sfence.sel $0x180000  }
0x16a: {  	[bflag:$0x0] =	sbarrier.arrive $0xFFFF  }
0x16b: {  	_ =	strace $0x90000047  }
0x16c: {  	[bflag:$0x2] =	sbarrier.arrive $0xFFFF  }
0x16d: {  	s0 =	rddreg [dreg:$0x3]  }
0x16e: {  	s0 =	sadd.s32 @!p0 $0x100000, s0  }
0x16f: {  	[sflag:s0] =	ssyncadd.tile.s32 @!p0 $0x1;
	_ =	shalt  }
.LBB2_1:
.Ltmp2:
0x170: {  	(pc) =	sbr.rel .LBB2_3-.Ltmp2, $2  }
0x171: {  	_ =	sdelay $0x2  }
0x172: {  	s0 =	simm.s32 @!p0 $0x1  }
.Lfunc_end2:
_tile_overlayer_lowered:
.L_overlay_start_2:
0x173: {  	(tag) =	ssettag $0x2  }
0x174: {  	s0 =	rddreg [dreg:$0x0];
	s2 =	stileid.u32  }
0x175: {  	s1 =	rddreg [dreg:$0x1];
	p0 =	sne.s32 s2, $0x0  }
0x176: {  	s3 =	rddreg [dreg:$0x2];
	[bflag:$0x3] =	sbarrier.arrive $0xFFFF;
	s2 =	simm.s32 @!p0 $0x1C01  }
0x177: {  	[timem:s3], [sflag:s2] =	dma.local @!p0 [hbm:s0], s1  }
0x178: {  	s0 =	simm.s32 @!p0 $0x1  }
0x179: {  	_ =	swait.ge @!p0 [sflag:s0], s1  }
0x17a: {  	s1 =	ssub.s32 @!p0 $0x0, s1;
	[sflag:s0] =	ssyncset.done @!p0 $0x0  }
0x17b: {  	[sflag:s0] =	ssyncadd.s32 @!p0 s1  }
0x17c: {  	[bflag:$0x3] =	sbarrier.arrive $0xFFFF  }
0x17d: {  	_ =	shalt  }

</sc_bundles>
